<compile_context>
chip_gen: v7x
topology: tpu7x:2x2x1
jax: 0.10.2.dev20260603
libtpu: 0.0.44.dev20260713+nightly
codegen_flags: <defaults>
</compile_context>

<pallas_src>
import functools

import jax
import jax.numpy as jnp
from jax import lax
from jax.experimental import pallas as pl
from jax.experimental.pallas import tpu as pltpu
from jax.experimental.pallas import tpu_sc as plsc

BATCH = 16384
N_CONT = 13
N_CAT = 26
VOCAB = 100000
EMB = 64

NUM_CORES = 2
NUM_SUBCORES = 16
NW = NUM_CORES * NUM_SUBCORES
ROWS_PER_W = BATCH // NW
BLOCK = 64
HALF = ROWS_PER_W // 2
HALF_BLOCKS = HALF // BLOCK


def _make_kernel():
    mesh = plsc.VectorSubcoreMesh(core_axis_name="c", subcore_axis_name="s")

    @functools.partial(
        pl.kernel,
        mesh=mesh,
        out_type=jax.ShapeDtypeStruct((N_CAT, BATCH, EMB), jnp.float32),
        scratch_types=[
            pltpu.VMEM((N_CAT, ROWS_PER_W), jnp.int32),
            pltpu.VMEM((2, HALF, EMB), jnp.float32),
            pltpu.SemaphoreType.DMA,
            pltpu.SemaphoreType.DMA,
        ],
    )
    def emb_kernel(xcat_hbm, table_hbm, out_hbm, idx_v, rows_v, gsem, wsem):
        wid = lax.axis_index("s") * NUM_CORES + lax.axis_index("c")
        base = wid * ROWS_PER_W
        pltpu.sync_copy(xcat_hbm.at[wid], idx_v)

        def drain_gather_block():
            pltpu.make_async_copy(
                table_hbm.at[0, pl.ds(0, BLOCK), :],
                rows_v.at[0, pl.ds(0, BLOCK), :],
                gsem,
            ).wait()

        def drain_out_write():
            pltpu.make_async_copy(
                rows_v.at[0],
                out_hbm.at[0, pl.ds(0, HALF), :],
                wsem,
            ).wait()

        def per_half(t, carry):
            c = t // 2
            row0 = (t % 2) * HALF
            buf = t % 2

            @pl.when(t >= 2)
            def _():
                drain_out_write()

            def per_block(b, carry2):
                for v in range(BLOCK // 16):
                    off = b * BLOCK + v * 16
                    vec = idx_v[c, pl.ds(row0 + off, 16)]
                    for k in range(16):
                        pltpu.async_copy(
                            table_hbm.at[c, vec[k]],
                            rows_v.at[buf, off + k],
                            gsem,
                        )

                @pl.when(b >= 1)
                def _():
                    drain_gather_block()

                return carry2

            lax.fori_loop(0, HALF_BLOCKS, per_block, 0)
            drain_gather_block()
            pltpu.async_copy(
                rows_v.at[buf],
                out_hbm.at[c, pl.ds(base + row0, HALF), :],
                wsem,
            )
            return carry

        lax.fori_loop(0, 2 * N_CAT, per_half, 0)
        drain_out_write()
        drain_out_write()

    return emb_kernel


_emb_kernel = _make_kernel()


def kernel(x, tables):
    xcat = x[:, N_CONT:].reshape(NW, ROWS_PER_W, N_CAT).transpose(0, 2, 1)
    emb = _emb_kernel(xcat, tables)
    xcont = x[:, :N_CONT].astype(jnp.float32)
    return jnp.concatenate(
        [xcont, emb.transpose(1, 0, 2).reshape(BATCH, N_CAT * EMB)], axis=1)

# --- scband reference (transcript-rebuilt; emitter-appended) ---
"""Pipeline reference for scband-embedding-generator-12455405158794 (READ-ONLY COPY).

The authoritative reference and input builder live on the scoring server;
editing this copy changes nothing except your own understanding.
"""

import jax, jax.numpy as jnp
import numpy as np

BATCH = 16384
INPUT_DIM = 39
N_CONT = 13
N_CAT = 26
VOCAB = 100000
EMB = 64


def setup_inputs(seed: int = 0) -> dict:
    key = jax.random.key(seed)
    k1, k2 = jax.random.split(key)
    x = jax.random.randint(k1, (BATCH, INPUT_DIM), 0, VOCAB, dtype=jnp.int32)
    tables = jax.random.normal(k2, (N_CAT, VOCAB, EMB), dtype=jnp.float32) * 0.02
    return {"x": x, "tables": tables}


def reference(x, tables):
    # Faithful translation of EmbeddingGenerator.forward:
    # columns 0..12 are continuous (cast to float, keep as width-1 cols),
    # columns 13..38 are categorical -> embedding lookup into per-feature tables.
    cols = []
    cat_feat_counter = 0
    for feat_init_idx in range(INPUT_DIM):
        if feat_init_idx < N_CONT:
            cols.append(x[:, feat_init_idx].astype(jnp.float32)[:, None])
        else:
            idx = x[:, feat_init_idx]
            cols.append(jnp.take(tables[cat_feat_counter], idx, axis=0))
            cat_feat_counter += 1
    post_embeddings = jnp.concatenate(cols, axis=1)
    return post_embeddings

if __name__ == "__main__":
    import jax
    _d = setup_inputs()
    print(jax.jit(kernel)(*tuple(_d.values())))

</pallas_src>

<mosaic_0001>
#map = affine_map<(d0, d1) -> (0, 0, 0)>
module attributes {stable_mosaic.version = 14 : i64} {
  func.func @emb_kernel(%arg0: i32, %arg1: i32, %arg2: memref<32x26x512xi32, #tpu.memory_space<hbm>>, %arg3: memref<26x100000x64xf32, #tpu.memory_space<hbm>>, %arg4: memref<26x16384x64xf32, #tpu.memory_space<hbm>>, %arg5: memref<26x512xi32, #tpu.memory_space<vmem>>, %arg6: memref<2x256x64xf32, #tpu.memory_space<vmem>>, %arg7: memref<!tpu.dma_semaphore, #tpu.memory_space<semaphore_mem>>, %arg8: memref<!tpu.dma_semaphore, #tpu.memory_space<semaphore_mem>>) attributes {dimension_semantics = [#tpu.dimension_semantics<core_parallel>, #tpu.dimension_semantics<subcore_parallel>], iteration_bounds = array<i64: 2, 16>, scalar_prefetch = 0 : i64, scratch_operands = 4 : i64, tpu.core_type = #tpu.core_type<sc_vector_subcore>, window_params = [{transform_indices = #map}, {transform_indices = #map}, {transform_indices = #map}]} {
    %mul3A = arith.constant 2 : i32
    %mul3A_0 = arith.muli %arg1, %mul3A : i32
    %add3A = arith.addi %mul3A_0, %arg0 : i32
    %mul3A_1 = arith.constant 512 : i32
    %mul3A_2 = arith.muli %add3A, %mul3A_1 : i32
    "tpu.region"() ({
      %run_scoped3A = tpu.sem_alloc : memref<!tpu.dma_semaphore, #tpu.memory_space<semaphore_mem>>
      %dma_start3A = arith.constant 0 : i32
      %dma_start3A_43 = arith.constant 0 : i32
      %dma_start3A_44 = tpu.memref_slice %arg2[%add3A, %dma_start3A, %dma_start3A_43] : memref<32x26x512xi32, #tpu.memory_space<hbm>> -> memref<1x26x512xi32, #tpu.memory_space<hbm>>
      %dma_start3A_45 = tpu.memref_squeeze %dma_start3A_44 : memref<1x26x512xi32, #tpu.memory_space<hbm>> -> memref<26x512xi32, #tpu.memory_space<hbm>>
      %dma_start3A_46 = arith.constant 0 : i32
      %dma_start3A_47 = arith.constant 0 : i32
      %dma_start3A_48 = tpu.memref_slice %arg2[%add3A, %dma_start3A_46, %dma_start3A_47] : memref<32x26x512xi32, #tpu.memory_space<hbm>> -> memref<1x26x512xi32, #tpu.memory_space<hbm>>
      %dma_start3A_49 = tpu.memref_squeeze %dma_start3A_48 : memref<1x26x512xi32, #tpu.memory_space<hbm>> -> memref<26x512xi32, #tpu.memory_space<hbm>>
      tpu.enqueue_dma source(%dma_start3A_49 : memref<26x512xi32, #tpu.memory_space<hbm>>) target(%arg5 : memref<26x512xi32, #tpu.memory_space<vmem>>) target_semaphore(%run_scoped3A : memref<!tpu.dma_semaphore, #tpu.memory_space<semaphore_mem>>)
      %dma_wait3A_50 = arith.constant 0 : i32
      %dma_wait3A_51 = arith.constant 0 : i32
      %dma_wait3A_52 = tpu.memref_slice %arg2[%add3A, %dma_wait3A_50, %dma_wait3A_51] : memref<32x26x512xi32, #tpu.memory_space<hbm>> -> memref<1x26x512xi32, #tpu.memory_space<hbm>>
      %dma_wait3A_53 = tpu.memref_squeeze %dma_wait3A_52 : memref<1x26x512xi32, #tpu.memory_space<hbm>> -> memref<26x512xi32, #tpu.memory_space<hbm>>
      %dma_wait3A_54 = arith.constant 0 : i32
      %dma_wait3A_55 = arith.constant 0 : i32
      %dma_wait3A_56 = tpu.memref_slice %arg2[%add3A, %dma_wait3A_54, %dma_wait3A_55] : memref<32x26x512xi32, #tpu.memory_space<hbm>> -> memref<1x26x512xi32, #tpu.memory_space<hbm>>
      %dma_wait3A_57 = tpu.memref_squeeze %dma_wait3A_56 : memref<1x26x512xi32, #tpu.memory_space<hbm>> -> memref<26x512xi32, #tpu.memory_space<hbm>>
      tpu.wait_dma2 semaphore(%run_scoped3A : memref<!tpu.dma_semaphore, #tpu.memory_space<semaphore_mem>>) src(%dma_wait3A_57 : memref<26x512xi32, #tpu.memory_space<hbm>>) dst(%arg5 : memref<26x512xi32, #tpu.memory_space<vmem>>)
      tpu.yield
    }) : () -> ()
    %scan3A = arith.constant 0 : i32
    %scan3A_3 = arith.constant 0 : i32
    %scan3A_4 = arith.constant 52 : i32
    %scan3A_5 = arith.addi %scan3A_3, %scan3A_4 : i32
    %scan3A_6 = arith.constant 1 : i32
    scf.for %scan3A_43 = %scan3A_3 to %scan3A_5 step %scan3A_6  : i32 {
      %jit3A = arith.constant 2 : i32
      %div3A = arith.divsi %scan3A_43, %jit3A : i32
      %sign3A = arith.constant 0 : i32
      %sign3A_44 = arith.cmpi sgt, %scan3A_43, %sign3A : i32
      %sign3A_45 = arith.extui %sign3A_44 : i1 to i32
      %sign3A_46 = arith.constant 0 : i32
      %sign3A_47 = arith.cmpi slt, %scan3A_43, %sign3A_46 : i32
      %sign3A_48 = arith.extui %sign3A_47 : i1 to i32
      %sign3A_49 = arith.subi %sign3A_45, %sign3A_48 : i32
      %sign3A_50 = arith.constant 0 : i32
      %sign3A_51 = arith.cmpi sgt, %jit3A, %sign3A_50 : i32
      %sign3A_52 = arith.extui %sign3A_51 : i1 to i32
      %sign3A_53 = arith.constant 0 : i32
      %sign3A_54 = arith.cmpi slt, %jit3A, %sign3A_53 : i32
      %sign3A_55 = arith.extui %sign3A_54 : i1 to i32
      %sign3A_56 = arith.subi %sign3A_52, %sign3A_55 : i32
      %ne3A = arith.cmpi ne, %sign3A_49, %sign3A_56 : i32
      %rem3A = arith.remsi %scan3A_43, %jit3A : i32
      %ne3A_57 = arith.constant 0 : i32
      %ne3A_58 = arith.cmpi ne, %rem3A, %ne3A_57 : i32
      %and3A = arith.andi %ne3A, %ne3A_58 : i1
      %sub3A = arith.constant 1 : i32
      %sub3A_59 = arith.subi %div3A, %sub3A : i32
      %select_n3A = arith.select %and3A, %sub3A_59, %div3A : i32
      %jit3A_60 = arith.constant 2 : i32
      %eq3A = arith.constant 0 : i32
      %eq3A_61 = arith.cmpi eq, %jit3A_60, %eq3A : i32
      %jit3A_62 = arith.constant 1 : i32
      %select_n3A_63 = arith.select %eq3A_61, %jit3A_62, %jit3A_60 : i32
      %rem3A_64 = arith.remsi %scan3A_43, %select_n3A_63 : i32
      %ne3A_65 = arith.constant 0 : i32
      %ne3A_66 = arith.cmpi ne, %rem3A_64, %ne3A_65 : i32
      %lt3A = arith.constant 0 : i32
      %lt3A_67 = arith.cmpi slt, %rem3A_64, %lt3A : i32
      %lt3A_68 = arith.constant 0 : i32
      %lt3A_69 = arith.cmpi slt, %select_n3A_63, %lt3A_68 : i32
      %ne3A_70 = arith.xori %lt3A_67, %lt3A_69 : i1
      %and3A_71 = arith.andi %ne3A_70, %ne3A_66 : i1
      %add3A_72 = arith.addi %rem3A_64, %select_n3A_63 : i32
      %select_n3A_73 = arith.select %and3A_71, %add3A_72, %rem3A_64 : i32
      %mul3A_74 = arith.constant 256 : i32
      %mul3A_75 = arith.muli %select_n3A_73, %mul3A_74 : i32
      %jit3A_76 = arith.constant 2 : i32
      %eq3A_77 = arith.constant 0 : i32
      %eq3A_78 = arith.cmpi eq, %jit3A_76, %eq3A_77 : i32
      %jit3A_79 = arith.constant 1 : i32
      %select_n3A_80 = arith.select %eq3A_78, %jit3A_79, %jit3A_76 : i32
      %rem3A_81 = arith.remsi %scan3A_43, %select_n3A_80 : i32
      %ne3A_82 = arith.constant 0 : i32
      %ne3A_83 = arith.cmpi ne, %rem3A_81, %ne3A_82 : i32
      %lt3A_84 = arith.constant 0 : i32
      %lt3A_85 = arith.cmpi slt, %rem3A_81, %lt3A_84 : i32
      %lt3A_86 = arith.constant 0 : i32
      %lt3A_87 = arith.cmpi slt, %select_n3A_80, %lt3A_86 : i32
      %ne3A_88 = arith.xori %lt3A_85, %lt3A_87 : i1
      %and3A_89 = arith.andi %ne3A_88, %ne3A_83 : i1
      %add3A_90 = arith.addi %rem3A_81, %select_n3A_80 : i32
      %select_n3A_91 = arith.select %and3A_89, %add3A_90, %rem3A_81 : i32
      %ge3A = arith.constant 2 : i32
      %ge3A_92 = arith.cmpi sge, %scan3A_43, %ge3A : i32
      %convert_element_type3A = arith.extui %ge3A_92 : i1 to i32
      %cond3A = arith.constant 0 : i32
      %cond3A_93 = arith.cmpi ne, %convert_element_type3A, %cond3A : i32
      scf.if %cond3A_93 {
        %dma_wait3A_132 = arith.constant 0 : i32
        %dma_wait3A_133 = arith.constant 0 : i32
        %dma_wait3A_134 = arith.constant 0 : i32
        %dma_wait3A_135 = arith.constant 0 : i32
        %dma_wait3A_136 = tpu.memref_slice %arg6[%dma_wait3A_132, %dma_wait3A_134, %dma_wait3A_135] : memref<2x256x64xf32, #tpu.memory_space<vmem>> -> memref<1x256x64xf32, #tpu.memory_space<vmem>>
        %dma_wait3A_137 = tpu.memref_squeeze %dma_wait3A_136 : memref<1x256x64xf32, #tpu.memory_space<vmem>> -> memref<256x64xf32, #tpu.memory_space<vmem>>
        %dma_wait3A_138 = arith.constant 0 : i32
        %dma_wait3A_139 = arith.constant 0 : i32
        %dma_wait3A_140 = tpu.memref_slice %arg4[%dma_wait3A_133, %dma_wait3A_138, %dma_wait3A_139] : memref<26x16384x64xf32, #tpu.memory_space<hbm>> -> memref<1x256x64xf32, #tpu.memory_space<hbm>>
        %dma_wait3A_141 = tpu.memref_squeeze %dma_wait3A_140 : memref<1x256x64xf32, #tpu.memory_space<hbm>> -> memref<256x64xf32, #tpu.memory_space<hbm>>
        %dma_wait3A_142 = arith.constant 0 : i32
        %dma_wait3A_143 = arith.constant 0 : i32
        %dma_wait3A_144 = tpu.memref_slice %arg4[%dma_wait3A_133, %dma_wait3A_142, %dma_wait3A_143] : memref<26x16384x64xf32, #tpu.memory_space<hbm>> -> memref<1x256x64xf32, #tpu.memory_space<hbm>>
        %dma_wait3A_145 = tpu.memref_squeeze %dma_wait3A_144 : memref<1x256x64xf32, #tpu.memory_space<hbm>> -> memref<256x64xf32, #tpu.memory_space<hbm>>
        %dma_wait3A_146 = arith.constant 0 : i32
        %dma_wait3A_147 = arith.constant 0 : i32
        %dma_wait3A_148 = tpu.memref_slice %arg6[%dma_wait3A_132, %dma_wait3A_146, %dma_wait3A_147] : memref<2x256x64xf32, #tpu.memory_space<vmem>> -> memref<1x256x64xf32, #tpu.memory_space<vmem>>
        %dma_wait3A_149 = tpu.memref_squeeze %dma_wait3A_148 : memref<1x256x64xf32, #tpu.memory_space<vmem>> -> memref<256x64xf32, #tpu.memory_space<vmem>>
        tpu.wait_dma2 semaphore(%arg8 : memref<!tpu.dma_semaphore, #tpu.memory_space<semaphore_mem>>) src(%dma_wait3A_149 : memref<256x64xf32, #tpu.memory_space<vmem>>) dst(%dma_wait3A_145 : memref<256x64xf32, #tpu.memory_space<hbm>>)
      } else {
      }
      %scan3A_94 = arith.constant 0 : i32
      %scan3A_95 = arith.constant 0 : i32
      %scan3A_96 = arith.constant 4 : i32
      %scan3A_97 = arith.addi %scan3A_95, %scan3A_96 : i32
      %scan3A_98 = arith.constant 1 : i32
      scf.for %scan3A_132 = %scan3A_95 to %scan3A_97 step %scan3A_98  : i32 {
        %mul3A_133 = arith.constant 64 : i32
        %mul3A_134 = arith.muli %scan3A_132, %mul3A_133 : i32
        %add3A_135 = arith.constant 0 : i32
        %add3A_136 = arith.addi %mul3A_134, %add3A_135 : i32
        %add3A_137 = arith.addi %mul3A_75, %add3A_136 : i32
        %get3A = arith.index_cast %select_n3A : i32 to index
        %get3A_138 = arith.index_cast %add3A_137 : i32 to index
        %get3A_139 = tpu.vector_load %arg5[%get3A, %get3A_138] {strides = array<i32>} : memref<26x512xi32, #tpu.memory_space<vmem>>, vector<1x16xi32>,
        %get3A_140 = vector.shape_cast %get3A_139 : vector<1x16xi32> to vector<16xi32>
        %slice3A = vector.extract_strided_slice %get3A_140 {offsets = [0], sizes = [1], strides = [1]} : vector<16xi32> to vector<1xi32>
        %squeeze3A = vector.extract %slice3A[0] : i32 from vector<1xi32>
        %add3A_141 = arith.constant 0 : i32
        %add3A_142 = arith.addi %add3A_136, %add3A_141 : i32
        %dma_start3A_143 = arith.constant 0 : i32
        %dma_start3A_144 = tpu.memref_slice %arg6[%select_n3A_91, %add3A_142, %dma_start3A_143] : memref<2x256x64xf32, #tpu.memory_space<vmem>> -> memref<1x1x64xf32, #tpu.memory_space<vmem>>
        %dma_start3A_145 = tpu.memref_squeeze %dma_start3A_144 : memref<1x1x64xf32, #tpu.memory_space<vmem>> -> memref<64xf32, #tpu.memory_space<vmem>>
        %dma_start3A_146 = arith.constant 0 : i32
        %dma_start3A_147 = tpu.memref_slice %arg3[%select_n3A, %squeeze3A, %dma_start3A_146] : memref<26x100000x64xf32, #tpu.memory_space<hbm>> -> memref<1x1x64xf32, #tpu.memory_space<hbm>>
        %dma_start3A_148 = tpu.memref_squeeze %dma_start3A_147 : memref<1x1x64xf32, #tpu.memory_space<hbm>> -> memref<64xf32, #tpu.memory_space<hbm>>
        %dma_start3A_149 = arith.constant 0 : i32
        %dma_start3A_150 = tpu.memref_slice %arg6[%select_n3A_91, %add3A_142, %dma_start3A_149] : memref<2x256x64xf32, #tpu.memory_space<vmem>> -> memref<1x1x64xf32, #tpu.memory_space<vmem>>
        %dma_start3A_151 = tpu.memref_squeeze %dma_start3A_150 : memref<1x1x64xf32, #tpu.memory_space<vmem>> -> memref<64xf32, #tpu.memory_space<vmem>>
        %dma_start3A_152 = arith.constant 0 : i32
        %dma_start3A_153 = tpu.memref_slice %arg3[%select_n3A, %squeeze3A, %dma_start3A_152] : memref<26x100000x64xf32, #tpu.memory_space<hbm>> -> memref<1x1x64xf32, #tpu.memory_space<hbm>>
        %dma_start3A_154 = tpu.memref_squeeze %dma_start3A_153 : memref<1x1x64xf32, #tpu.memory_space<hbm>> -> memref<64xf32, #tpu.memory_space<hbm>>
        tpu.enqueue_dma source(%dma_start3A_154 : memref<64xf32, #tpu.memory_space<hbm>>) target(%dma_start3A_151 : memref<64xf32, #tpu.memory_space<vmem>>) target_semaphore(%arg7 : memref<!tpu.dma_semaphore, #tpu.memory_space<semaphore_mem>>)
        %slice3A_155 = vector.extract_strided_slice %get3A_140 {offsets = [1], sizes = [1], strides = [1]} : vector<16xi32> to vector<1xi32>
        %squeeze3A_156 = vector.extract %slice3A_155[0] : i32 from vector<1xi32>
        %add3A_157 = arith.constant 1 : i32
        %add3A_158 = arith.addi %add3A_136, %add3A_157 : i32
        %dma_start3A_159 = arith.constant 0 : i32
        %dma_start3A_160 = tpu.memref_slice %arg6[%select_n3A_91, %add3A_158, %dma_start3A_159] : memref<2x256x64xf32, #tpu.memory_space<vmem>> -> memref<1x1x64xf32, #tpu.memory_space<vmem>>
        %dma_start3A_161 = tpu.memref_squeeze %dma_start3A_160 : memref<1x1x64xf32, #tpu.memory_space<vmem>> -> memref<64xf32, #tpu.memory_space<vmem>>
        %dma_start3A_162 = arith.constant 0 : i32
        %dma_start3A_163 = tpu.memref_slice %arg3[%select_n3A, %squeeze3A_156, %dma_start3A_162] : memref<26x100000x64xf32, #tpu.memory_space<hbm>> -> memref<1x1x64xf32, #tpu.memory_space<hbm>>
        %dma_start3A_164 = tpu.memref_squeeze %dma_start3A_163 : memref<1x1x64xf32, #tpu.memory_space<hbm>> -> memref<64xf32, #tpu.memory_space<hbm>>
        %dma_start3A_165 = arith.constant 0 : i32
        %dma_start3A_166 = tpu.memref_slice %arg6[%select_n3A_91, %add3A_158, %dma_start3A_165] : memref<2x256x64xf32, #tpu.memory_space<vmem>> -> memref<1x1x64xf32, #tpu.memory_space<vmem>>
        %dma_start3A_167 = tpu.memref_squeeze %dma_start3A_166 : memref<1x1x64xf32, #tpu.memory_space<vmem>> -> memref<64xf32, #tpu.memory_space<vmem>>
        %dma_start3A_168 = arith.constant 0 : i32
        %dma_start3A_169 = tpu.memref_slice %arg3[%select_n3A, %squeeze3A_156, %dma_start3A_168] : memref<26x100000x64xf32, #tpu.memory_space<hbm>> -> memref<1x1x64xf32, #tpu.memory_space<hbm>>
        %dma_start3A_170 = tpu.memref_squeeze %dma_start3A_169 : memref<1x1x64xf32, #tpu.memory_space<hbm>> -> memref<64xf32, #tpu.memory_space<hbm>>
        tpu.enqueue_dma source(%dma_start3A_170 : memref<64xf32, #tpu.memory_space<hbm>>) target(%dma_start3A_167 : memref<64xf32, #tpu.memory_space<vmem>>) target_semaphore(%arg7 : memref<!tpu.dma_semaphore, #tpu.memory_space<semaphore_mem>>)
        %slice3A_171 = vector.extract_strided_slice %get3A_140 {offsets = [2], sizes = [1], strides = [1]} : vector<16xi32> to vector<1xi32>
        %squeeze3A_172 = vector.extract %slice3A_171[0] : i32 from vector<1xi32>
        %add3A_173 = arith.constant 2 : i32
        %add3A_174 = arith.addi %add3A_136, %add3A_173 : i32
        %dma_start3A_175 = arith.constant 0 : i32
        %dma_start3A_176 = tpu.memref_slice %arg6[%select_n3A_91, %add3A_174, %dma_start3A_175] : memref<2x256x64xf32, #tpu.memory_space<vmem>> -> memref<1x1x64xf32, #tpu.memory_space<vmem>>
        %dma_start3A_177 = tpu.memref_squeeze %dma_start3A_176 : memref<1x1x64xf32, #tpu.memory_space<vmem>> -> memref<64xf32, #tpu.memory_space<vmem>>
        %dma_start3A_178 = arith.constant 0 : i32
        %dma_start3A_179 = tpu.memref_slice %arg3[%select_n3A, %squeeze3A_172, %dma_start3A_178] : memref<26x100000x64xf32, #tpu.memory_space<hbm>> -> memref<1x1x64xf32, #tpu.memory_space<hbm>>
        %dma_start3A_180 = tpu.memref_squeeze %dma_start3A_179 : memref<1x1x64xf32, #tpu.memory_space<hbm>> -> memref<64xf32, #tpu.memory_space<hbm>>
        %dma_start3A_181 = arith.constant 0 : i32
        %dma_start3A_182 = tpu.memref_slice %arg6[%select_n3A_91, %add3A_174, %dma_start3A_181] : memref<2x256x64xf32, #tpu.memory_space<vmem>> -> memref<1x1x64xf32, #tpu.memory_space<vmem>>
        %dma_start3A_183 = tpu.memref_squeeze %dma_start3A_182 : memref<1x1x64xf32, #tpu.memory_space<vmem>> -> memref<64xf32, #tpu.memory_space<vmem>>
        %dma_start3A_184 = arith.constant 0 : i32
        %dma_start3A_185 = tpu.memref_slice %arg3[%select_n3A, %squeeze3A_172, %dma_start3A_184] : memref<26x100000x64xf32, #tpu.memory_space<hbm>> -> memref<1x1x64xf32, #tpu.memory_space<hbm>>
        %dma_start3A_186 = tpu.memref_squeeze %dma_start3A_185 : memref<1x1x64xf32, #tpu.memory_space<hbm>> -> memref<64xf32, #tpu.memory_space<hbm>>
        tpu.enqueue_dma source(%dma_start3A_186 : memref<64xf32, #tpu.memory_space<hbm>>) target(%dma_start3A_183 : memref<64xf32, #tpu.memory_space<vmem>>) target_semaphore(%arg7 : memref<!tpu.dma_semaphore, #tpu.memory_space<semaphore_mem>>)
        %slice3A_187 = vector.extract_strided_slice %get3A_140 {offsets = [3], sizes = [1], strides = [1]} : vector<16xi32> to vector<1xi32>
        %squeeze3A_188 = vector.extract %slice3A_187[0] : i32 from vector<1xi32>
        %add3A_189 = arith.constant 3 : i32
        %add3A_190 = arith.addi %add3A_136, %add3A_189 : i32
        %dma_start3A_191 = arith.constant 0 : i32
        %dma_start3A_192 = tpu.memref_slice %arg6[%select_n3A_91, %add3A_190, %dma_start3A_191] : memref<2x256x64xf32, #tpu.memory_space<vmem>> -> memref<1x1x64xf32, #tpu.memory_space<vmem>>
        %dma_start3A_193 = tpu.memref_squeeze %dma_start3A_192 : memref<1x1x64xf32, #tpu.memory_space<vmem>> -> memref<64xf32, #tpu.memory_space<vmem>>
        %dma_start3A_194 = arith.constant 0 : i32
        %dma_start3A_195 = tpu.memref_slice %arg3[%select_n3A, %squeeze3A_188, %dma_start3A_194] : memref<26x100000x64xf32, #tpu.memory_space<hbm>> -> memref<1x1x64xf32, #tpu.memory_space<hbm>>
        %dma_start3A_196 = tpu.memref_squeeze %dma_start3A_195 : memref<1x1x64xf32, #tpu.memory_space<hbm>> -> memref<64xf32, #tpu.memory_space<hbm>>
        %dma_start3A_197 = arith.constant 0 : i32
        %dma_start3A_198 = tpu.memref_slice %arg6[%select_n3A_91, %add3A_190, %dma_start3A_197] : memref<2x256x64xf32, #tpu.memory_space<vmem>> -> memref<1x1x64xf32, #tpu.memory_space<vmem>>
        %dma_start3A_199 = tpu.memref_squeeze %dma_start3A_198 : memref<1x1x64xf32, #tpu.memory_space<vmem>> -> memref<64xf32, #tpu.memory_space<vmem>>
        %dma_start3A_200 = arith.constant 0 : i32
        %dma_start3A_201 = tpu.memref_slice %arg3[%select_n3A, %squeeze3A_188, %dma_start3A_200] : memref<26x100000x64xf32, #tpu.memory_space<hbm>> -> memref<1x1x64xf32, #tpu.memory_space<hbm>>
        %dma_start3A_202 = tpu.memref_squeeze %dma_start3A_201 : memref<1x1x64xf32, #tpu.memory_space<hbm>> -> memref<64xf32, #tpu.memory_space<hbm>>
        tpu.enqueue_dma source(%dma_start3A_202 : memref<64xf32, #tpu.memory_space<hbm>>) target(%dma_start3A_199 : memref<64xf32, #tpu.memory_space<vmem>>) target_semaphore(%arg7 : memref<!tpu.dma_semaphore, #tpu.memory_space<semaphore_mem>>)
        %slice3A_203 = vector.extract_strided_slice %get3A_140 {offsets = [4], sizes = [1], strides = [1]} : vector<16xi32> to vector<1xi32>
        %squeeze3A_204 = vector.extract %slice3A_203[0] : i32 from vector<1xi32>
        %add3A_205 = arith.constant 4 : i32
        %add3A_206 = arith.addi %add3A_136, %add3A_205 : i32
        %dma_start3A_207 = arith.constant 0 : i32
        %dma_start3A_208 = tpu.memref_slice %arg6[%select_n3A_91, %add3A_206, %dma_start3A_207] : memref<2x256x64xf32, #tpu.memory_space<vmem>> -> memref<1x1x64xf32, #tpu.memory_space<vmem>>
        %dma_start3A_209 = tpu.memref_squeeze %dma_start3A_208 : memref<1x1x64xf32, #tpu.memory_space<vmem>> -> memref<64xf32, #tpu.memory_space<vmem>>
        %dma_start3A_210 = arith.constant 0 : i32
        %dma_start3A_211 = tpu.memref_slice %arg3[%select_n3A, %squeeze3A_204, %dma_start3A_210] : memref<26x100000x64xf32, #tpu.memory_space<hbm>> -> memref<1x1x64xf32, #tpu.memory_space<hbm>>
        %dma_start3A_212 = tpu.memref_squeeze %dma_start3A_211 : memref<1x1x64xf32, #tpu.memory_space<hbm>> -> memref<64xf32, #tpu.memory_space<hbm>>
        %dma_start3A_213 = arith.constant 0 : i32
        %dma_start3A_214 = tpu.memref_slice %arg6[%select_n3A_91, %add3A_206, %dma_start3A_213] : memref<2x256x64xf32, #tpu.memory_space<vmem>> -> memref<1x1x64xf32, #tpu.memory_space<vmem>>
        %dma_start3A_215 = tpu.memref_squeeze %dma_start3A_214 : memref<1x1x64xf32, #tpu.memory_space<vmem>> -> memref<64xf32, #tpu.memory_space<vmem>>
        %dma_start3A_216 = arith.constant 0 : i32
        %dma_start3A_217 = tpu.memref_slice %arg3[%select_n3A, %squeeze3A_204, %dma_start3A_216] : memref<26x100000x64xf32, #tpu.memory_space<hbm>> -> memref<1x1x64xf32, #tpu.memory_space<hbm>>
        %dma_start3A_218 = tpu.memref_squeeze %dma_start3A_217 : memref<1x1x64xf32, #tpu.memory_space<hbm>> -> memref<64xf32, #tpu.memory_space<hbm>>
        tpu.enqueue_dma source(%dma_start3A_218 : memref<64xf32, #tpu.memory_space<hbm>>) target(%dma_start3A_215 : memref<64xf32, #tpu.memory_space<vmem>>) target_semaphore(%arg7 : memref<!tpu.dma_semaphore, #tpu.memory_space<semaphore_mem>>)
        %slice3A_219 = vector.extract_strided_slice %get3A_140 {offsets = [5], sizes = [1], strides = [1]} : vector<16xi32> to vector<1xi32>
        %squeeze3A_220 = vector.extract %slice3A_219[0] : i32 from vector<1xi32>
        %add3A_221 = arith.constant 5 : i32
        %add3A_222 = arith.addi %add3A_136, %add3A_221 : i32
        %dma_start3A_223 = arith.constant 0 : i32
        %dma_start3A_224 = tpu.memref_slice %arg6[%select_n3A_91, %add3A_222, %dma_start3A_223] : memref<2x256x64xf32, #tpu.memory_space<vmem>> -> memref<1x1x64xf32, #tpu.memory_space<vmem>>
        %dma_start3A_225 = tpu.memref_squeeze %dma_start3A_224 : memref<1x1x64xf32, #tpu.memory_space<vmem>> -> memref<64xf32, #tpu.memory_space<vmem>>
        %dma_start3A_226 = arith.constant 0 : i32
        %dma_start3A_227 = tpu.memref_slice %arg3[%select_n3A, %squeeze3A_220, %dma_start3A_226] : memref<26x100000x64xf32, #tpu.memory_space<hbm>> -> memref<1x1x64xf32, #tpu.memory_space<hbm>>
        %dma_start3A_228 = tpu.memref_squeeze %dma_start3A_227 : memref<1x1x64xf32, #tpu.memory_space<hbm>> -> memref<64xf32, #tpu.memory_space<hbm>>
        %dma_start3A_229 = arith.constant 0 : i32
        %dma_start3A_230 = tpu.memref_slice %arg6[%select_n3A_91, %add3A_222, %dma_start3A_229] : memref<2x256x64xf32, #tpu.memory_space<vmem>> -> memref<1x1x64xf32, #tpu.memory_space<vmem>>
        %dma_start3A_231 = tpu.memref_squeeze %dma_start3A_230 : memref<1x1x64xf32, #tpu.memory_space<vmem>> -> memref<64xf32, #tpu.memory_space<vmem>>
        %dma_start3A_232 = arith.constant 0 : i32
        %dma_start3A_233 = tpu.memref_slice %arg3[%select_n3A, %squeeze3A_220, %dma_start3A_232] : memref<26x100000x64xf32, #tpu.memory_space<hbm>> -> memref<1x1x64xf32, #tpu.memory_space<hbm>>
        %dma_start3A_234 = tpu.memref_squeeze %dma_start3A_233 : memref<1x1x64xf32, #tpu.memory_space<hbm>> -> memref<64xf32, #tpu.memory_space<hbm>>
        tpu.enqueue_dma source(%dma_start3A_234 : memref<64xf32, #tpu.memory_space<hbm>>) target(%dma_start3A_231 : memref<64xf32, #tpu.memory_space<vmem>>) target_semaphore(%arg7 : memref<!tpu.dma_semaphore, #tpu.memory_space<semaphore_mem>>)
        %slice3A_235 = vector.extract_strided_slice %get3A_140 {offsets = [6], sizes = [1], strides = [1]} : vector<16xi32> to vector<1xi32>
        %squeeze3A_236 = vector.extract %slice3A_235[0] : i32 from vector<1xi32>
        %add3A_237 = arith.constant 6 : i32
        %add3A_238 = arith.addi %add3A_136, %add3A_237 : i32
        %dma_start3A_239 = arith.constant 0 : i32
        %dma_start3A_240 = tpu.memref_slice %arg6[%select_n3A_91, %add3A_238, %dma_start3A_239] : memref<2x256x64xf32, #tpu.memory_space<vmem>> -> memref<1x1x64xf32, #tpu.memory_space<vmem>>
        %dma_start3A_241 = tpu.memref_squeeze %dma_start3A_240 : memref<1x1x64xf32, #tpu.memory_space<vmem>> -> memref<64xf32, #tpu.memory_space<vmem>>
        %dma_start3A_242 = arith.constant 0 : i32
        %dma_start3A_243 = tpu.memref_slice %arg3[%select_n3A, %squeeze3A_236, %dma_start3A_242] : memref<26x100000x64xf32, #tpu.memory_space<hbm>> -> memref<1x1x64xf32, #tpu.memory_space<hbm>>
        %dma_start3A_244 = tpu.memref_squeeze %dma_start3A_243 : memref<1x1x64xf32, #tpu.memory_space<hbm>> -> memref<64xf32, #tpu.memory_space<hbm>>
        %dma_start3A_245 = arith.constant 0 : i32
        %dma_start3A_246 = tpu.memref_slice %arg6[%select_n3A_91, %add3A_238, %dma_start3A_245] : memref<2x256x64xf32, #tpu.memory_space<vmem>> -> memref<1x1x64xf32, #tpu.memory_space<vmem>>
        %dma_start3A_247 = tpu.memref_squeeze %dma_start3A_246 : memref<1x1x64xf32, #tpu.memory_space<vmem>> -> memref<64xf32, #tpu.memory_space<vmem>>
        %dma_start3A_248 = arith.constant 0 : i32
        %dma_start3A_249 = tpu.memref_slice %arg3[%select_n3A, %squeeze3A_236, %dma_start3A_248] : memref<26x100000x64xf32, #tpu.memory_space<hbm>> -> memref<1x1x64xf32, #tpu.memory_space<hbm>>
        %dma_start3A_250 = tpu.memref_squeeze %dma_start3A_249 : memref<1x1x64xf32, #tpu.memory_space<hbm>> -> memref<64xf32, #tpu.memory_space<hbm>>
        tpu.enqueue_dma source(%dma_start3A_250 : memref<64xf32, #tpu.memory_space<hbm>>) target(%dma_start3A_247 : memref<64xf32, #tpu.memory_space<vmem>>) target_semaphore(%arg7 : memref<!tpu.dma_semaphore, #tpu.memory_space<semaphore_mem>>)
        %slice3A_251 = vector.extract_strided_slice %get3A_140 {offsets = [7], sizes = [1], strides = [1]} : vector<16xi32> to vector<1xi32>
        %squeeze3A_252 = vector.extract %slice3A_251[0] : i32 from vector<1xi32>
        %add3A_253 = arith.constant 7 : i32
        %add3A_254 = arith.addi %add3A_136, %add3A_253 : i32
        %dma_start3A_255 = arith.constant 0 : i32
        %dma_start3A_256 = tpu.memref_slice %arg6[%select_n3A_91, %add3A_254, %dma_start3A_255] : memref<2x256x64xf32, #tpu.memory_space<vmem>> -> memref<1x1x64xf32, #tpu.memory_space<vmem>>
        %dma_start3A_257 = tpu.memref_squeeze %dma_start3A_256 : memref<1x1x64xf32, #tpu.memory_space<vmem>> -> memref<64xf32, #tpu.memory_space<vmem>>
        %dma_start3A_258 = arith.constant 0 : i32
        %dma_start3A_259 = tpu.memref_slice %arg3[%select_n3A, %squeeze3A_252, %dma_start3A_258] : memref<26x100000x64xf32, #tpu.memory_space<hbm>> -> memref<1x1x64xf32, #tpu.memory_space<hbm>>
        %dma_start3A_260 = tpu.memref_squeeze %dma_start3A_259 : memref<1x1x64xf32, #tpu.memory_space<hbm>> -> memref<64xf32, #tpu.memory_space<hbm>>
        %dma_start3A_261 = arith.constant 0 : i32
        %dma_start3A_262 = tpu.memref_slice %arg6[%select_n3A_91, %add3A_254, %dma_start3A_261] : memref<2x256x64xf32, #tpu.memory_space<vmem>> -> memref<1x1x64xf32, #tpu.memory_space<vmem>>
        %dma_start3A_263 = tpu.memref_squeeze %dma_start3A_262 : memref<1x1x64xf32, #tpu.memory_space<vmem>> -> memref<64xf32, #tpu.memory_space<vmem>>
        %dma_start3A_264 = arith.constant 0 : i32
        %dma_start3A_265 = tpu.memref_slice %arg3[%select_n3A, %squeeze3A_252, %dma_start3A_264] : memref<26x100000x64xf32, #tpu.memory_space<hbm>> -> memref<1x1x64xf32, #tpu.memory_space<hbm>>
        %dma_start3A_266 = tpu.memref_squeeze %dma_start3A_265 : memref<1x1x64xf32, #tpu.memory_space<hbm>> -> memref<64xf32, #tpu.memory_space<hbm>>
        tpu.enqueue_dma source(%dma_start3A_266 : memref<64xf32, #tpu.memory_space<hbm>>) target(%dma_start3A_263 : memref<64xf32, #tpu.memory_space<vmem>>) target_semaphore(%arg7 : memref<!tpu.dma_semaphore, #tpu.memory_space<semaphore_mem>>)
        %slice3A_267 = vector.extract_strided_slice %get3A_140 {offsets = [8], sizes = [1], strides = [1]} : vector<16xi32> to vector<1xi32>
        %squeeze3A_268 = vector.extract %slice3A_267[0] : i32 from vector<1xi32>
        %add3A_269 = arith.constant 8 : i32
        %add3A_270 = arith.addi %add3A_136, %add3A_269 : i32
        %dma_start3A_271 = arith.constant 0 : i32
        %dma_start3A_272 = tpu.memref_slice %arg6[%select_n3A_91, %add3A_270, %dma_start3A_271] : memref<2x256x64xf32, #tpu.memory_space<vmem>> -> memref<1x1x64xf32, #tpu.memory_space<vmem>>
        %dma_start3A_273 = tpu.memref_squeeze %dma_start3A_272 : memref<1x1x64xf32, #tpu.memory_space<vmem>> -> memref<64xf32, #tpu.memory_space<vmem>>
        %dma_start3A_274 = arith.constant 0 : i32
        %dma_start3A_275 = tpu.memref_slice %arg3[%select_n3A, %squeeze3A_268, %dma_start3A_274] : memref<26x100000x64xf32, #tpu.memory_space<hbm>> -> memref<1x1x64xf32, #tpu.memory_space<hbm>>
        %dma_start3A_276 = tpu.memref_squeeze %dma_start3A_275 : memref<1x1x64xf32, #tpu.memory_space<hbm>> -> memref<64xf32, #tpu.memory_space<hbm>>
        %dma_start3A_277 = arith.constant 0 : i32
        %dma_start3A_278 = tpu.memref_slice %arg6[%select_n3A_91, %add3A_270, %dma_start3A_277] : memref<2x256x64xf32, #tpu.memory_space<vmem>> -> memref<1x1x64xf32, #tpu.memory_space<vmem>>
        %dma_start3A_279 = tpu.memref_squeeze %dma_start3A_278 : memref<1x1x64xf32, #tpu.memory_space<vmem>> -> memref<64xf32, #tpu.memory_space<vmem>>
        %dma_start3A_280 = arith.constant 0 : i32
        %dma_start3A_281 = tpu.memref_slice %arg3[%select_n3A, %squeeze3A_268, %dma_start3A_280] : memref<26x100000x64xf32, #tpu.memory_space<hbm>> -> memref<1x1x64xf32, #tpu.memory_space<hbm>>
        %dma_start3A_282 = tpu.memref_squeeze %dma_start3A_281 : memref<1x1x64xf32, #tpu.memory_space<hbm>> -> memref<64xf32, #tpu.memory_space<hbm>>
        tpu.enqueue_dma source(%dma_start3A_282 : memref<64xf32, #tpu.memory_space<hbm>>) target(%dma_start3A_279 : memref<64xf32, #tpu.memory_space<vmem>>) target_semaphore(%arg7 : memref<!tpu.dma_semaphore, #tpu.memory_space<semaphore_mem>>)
        %slice3A_283 = vector.extract_strided_slice %get3A_140 {offsets = [9], sizes = [1], strides = [1]} : vector<16xi32> to vector<1xi32>
        %squeeze3A_284 = vector.extract %slice3A_283[0] : i32 from vector<1xi32>
        %add3A_285 = arith.constant 9 : i32
        %add3A_286 = arith.addi %add3A_136, %add3A_285 : i32
        %dma_start3A_287 = arith.constant 0 : i32
        %dma_start3A_288 = tpu.memref_slice %arg6[%select_n3A_91, %add3A_286, %dma_start3A_287] : memref<2x256x64xf32, #tpu.memory_space<vmem>> -> memref<1x1x64xf32, #tpu.memory_space<vmem>>
        %dma_start3A_289 = tpu.memref_squeeze %dma_start3A_288 : memref<1x1x64xf32, #tpu.memory_space<vmem>> -> memref<64xf32, #tpu.memory_space<vmem>>
        %dma_start3A_290 = arith.constant 0 : i32
        %dma_start3A_291 = tpu.memref_slice %arg3[%select_n3A, %squeeze3A_284, %dma_start3A_290] : memref<26x100000x64xf32, #tpu.memory_space<hbm>> -> memref<1x1x64xf32, #tpu.memory_space<hbm>>
        %dma_start3A_292 = tpu.memref_squeeze %dma_start3A_291 : memref<1x1x64xf32, #tpu.memory_space<hbm>> -> memref<64xf32, #tpu.memory_space<hbm>>
        %dma_start3A_293 = arith.constant 0 : i32
        %dma_start3A_294 = tpu.memref_slice %arg6[%select_n3A_91, %add3A_286, %dma_start3A_293] : memref<2x256x64xf32, #tpu.memory_space<vmem>> -> memref<1x1x64xf32, #tpu.memory_space<vmem>>
        %dma_start3A_295 = tpu.memref_squeeze %dma_start3A_294 : memref<1x1x64xf32, #tpu.memory_space<vmem>> -> memref<64xf32, #tpu.memory_space<vmem>>
        %dma_start3A_296 = arith.constant 0 : i32
        %dma_start3A_297 = tpu.memref_slice %arg3[%select_n3A, %squeeze3A_284, %dma_start3A_296] : memref<26x100000x64xf32, #tpu.memory_space<hbm>> -> memref<1x1x64xf32, #tpu.memory_space<hbm>>
        %dma_start3A_298 = tpu.memref_squeeze %dma_start3A_297 : memref<1x1x64xf32, #tpu.memory_space<hbm>> -> memref<64xf32, #tpu.memory_space<hbm>>
        tpu.enqueue_dma source(%dma_start3A_298 : memref<64xf32, #tpu.memory_space<hbm>>) target(%dma_start3A_295 : memref<64xf32, #tpu.memory_space<vmem>>) target_semaphore(%arg7 : memref<!tpu.dma_semaphore, #tpu.memory_space<semaphore_mem>>)
        %slice3A_299 = vector.extract_strided_slice %get3A_140 {offsets = [10], sizes = [1], strides = [1]} : vector<16xi32> to vector<1xi32>
        %squeeze3A_300 = vector.extract %slice3A_299[0] : i32 from vector<1xi32>
        %add3A_301 = arith.constant 10 : i32
        %add3A_302 = arith.addi %add3A_136, %add3A_301 : i32
        %dma_start3A_303 = arith.constant 0 : i32
        %dma_start3A_304 = tpu.memref_slice %arg6[%select_n3A_91, %add3A_302, %dma_start3A_303] : memref<2x256x64xf32, #tpu.memory_space<vmem>> -> memref<1x1x64xf32, #tpu.memory_space<vmem>>
        %dma_start3A_305 = tpu.memref_squeeze %dma_start3A_304 : memref<1x1x64xf32, #tpu.memory_space<vmem>> -> memref<64xf32, #tpu.memory_space<vmem>>
        %dma_start3A_306 = arith.constant 0 : i32
        %dma_start3A_307 = tpu.memref_slice %arg3[%select_n3A, %squeeze3A_300, %dma_start3A_306] : memref<26x100000x64xf32, #tpu.memory_space<hbm>> -> memref<1x1x64xf32, #tpu.memory_space<hbm>>
        %dma_start3A_308 = tpu.memref_squeeze %dma_start3A_307 : memref<1x1x64xf32, #tpu.memory_space<hbm>> -> memref<64xf32, #tpu.memory_space<hbm>>
        %dma_start3A_309 = arith.constant 0 : i32
        %dma_start3A_310 = tpu.memref_slice %arg6[%select_n3A_91, %add3A_302, %dma_start3A_309] : memref<2x256x64xf32, #tpu.memory_space<vmem>> -> memref<1x1x64xf32, #tpu.memory_space<vmem>>
        %dma_start3A_311 = tpu.memref_squeeze %dma_start3A_310 : memref<1x1x64xf32, #tpu.memory_space<vmem>> -> memref<64xf32, #tpu.memory_space<vmem>>
        %dma_start3A_312 = arith.constant 0 : i32
        %dma_start3A_313 = tpu.memref_slice %arg3[%select_n3A, %squeeze3A_300, %dma_start3A_312] : memref<26x100000x64xf32, #tpu.memory_space<hbm>> -> memref<1x1x64xf32, #tpu.memory_space<hbm>>
        %dma_start3A_314 = tpu.memref_squeeze %dma_start3A_313 : memref<1x1x64xf32, #tpu.memory_space<hbm>> -> memref<64xf32, #tpu.memory_space<hbm>>
        tpu.enqueue_dma source(%dma_start3A_314 : memref<64xf32, #tpu.memory_space<hbm>>) target(%dma_start3A_311 : memref<64xf32, #tpu.memory_space<vmem>>) target_semaphore(%arg7 : memref<!tpu.dma_semaphore, #tpu.memory_space<semaphore_mem>>)
        %slice3A_315 = vector.extract_strided_slice %get3A_140 {offsets = [11], sizes = [1], strides = [1]} : vector<16xi32> to vector<1xi32>
        %squeeze3A_316 = vector.extract %slice3A_315[0] : i32 from vector<1xi32>
        %add3A_317 = arith.constant 11 : i32
        %add3A_318 = arith.addi %add3A_136, %add3A_317 : i32
        %dma_start3A_319 = arith.constant 0 : i32
        %dma_start3A_320 = tpu.memref_slice %arg6[%select_n3A_91, %add3A_318, %dma_start3A_319] : memref<2x256x64xf32, #tpu.memory_space<vmem>> -> memref<1x1x64xf32, #tpu.memory_space<vmem>>
        %dma_start3A_321 = tpu.memref_squeeze %dma_start3A_320 : memref<1x1x64xf32, #tpu.memory_space<vmem>> -> memref<64xf32, #tpu.memory_space<vmem>>
        %dma_start3A_322 = arith.constant 0 : i32
        %dma_start3A_323 = tpu.memref_slice %arg3[%select_n3A, %squeeze3A_316, %dma_start3A_322] : memref<26x100000x64xf32, #tpu.memory_space<hbm>> -> memref<1x1x64xf32, #tpu.memory_space<hbm>>
        %dma_start3A_324 = tpu.memref_squeeze %dma_start3A_323 : memref<1x1x64xf32, #tpu.memory_space<hbm>> -> memref<64xf32, #tpu.memory_space<hbm>>
        %dma_start3A_325 = arith.constant 0 : i32
        %dma_start3A_326 = tpu.memref_slice %arg6[%select_n3A_91, %add3A_318, %dma_start3A_325] : memref<2x256x64xf32, #tpu.memory_space<vmem>> -> memref<1x1x64xf32, #tpu.memory_space<vmem>>
        %dma_start3A_327 = tpu.memref_squeeze %dma_start3A_326 : memref<1x1x64xf32, #tpu.memory_space<vmem>> -> memref<64xf32, #tpu.memory_space<vmem>>
        %dma_start3A_328 = arith.constant 0 : i32
        %dma_start3A_329 = tpu.memref_slice %arg3[%select_n3A, %squeeze3A_316, %dma_start3A_328] : memref<26x100000x64xf32, #tpu.memory_space<hbm>> -> memref<1x1x64xf32, #tpu.memory_space<hbm>>
        %dma_start3A_330 = tpu.memref_squeeze %dma_start3A_329 : memref<1x1x64xf32, #tpu.memory_space<hbm>> -> memref<64xf32, #tpu.memory_space<hbm>>
        tpu.enqueue_dma source(%dma_start3A_330 : memref<64xf32, #tpu.memory_space<hbm>>) target(%dma_start3A_327 : memref<64xf32, #tpu.memory_space<vmem>>) target_semaphore(%arg7 : memref<!tpu.dma_semaphore, #tpu.memory_space<semaphore_mem>>)
        %slice3A_331 = vector.extract_strided_slice %get3A_140 {offsets = [12], sizes = [1], strides = [1]} : vector<16xi32> to vector<1xi32>
        %squeeze3A_332 = vector.extract %slice3A_331[0] : i32 from vector<1xi32>
        %add3A_333 = arith.constant 12 : i32
        %add3A_334 = arith.addi %add3A_136, %add3A_333 : i32
        %dma_start3A_335 = arith.constant 0 : i32
        %dma_start3A_336 = tpu.memref_slice %arg6[%select_n3A_91, %add3A_334, %dma_start3A_335] : memref<2x256x64xf32, #tpu.memory_space<vmem>> -> memref<1x1x64xf32, #tpu.memory_space<vmem>>
        %dma_start3A_337 = tpu.memref_squeeze %dma_start3A_336 : memref<1x1x64xf32, #tpu.memory_space<vmem>> -> memref<64xf32, #tpu.memory_space<vmem>>
        %dma_start3A_338 = arith.constant 0 : i32
        %dma_start3A_339 = tpu.memref_slice %arg3[%select_n3A, %squeeze3A_332, %dma_start3A_338] : memref<26x100000x64xf32, #tpu.memory_space<hbm>> -> memref<1x1x64xf32, #tpu.memory_space<hbm>>
        %dma_start3A_340 = tpu.memref_squeeze %dma_start3A_339 : memref<1x1x64xf32, #tpu.memory_space<hbm>> -> memref<64xf32, #tpu.memory_space<hbm>>
        %dma_start3A_341 = arith.constant 0 : i32
        %dma_start3A_342 = tpu.memref_slice %arg6[%select_n3A_91, %add3A_334, %dma_start3A_341] : memref<2x256x64xf32, #tpu.memory_space<vmem>> -> memref<1x1x64xf32, #tpu.memory_space<vmem>>
        %dma_start3A_343 = tpu.memref_squeeze %dma_start3A_342 : memref<1x1x64xf32, #tpu.memory_space<vmem>> -> memref<64xf32, #tpu.memory_space<vmem>>
        %dma_start3A_344 = arith.constant 0 : i32
        %dma_start3A_345 = tpu.memref_slice %arg3[%select_n3A, %squeeze3A_332, %dma_start3A_344] : memref<26x100000x64xf32, #tpu.memory_space<hbm>> -> memref<1x1x64xf32, #tpu.memory_space<hbm>>
        %dma_start3A_346 = tpu.memref_squeeze %dma_start3A_345 : memref<1x1x64xf32, #tpu.memory_space<hbm>> -> memref<64xf32, #tpu.memory_space<hbm>>
        tpu.enqueue_dma source(%dma_start3A_346 : memref<64xf32, #tpu.memory_space<hbm>>) target(%dma_start3A_343 : memref<64xf32, #tpu.memory_space<vmem>>) target_semaphore(%arg7 : memref<!tpu.dma_semaphore, #tpu.memory_space<semaphore_mem>>)
        %slice3A_347 = vector.extract_strided_slice %get3A_140 {offsets = [13], sizes = [1], strides = [1]} : vector<16xi32> to vector<1xi32>
        %squeeze3A_348 = vector.extract %slice3A_347[0] : i32 from vector<1xi32>
        %add3A_349 = arith.constant 13 : i32
        %add3A_350 = arith.addi %add3A_136, %add3A_349 : i32
        %dma_start3A_351 = arith.constant 0 : i32
        %dma_start3A_352 = tpu.memref_slice %arg6[%select_n3A_91, %add3A_350, %dma_start3A_351] : memref<2x256x64xf32, #tpu.memory_space<vmem>> -> memref<1x1x64xf32, #tpu.memory_space<vmem>>
        %dma_start3A_353 = tpu.memref_squeeze %dma_start3A_352 : memref<1x1x64xf32, #tpu.memory_space<vmem>> -> memref<64xf32, #tpu.memory_space<vmem>>
        %dma_start3A_354 = arith.constant 0 : i32
        %dma_start3A_355 = tpu.memref_slice %arg3[%select_n3A, %squeeze3A_348, %dma_start3A_354] : memref<26x100000x64xf32, #tpu.memory_space<hbm>> -> memref<1x1x64xf32, #tpu.memory_space<hbm>>
        %dma_start3A_356 = tpu.memref_squeeze %dma_start3A_355 : memref<1x1x64xf32, #tpu.memory_space<hbm>> -> memref<64xf32, #tpu.memory_space<hbm>>
        %dma_start3A_357 = arith.constant 0 : i32
        %dma_start3A_358 = tpu.memref_slice %arg6[%select_n3A_91, %add3A_350, %dma_start3A_357] : memref<2x256x64xf32, #tpu.memory_space<vmem>> -> memref<1x1x64xf32, #tpu.memory_space<vmem>>
        %dma_start3A_359 = tpu.memref_squeeze %dma_start3A_358 : memref<1x1x64xf32, #tpu.memory_space<vmem>> -> memref<64xf32, #tpu.memory_space<vmem>>
        %dma_start3A_360 = arith.constant 0 : i32
        %dma_start3A_361 = tpu.memref_slice %arg3[%select_n3A, %squeeze3A_348, %dma_start3A_360] : memref<26x100000x64xf32, #tpu.memory_space<hbm>> -> memref<1x1x64xf32, #tpu.memory_space<hbm>>
        %dma_start3A_362 = tpu.memref_squeeze %dma_start3A_361 : memref<1x1x64xf32, #tpu.memory_space<hbm>> -> memref<64xf32, #tpu.memory_space<hbm>>
        tpu.enqueue_dma source(%dma_start3A_362 : memref<64xf32, #tpu.memory_space<hbm>>) target(%dma_start3A_359 : memref<64xf32, #tpu.memory_space<vmem>>) target_semaphore(%arg7 : memref<!tpu.dma_semaphore, #tpu.memory_space<semaphore_mem>>)
        %slice3A_363 = vector.extract_strided_slice %get3A_140 {offsets = [14], sizes = [1], strides = [1]} : vector<16xi32> to vector<1xi32>
        %squeeze3A_364 = vector.extract %slice3A_363[0] : i32 from vector<1xi32>
        %add3A_365 = arith.constant 14 : i32
        %add3A_366 = arith.addi %add3A_136, %add3A_365 : i32
        %dma_start3A_367 = arith.constant 0 : i32
        %dma_start3A_368 = tpu.memref_slice %arg6[%select_n3A_91, %add3A_366, %dma_start3A_367] : memref<2x256x64xf32, #tpu.memory_space<vmem>> -> memref<1x1x64xf32, #tpu.memory_space<vmem>>
        %dma_start3A_369 = tpu.memref_squeeze %dma_start3A_368 : memref<1x1x64xf32, #tpu.memory_space<vmem>> -> memref<64xf32, #tpu.memory_space<vmem>>
        %dma_start3A_370 = arith.constant 0 : i32
        %dma_start3A_371 = tpu.memref_slice %arg3[%select_n3A, %squeeze3A_364, %dma_start3A_370] : memref<26x100000x64xf32, #tpu.memory_space<hbm>> -> memref<1x1x64xf32, #tpu.memory_space<hbm>>
        %dma_start3A_372 = tpu.memref_squeeze %dma_start3A_371 : memref<1x1x64xf32, #tpu.memory_space<hbm>> -> memref<64xf32, #tpu.memory_space<hbm>>
        %dma_start3A_373 = arith.constant 0 : i32
        %dma_start3A_374 = tpu.memref_slice %arg6[%select_n3A_91, %add3A_366, %dma_start3A_373] : memref<2x256x64xf32, #tpu.memory_space<vmem>> -> memref<1x1x64xf32, #tpu.memory_space<vmem>>
        %dma_start3A_375 = tpu.memref_squeeze %dma_start3A_374 : memref<1x1x64xf32, #tpu.memory_space<vmem>> -> memref<64xf32, #tpu.memory_space<vmem>>
        %dma_start3A_376 = arith.constant 0 : i32
        %dma_start3A_377 = tpu.memref_slice %arg3[%select_n3A, %squeeze3A_364, %dma_start3A_376] : memref<26x100000x64xf32, #tpu.memory_space<hbm>> -> memref<1x1x64xf32, #tpu.memory_space<hbm>>
        %dma_start3A_378 = tpu.memref_squeeze %dma_start3A_377 : memref<1x1x64xf32, #tpu.memory_space<hbm>> -> memref<64xf32, #tpu.memory_space<hbm>>
        tpu.enqueue_dma source(%dma_start3A_378 : memref<64xf32, #tpu.memory_space<hbm>>) target(%dma_start3A_375 : memref<64xf32, #tpu.memory_space<vmem>>) target_semaphore(%arg7 : memref<!tpu.dma_semaphore, #tpu.memory_space<semaphore_mem>>)
        %slice3A_379 = vector.extract_strided_slice %get3A_140 {offsets = [15], sizes = [1], strides = [1]} : vector<16xi32> to vector<1xi32>
        %squeeze3A_380 = vector.extract %slice3A_379[0] : i32 from vector<1xi32>
        %add3A_381 = arith.constant 15 : i32
        %add3A_382 = arith.addi %add3A_136, %add3A_381 : i32
        %dma_start3A_383 = arith.constant 0 : i32
        %dma_start3A_384 = tpu.memref_slice %arg6[%select_n3A_91, %add3A_382, %dma_start3A_383] : memref<2x256x64xf32, #tpu.memory_space<vmem>> -> memref<1x1x64xf32, #tpu.memory_space<vmem>>
        %dma_start3A_385 = tpu.memref_squeeze %dma_start3A_384 : memref<1x1x64xf32, #tpu.memory_space<vmem>> -> memref<64xf32, #tpu.memory_space<vmem>>
        %dma_start3A_386 = arith.constant 0 : i32
        %dma_start3A_387 = tpu.memref_slice %arg3[%select_n3A, %squeeze3A_380, %dma_start3A_386] : memref<26x100000x64xf32, #tpu.memory_space<hbm>> -> memref<1x1x64xf32, #tpu.memory_space<hbm>>
        %dma_start3A_388 = tpu.memref_squeeze %dma_start3A_387 : memref<1x1x64xf32, #tpu.memory_space<hbm>> -> memref<64xf32, #tpu.memory_space<hbm>>
        %dma_start3A_389 = arith.constant 0 : i32
        %dma_start3A_390 = tpu.memref_slice %arg6[%select_n3A_91, %add3A_382, %dma_start3A_389] : memref<2x256x64xf32, #tpu.memory_space<vmem>> -> memref<1x1x64xf32, #tpu.memory_space<vmem>>
        %dma_start3A_391 = tpu.memref_squeeze %dma_start3A_390 : memref<1x1x64xf32, #tpu.memory_space<vmem>> -> memref<64xf32, #tpu.memory_space<vmem>>
        %dma_start3A_392 = arith.constant 0 : i32
        %dma_start3A_393 = tpu.memref_slice %arg3[%select_n3A, %squeeze3A_380, %dma_start3A_392] : memref<26x100000x64xf32, #tpu.memory_space<hbm>> -> memref<1x1x64xf32, #tpu.memory_space<hbm>>
        %dma_start3A_394 = tpu.memref_squeeze %dma_start3A_393 : memref<1x1x64xf32, #tpu.memory_space<hbm>> -> memref<64xf32, #tpu.memory_space<hbm>>
        tpu.enqueue_dma source(%dma_start3A_394 : memref<64xf32, #tpu.memory_space<hbm>>) target(%dma_start3A_391 : memref<64xf32, #tpu.memory_space<vmem>>) target_semaphore(%arg7 : memref<!tpu.dma_semaphore, #tpu.memory_space<semaphore_mem>>)
        %mul3A_395 = arith.constant 64 : i32
        %mul3A_396 = arith.muli %scan3A_132, %mul3A_395 : i32
        %add3A_397 = arith.constant 16 : i32
        %add3A_398 = arith.addi %mul3A_396, %add3A_397 : i32
        %add3A_399 = arith.addi %mul3A_75, %add3A_398 : i32
        %get3A_400 = arith.index_cast %select_n3A : i32 to index
        %get3A_401 = arith.index_cast %add3A_399 : i32 to index
        %get3A_402 = tpu.vector_load %arg5[%get3A_400, %get3A_401] {strides = array<i32>} : memref<26x512xi32, #tpu.memory_space<vmem>>, vector<1x16xi32>,
        %get3A_403 = vector.shape_cast %get3A_402 : vector<1x16xi32> to vector<16xi32>
        %slice3A_404 = vector.extract_strided_slice %get3A_403 {offsets = [0], sizes = [1], strides = [1]} : vector<16xi32> to vector<1xi32>
        %squeeze3A_405 = vector.extract %slice3A_404[0] : i32 from vector<1xi32>
        %add3A_406 = arith.constant 0 : i32
        %add3A_407 = arith.addi %add3A_398, %add3A_406 : i32
        %dma_start3A_408 = arith.constant 0 : i32
        %dma_start3A_409 = tpu.memref_slice %arg6[%select_n3A_91, %add3A_407, %dma_start3A_408] : memref<2x256x64xf32, #tpu.memory_space<vmem>> -> memref<1x1x64xf32, #tpu.memory_space<vmem>>
        %dma_start3A_410 = tpu.memref_squeeze %dma_start3A_409 : memref<1x1x64xf32, #tpu.memory_space<vmem>> -> memref<64xf32, #tpu.memory_space<vmem>>
        %dma_start3A_411 = arith.constant 0 : i32
        %dma_start3A_412 = tpu.memref_slice %arg3[%select_n3A, %squeeze3A_405, %dma_start3A_411] : memref<26x100000x64xf32, #tpu.memory_space<hbm>> -> memref<1x1x64xf32, #tpu.memory_space<hbm>>
        %dma_start3A_413 = tpu.memref_squeeze %dma_start3A_412 : memref<1x1x64xf32, #tpu.memory_space<hbm>> -> memref<64xf32, #tpu.memory_space<hbm>>
        %dma_start3A_414 = arith.constant 0 : i32
        %dma_start3A_415 = tpu.memref_slice %arg6[%select_n3A_91, %add3A_407, %dma_start3A_414] : memref<2x256x64xf32, #tpu.memory_space<vmem>> -> memref<1x1x64xf32, #tpu.memory_space<vmem>>
        %dma_start3A_416 = tpu.memref_squeeze %dma_start3A_415 : memref<1x1x64xf32, #tpu.memory_space<vmem>> -> memref<64xf32, #tpu.memory_space<vmem>>
        %dma_start3A_417 = arith.constant 0 : i32
        %dma_start3A_418 = tpu.memref_slice %arg3[%select_n3A, %squeeze3A_405, %dma_start3A_417] : memref<26x100000x64xf32, #tpu.memory_space<hbm>> -> memref<1x1x64xf32, #tpu.memory_space<hbm>>
        %dma_start3A_419 = tpu.memref_squeeze %dma_start3A_418 : memref<1x1x64xf32, #tpu.memory_space<hbm>> -> memref<64xf32, #tpu.memory_space<hbm>>
        tpu.enqueue_dma source(%dma_start3A_419 : memref<64xf32, #tpu.memory_space<hbm>>) target(%dma_start3A_416 : memref<64xf32, #tpu.memory_space<vmem>>) target_semaphore(%arg7 : memref<!tpu.dma_semaphore, #tpu.memory_space<semaphore_mem>>)
        %slice3A_420 = vector.extract_strided_slice %get3A_403 {offsets = [1], sizes = [1], strides = [1]} : vector<16xi32> to vector<1xi32>
        %squeeze3A_421 = vector.extract %slice3A_420[0] : i32 from vector<1xi32>
        %add3A_422 = arith.constant 1 : i32
        %add3A_423 = arith.addi %add3A_398, %add3A_422 : i32
        %dma_start3A_424 = arith.constant 0 : i32
        %dma_start3A_425 = tpu.memref_slice %arg6[%select_n3A_91, %add3A_423, %dma_start3A_424] : memref<2x256x64xf32, #tpu.memory_space<vmem>> -> memref<1x1x64xf32, #tpu.memory_space<vmem>>
        %dma_start3A_426 = tpu.memref_squeeze %dma_start3A_425 : memref<1x1x64xf32, #tpu.memory_space<vmem>> -> memref<64xf32, #tpu.memory_space<vmem>>
        %dma_start3A_427 = arith.constant 0 : i32
        %dma_start3A_428 = tpu.memref_slice %arg3[%select_n3A, %squeeze3A_421, %dma_start3A_427] : memref<26x100000x64xf32, #tpu.memory_space<hbm>> -> memref<1x1x64xf32, #tpu.memory_space<hbm>>
        %dma_start3A_429 = tpu.memref_squeeze %dma_start3A_428 : memref<1x1x64xf32, #tpu.memory_space<hbm>> -> memref<64xf32, #tpu.memory_space<hbm>>
        %dma_start3A_430 = arith.constant 0 : i32
        %dma_start3A_431 = tpu.memref_slice %arg6[%select_n3A_91, %add3A_423, %dma_start3A_430] : memref<2x256x64xf32, #tpu.memory_space<vmem>> -> memref<1x1x64xf32, #tpu.memory_space<vmem>>
        %dma_start3A_432 = tpu.memref_squeeze %dma_start3A_431 : memref<1x1x64xf32, #tpu.memory_space<vmem>> -> memref<64xf32, #tpu.memory_space<vmem>>
        %dma_start3A_433 = arith.constant 0 : i32
        %dma_start3A_434 = tpu.memref_slice %arg3[%select_n3A, %squeeze3A_421, %dma_start3A_433] : memref<26x100000x64xf32, #tpu.memory_space<hbm>> -> memref<1x1x64xf32, #tpu.memory_space<hbm>>
        %dma_start3A_435 = tpu.memref_squeeze %dma_start3A_434 : memref<1x1x64xf32, #tpu.memory_space<hbm>> -> memref<64xf32, #tpu.memory_space<hbm>>
        tpu.enqueue_dma source(%dma_start3A_435 : memref<64xf32, #tpu.memory_space<hbm>>) target(%dma_start3A_432 : memref<64xf32, #tpu.memory_space<vmem>>) target_semaphore(%arg7 : memref<!tpu.dma_semaphore, #tpu.memory_space<semaphore_mem>>)
        %slice3A_436 = vector.extract_strided_slice %get3A_403 {offsets = [2], sizes = [1], strides = [1]} : vector<16xi32> to vector<1xi32>
        %squeeze3A_437 = vector.extract %slice3A_436[0] : i32 from vector<1xi32>
        %add3A_438 = arith.constant 2 : i32
        %add3A_439 = arith.addi %add3A_398, %add3A_438 : i32
        %dma_start3A_440 = arith.constant 0 : i32
        %dma_start3A_441 = tpu.memref_slice %arg6[%select_n3A_91, %add3A_439, %dma_start3A_440] : memref<2x256x64xf32, #tpu.memory_space<vmem>> -> memref<1x1x64xf32, #tpu.memory_space<vmem>>
        %dma_start3A_442 = tpu.memref_squeeze %dma_start3A_441 : memref<1x1x64xf32, #tpu.memory_space<vmem>> -> memref<64xf32, #tpu.memory_space<vmem>>
        %dma_start3A_443 = arith.constant 0 : i32
        %dma_start3A_444 = tpu.memref_slice %arg3[%select_n3A, %squeeze3A_437, %dma_start3A_443] : memref<26x100000x64xf32, #tpu.memory_space<hbm>> -> memref<1x1x64xf32, #tpu.memory_space<hbm>>
        %dma_start3A_445 = tpu.memref_squeeze %dma_start3A_444 : memref<1x1x64xf32, #tpu.memory_space<hbm>> -> memref<64xf32, #tpu.memory_space<hbm>>
        %dma_start3A_446 = arith.constant 0 : i32
        %dma_start3A_447 = tpu.memref_slice %arg6[%select_n3A_91, %add3A_439, %dma_start3A_446] : memref<2x256x64xf32, #tpu.memory_space<vmem>> -> memref<1x1x64xf32, #tpu.memory_space<vmem>>
        %dma_start3A_448 = tpu.memref_squeeze %dma_start3A_447 : memref<1x1x64xf32, #tpu.memory_space<vmem>> -> memref<64xf32, #tpu.memory_space<vmem>>
        %dma_start3A_449 = arith.constant 0 : i32
        %dma_start3A_450 = tpu.memref_slice %arg3[%select_n3A, %squeeze3A_437, %dma_start3A_449] : memref<26x100000x64xf32, #tpu.memory_space<hbm>> -> memref<1x1x64xf32, #tpu.memory_space<hbm>>
        %dma_start3A_451 = tpu.memref_squeeze %dma_start3A_450 : memref<1x1x64xf32, #tpu.memory_space<hbm>> -> memref<64xf32, #tpu.memory_space<hbm>>
        tpu.enqueue_dma source(%dma_start3A_451 : memref<64xf32, #tpu.memory_space<hbm>>) target(%dma_start3A_448 : memref<64xf32, #tpu.memory_space<vmem>>) target_semaphore(%arg7 : memref<!tpu.dma_semaphore, #tpu.memory_space<semaphore_mem>>)
        %slice3A_452 = vector.extract_strided_slice %get3A_403 {offsets = [3], sizes = [1], strides = [1]} : vector<16xi32> to vector<1xi32>
        %squeeze3A_453 = vector.extract %slice3A_452[0] : i32 from vector<1xi32>
        %add3A_454 = arith.constant 3 : i32
        %add3A_455 = arith.addi %add3A_398, %add3A_454 : i32
        %dma_start3A_456 = arith.constant 0 : i32
        %dma_start3A_457 = tpu.memref_slice %arg6[%select_n3A_91, %add3A_455, %dma_start3A_456] : memref<2x256x64xf32, #tpu.memory_space<vmem>> -> memref<1x1x64xf32, #tpu.memory_space<vmem>>
        %dma_start3A_458 = tpu.memref_squeeze %dma_start3A_457 : memref<1x1x64xf32, #tpu.memory_space<vmem>> -> memref<64xf32, #tpu.memory_space<vmem>>
        %dma_start3A_459 = arith.constant 0 : i32
        %dma_start3A_460 = tpu.memref_slice %arg3[%select_n3A, %squeeze3A_453, %dma_start3A_459] : memref<26x100000x64xf32, #tpu.memory_space<hbm>> -> memref<1x1x64xf32, #tpu.memory_space<hbm>>
        %dma_start3A_461 = tpu.memref_squeeze %dma_start3A_460 : memref<1x1x64xf32, #tpu.memory_space<hbm>> -> memref<64xf32, #tpu.memory_space<hbm>>
        %dma_start3A_462 = arith.constant 0 : i32
        %dma_start3A_463 = tpu.memref_slice %arg6[%select_n3A_91, %add3A_455, %dma_start3A_462] : memref<2x256x64xf32, #tpu.memory_space<vmem>> -> memref<1x1x64xf32, #tpu.memory_space<vmem>>
        %dma_start3A_464 = tpu.memref_squeeze %dma_start3A_463 : memref<1x1x64xf32, #tpu.memory_space<vmem>> -> memref<64xf32, #tpu.memory_space<vmem>>
        %dma_start3A_465 = arith.constant 0 : i32
        %dma_start3A_466 = tpu.memref_slice %arg3[%select_n3A, %squeeze3A_453, %dma_start3A_465] : memref<26x100000x64xf32, #tpu.memory_space<hbm>> -> memref<1x1x64xf32, #tpu.memory_space<hbm>>
        %dma_start3A_467 = tpu.memref_squeeze %dma_start3A_466 : memref<1x1x64xf32, #tpu.memory_space<hbm>> -> memref<64xf32, #tpu.memory_space<hbm>>
        tpu.enqueue_dma source(%dma_start3A_467 : memref<64xf32, #tpu.memory_space<hbm>>) target(%dma_start3A_464 : memref<64xf32, #tpu.memory_space<vmem>>) target_semaphore(%arg7 : memref<!tpu.dma_semaphore, #tpu.memory_space<semaphore_mem>>)
        %slice3A_468 = vector.extract_strided_slice %get3A_403 {offsets = [4], sizes = [1], strides = [1]} : vector<16xi32> to vector<1xi32>
        %squeeze3A_469 = vector.extract %slice3A_468[0] : i32 from vector<1xi32>
        %add3A_470 = arith.constant 4 : i32
        %add3A_471 = arith.addi %add3A_398, %add3A_470 : i32
        %dma_start3A_472 = arith.constant 0 : i32
        %dma_start3A_473 = tpu.memref_slice %arg6[%select_n3A_91, %add3A_471, %dma_start3A_472] : memref<2x256x64xf32, #tpu.memory_space<vmem>> -> memref<1x1x64xf32, #tpu.memory_space<vmem>>
        %dma_start3A_474 = tpu.memref_squeeze %dma_start3A_473 : memref<1x1x64xf32, #tpu.memory_space<vmem>> -> memref<64xf32, #tpu.memory_space<vmem>>
        %dma_start3A_475 = arith.constant 0 : i32
        %dma_start3A_476 = tpu.memref_slice %arg3[%select_n3A, %squeeze3A_469, %dma_start3A_475] : memref<26x100000x64xf32, #tpu.memory_space<hbm>> -> memref<1x1x64xf32, #tpu.memory_space<hbm>>
        %dma_start3A_477 = tpu.memref_squeeze %dma_start3A_476 : memref<1x1x64xf32, #tpu.memory_space<hbm>> -> memref<64xf32, #tpu.memory_space<hbm>>
        %dma_start3A_478 = arith.constant 0 : i32
        %dma_start3A_479 = tpu.memref_slice %arg6[%select_n3A_91, %add3A_471, %dma_start3A_478] : memref<2x256x64xf32, #tpu.memory_space<vmem>> -> memref<1x1x64xf32, #tpu.memory_space<vmem>>
        %dma_start3A_480 = tpu.memref_squeeze %dma_start3A_479 : memref<1x1x64xf32, #tpu.memory_space<vmem>> -> memref<64xf32, #tpu.memory_space<vmem>>
        %dma_start3A_481 = arith.constant 0 : i32
        %dma_start3A_482 = tpu.memref_slice %arg3[%select_n3A, %squeeze3A_469, %dma_start3A_481] : memref<26x100000x64xf32, #tpu.memory_space<hbm>> -> memref<1x1x64xf32, #tpu.memory_space<hbm>>
        %dma_start3A_483 = tpu.memref_squeeze %dma_start3A_482 : memref<1x1x64xf32, #tpu.memory_space<hbm>> -> memref<64xf32, #tpu.memory_space<hbm>>
        tpu.enqueue_dma source(%dma_start3A_483 : memref<64xf32, #tpu.memory_space<hbm>>) target(%dma_start3A_480 : memref<64xf32, #tpu.memory_space<vmem>>) target_semaphore(%arg7 : memref<!tpu.dma_semaphore, #tpu.memory_space<semaphore_mem>>)
        %slice3A_484 = vector.extract_strided_slice %get3A_403 {offsets = [5], sizes = [1], strides = [1]} : vector<16xi32> to vector<1xi32>
        %squeeze3A_485 = vector.extract %slice3A_484[0] : i32 from vector<1xi32>
        %add3A_486 = arith.constant 5 : i32
        %add3A_487 = arith.addi %add3A_398, %add3A_486 : i32
        %dma_start3A_488 = arith.constant 0 : i32
        %dma_start3A_489 = tpu.memref_slice %arg6[%select_n3A_91, %add3A_487, %dma_start3A_488] : memref<2x256x64xf32, #tpu.memory_space<vmem>> -> memref<1x1x64xf32, #tpu.memory_space<vmem>>
        %dma_start3A_490 = tpu.memref_squeeze %dma_start3A_489 : memref<1x1x64xf32, #tpu.memory_space<vmem>> -> memref<64xf32, #tpu.memory_space<vmem>>
        %dma_start3A_491 = arith.constant 0 : i32
        %dma_start3A_492 = tpu.memref_slice %arg3[%select_n3A, %squeeze3A_485, %dma_start3A_491] : memref<26x100000x64xf32, #tpu.memory_space<hbm>> -> memref<1x1x64xf32, #tpu.memory_space<hbm>>
        %dma_start3A_493 = tpu.memref_squeeze %dma_start3A_492 : memref<1x1x64xf32, #tpu.memory_space<hbm>> -> memref<64xf32, #tpu.memory_space<hbm>>
        %dma_start3A_494 = arith.constant 0 : i32
        %dma_start3A_495 = tpu.memref_slice %arg6[%select_n3A_91, %add3A_487, %dma_start3A_494] : memref<2x256x64xf32, #tpu.memory_space<vmem>> -> memref<1x1x64xf32, #tpu.memory_space<vmem>>
        %dma_start3A_496 = tpu.memref_squeeze %dma_start3A_495 : memref<1x1x64xf32, #tpu.memory_space<vmem>> -> memref<64xf32, #tpu.memory_space<vmem>>
        %dma_start3A_497 = arith.constant 0 : i32
        %dma_start3A_498 = tpu.memref_slice %arg3[%select_n3A, %squeeze3A_485, %dma_start3A_497] : memref<26x100000x64xf32, #tpu.memory_space<hbm>> -> memref<1x1x64xf32, #tpu.memory_space<hbm>>
        %dma_start3A_499 = tpu.memref_squeeze %dma_start3A_498 : memref<1x1x64xf32, #tpu.memory_space<hbm>> -> memref<64xf32, #tpu.memory_space<hbm>>
        tpu.enqueue_dma source(%dma_start3A_499 : memref<64xf32, #tpu.memory_space<hbm>>) target(%dma_start3A_496 : memref<64xf32, #tpu.memory_space<vmem>>) target_semaphore(%arg7 : memref<!tpu.dma_semaphore, #tpu.memory_space<semaphore_mem>>)
        %slice3A_500 = vector.extract_strided_slice %get3A_403 {offsets = [6], sizes = [1], strides = [1]} : vector<16xi32> to vector<1xi32>
        %squeeze3A_501 = vector.extract %slice3A_500[0] : i32 from vector<1xi32>
        %add3A_502 = arith.constant 6 : i32
        %add3A_503 = arith.addi %add3A_398, %add3A_502 : i32
        %dma_start3A_504 = arith.constant 0 : i32
        %dma_start3A_505 = tpu.memref_slice %arg6[%select_n3A_91, %add3A_503, %dma_start3A_504] : memref<2x256x64xf32, #tpu.memory_space<vmem>> -> memref<1x1x64xf32, #tpu.memory_space<vmem>>
        %dma_start3A_506 = tpu.memref_squeeze %dma_start3A_505 : memref<1x1x64xf32, #tpu.memory_space<vmem>> -> memref<64xf32, #tpu.memory_space<vmem>>
        %dma_start3A_507 = arith.constant 0 : i32
        %dma_start3A_508 = tpu.memref_slice %arg3[%select_n3A, %squeeze3A_501, %dma_start3A_507] : memref<26x100000x64xf32, #tpu.memory_space<hbm>> -> memref<1x1x64xf32, #tpu.memory_space<hbm>>
        %dma_start3A_509 = tpu.memref_squeeze %dma_start3A_508 : memref<1x1x64xf32, #tpu.memory_space<hbm>> -> memref<64xf32, #tpu.memory_space<hbm>>
        %dma_start3A_510 = arith.constant 0 : i32
        %dma_start3A_511 = tpu.memref_slice %arg6[%select_n3A_91, %add3A_503, %dma_start3A_510] : memref<2x256x64xf32, #tpu.memory_space<vmem>> -> memref<1x1x64xf32, #tpu.memory_space<vmem>>
        %dma_start3A_512 = tpu.memref_squeeze %dma_start3A_511 : memref<1x1x64xf32, #tpu.memory_space<vmem>> -> memref<64xf32, #tpu.memory_space<vmem>>
        %dma_start3A_513 = arith.constant 0 : i32
        %dma_start3A_514 = tpu.memref_slice %arg3[%select_n3A, %squeeze3A_501, %dma_start3A_513] : memref<26x100000x64xf32, #tpu.memory_space<hbm>> -> memref<1x1x64xf32, #tpu.memory_space<hbm>>
        %dma_start3A_515 = tpu.memref_squeeze %dma_start3A_514 : memref<1x1x64xf32, #tpu.memory_space<hbm>> -> memref<64xf32, #tpu.memory_space<hbm>>
        tpu.enqueue_dma source(%dma_start3A_515 : memref<64xf32, #tpu.memory_space<hbm>>) target(%dma_start3A_512 : memref<64xf32, #tpu.memory_space<vmem>>) target_semaphore(%arg7 : memref<!tpu.dma_semaphore, #tpu.memory_space<semaphore_mem>>)
        %slice3A_516 = vector.extract_strided_slice %get3A_403 {offsets = [7], sizes = [1], strides = [1]} : vector<16xi32> to vector<1xi32>
        %squeeze3A_517 = vector.extract %slice3A_516[0] : i32 from vector<1xi32>
        %add3A_518 = arith.constant 7 : i32
        %add3A_519 = arith.addi %add3A_398, %add3A_518 : i32
        %dma_start3A_520 = arith.constant 0 : i32
        %dma_start3A_521 = tpu.memref_slice %arg6[%select_n3A_91, %add3A_519, %dma_start3A_520] : memref<2x256x64xf32, #tpu.memory_space<vmem>> -> memref<1x1x64xf32, #tpu.memory_space<vmem>>
        %dma_start3A_522 = tpu.memref_squeeze %dma_start3A_521 : memref<1x1x64xf32, #tpu.memory_space<vmem>> -> memref<64xf32, #tpu.memory_space<vmem>>
        %dma_start3A_523 = arith.constant 0 : i32
        %dma_start3A_524 = tpu.memref_slice %arg3[%select_n3A, %squeeze3A_517, %dma_start3A_523] : memref<26x100000x64xf32, #tpu.memory_space<hbm>> -> memref<1x1x64xf32, #tpu.memory_space<hbm>>
        %dma_start3A_525 = tpu.memref_squeeze %dma_start3A_524 : memref<1x1x64xf32, #tpu.memory_space<hbm>> -> memref<64xf32, #tpu.memory_space<hbm>>
        %dma_start3A_526 = arith.constant 0 : i32
        %dma_start3A_527 = tpu.memref_slice %arg6[%select_n3A_91, %add3A_519, %dma_start3A_526] : memref<2x256x64xf32, #tpu.memory_space<vmem>> -> memref<1x1x64xf32, #tpu.memory_space<vmem>>
        %dma_start3A_528 = tpu.memref_squeeze %dma_start3A_527 : memref<1x1x64xf32, #tpu.memory_space<vmem>> -> memref<64xf32, #tpu.memory_space<vmem>>
        %dma_start3A_529 = arith.constant 0 : i32
        %dma_start3A_530 = tpu.memref_slice %arg3[%select_n3A, %squeeze3A_517, %dma_start3A_529] : memref<26x100000x64xf32, #tpu.memory_space<hbm>> -> memref<1x1x64xf32, #tpu.memory_space<hbm>>
        %dma_start3A_531 = tpu.memref_squeeze %dma_start3A_530 : memref<1x1x64xf32, #tpu.memory_space<hbm>> -> memref<64xf32, #tpu.memory_space<hbm>>
        tpu.enqueue_dma source(%dma_start3A_531 : memref<64xf32, #tpu.memory_space<hbm>>) target(%dma_start3A_528 : memref<64xf32, #tpu.memory_space<vmem>>) target_semaphore(%arg7 : memref<!tpu.dma_semaphore, #tpu.memory_space<semaphore_mem>>)
        %slice3A_532 = vector.extract_strided_slice %get3A_403 {offsets = [8], sizes = [1], strides = [1]} : vector<16xi32> to vector<1xi32>
        %squeeze3A_533 = vector.extract %slice3A_532[0] : i32 from vector<1xi32>
        %add3A_534 = arith.constant 8 : i32
        %add3A_535 = arith.addi %add3A_398, %add3A_534 : i32
        %dma_start3A_536 = arith.constant 0 : i32
        %dma_start3A_537 = tpu.memref_slice %arg6[%select_n3A_91, %add3A_535, %dma_start3A_536] : memref<2x256x64xf32, #tpu.memory_space<vmem>> -> memref<1x1x64xf32, #tpu.memory_space<vmem>>
        %dma_start3A_538 = tpu.memref_squeeze %dma_start3A_537 : memref<1x1x64xf32, #tpu.memory_space<vmem>> -> memref<64xf32, #tpu.memory_space<vmem>>
        %dma_start3A_539 = arith.constant 0 : i32
        %dma_start3A_540 = tpu.memref_slice %arg3[%select_n3A, %squeeze3A_533, %dma_start3A_539] : memref<26x100000x64xf32, #tpu.memory_space<hbm>> -> memref<1x1x64xf32, #tpu.memory_space<hbm>>
        %dma_start3A_541 = tpu.memref_squeeze %dma_start3A_540 : memref<1x1x64xf32, #tpu.memory_space<hbm>> -> memref<64xf32, #tpu.memory_space<hbm>>
        %dma_start3A_542 = arith.constant 0 : i32
        %dma_start3A_543 = tpu.memref_slice %arg6[%select_n3A_91, %add3A_535, %dma_start3A_542] : memref<2x256x64xf32, #tpu.memory_space<vmem>> -> memref<1x1x64xf32, #tpu.memory_space<vmem>>
        %dma_start3A_544 = tpu.memref_squeeze %dma_start3A_543 : memref<1x1x64xf32, #tpu.memory_space<vmem>> -> memref<64xf32, #tpu.memory_space<vmem>>
        %dma_start3A_545 = arith.constant 0 : i32
        %dma_start3A_546 = tpu.memref_slice %arg3[%select_n3A, %squeeze3A_533, %dma_start3A_545] : memref<26x100000x64xf32, #tpu.memory_space<hbm>> -> memref<1x1x64xf32, #tpu.memory_space<hbm>>
        %dma_start3A_547 = tpu.memref_squeeze %dma_start3A_546 : memref<1x1x64xf32, #tpu.memory_space<hbm>> -> memref<64xf32, #tpu.memory_space<hbm>>
        tpu.enqueue_dma source(%dma_start3A_547 : memref<64xf32, #tpu.memory_space<hbm>>) target(%dma_start3A_544 : memref<64xf32, #tpu.memory_space<vmem>>) target_semaphore(%arg7 : memref<!tpu.dma_semaphore, #tpu.memory_space<semaphore_mem>>)
        %slice3A_548 = vector.extract_strided_slice %get3A_403 {offsets = [9], sizes = [1], strides = [1]} : vector<16xi32> to vector<1xi32>
        %squeeze3A_549 = vector.extract %slice3A_548[0] : i32 from vector<1xi32>
        %add3A_550 = arith.constant 9 : i32
        %add3A_551 = arith.addi %add3A_398, %add3A_550 : i32
        %dma_start3A_552 = arith.constant 0 : i32
        %dma_start3A_553 = tpu.memref_slice %arg6[%select_n3A_91, %add3A_551, %dma_start3A_552] : memref<2x256x64xf32, #tpu.memory_space<vmem>> -> memref<1x1x64xf32, #tpu.memory_space<vmem>>
        %dma_start3A_554 = tpu.memref_squeeze %dma_start3A_553 : memref<1x1x64xf32, #tpu.memory_space<vmem>> -> memref<64xf32, #tpu.memory_space<vmem>>
        %dma_start3A_555 = arith.constant 0 : i32
        %dma_start3A_556 = tpu.memref_slice %arg3[%select_n3A, %squeeze3A_549, %dma_start3A_555] : memref<26x100000x64xf32, #tpu.memory_space<hbm>> -> memref<1x1x64xf32, #tpu.memory_space<hbm>>
        %dma_start3A_557 = tpu.memref_squeeze %dma_start3A_556 : memref<1x1x64xf32, #tpu.memory_space<hbm>> -> memref<64xf32, #tpu.memory_space<hbm>>
        %dma_start3A_558 = arith.constant 0 : i32
        %dma_start3A_559 = tpu.memref_slice %arg6[%select_n3A_91, %add3A_551, %dma_start3A_558] : memref<2x256x64xf32, #tpu.memory_space<vmem>> -> memref<1x1x64xf32, #tpu.memory_space<vmem>>
        %dma_start3A_560 = tpu.memref_squeeze %dma_start3A_559 : memref<1x1x64xf32, #tpu.memory_space<vmem>> -> memref<64xf32, #tpu.memory_space<vmem>>
        %dma_start3A_561 = arith.constant 0 : i32
        %dma_start3A_562 = tpu.memref_slice %arg3[%select_n3A, %squeeze3A_549, %dma_start3A_561] : memref<26x100000x64xf32, #tpu.memory_space<hbm>> -> memref<1x1x64xf32, #tpu.memory_space<hbm>>
        %dma_start3A_563 = tpu.memref_squeeze %dma_start3A_562 : memref<1x1x64xf32, #tpu.memory_space<hbm>> -> memref<64xf32, #tpu.memory_space<hbm>>
        tpu.enqueue_dma source(%dma_start3A_563 : memref<64xf32, #tpu.memory_space<hbm>>) target(%dma_start3A_560 : memref<64xf32, #tpu.memory_space<vmem>>) target_semaphore(%arg7 : memref<!tpu.dma_semaphore, #tpu.memory_space<semaphore_mem>>)
        %slice3A_564 = vector.extract_strided_slice %get3A_403 {offsets = [10], sizes = [1], strides = [1]} : vector<16xi32> to vector<1xi32>
        %squeeze3A_565 = vector.extract %slice3A_564[0] : i32 from vector<1xi32>
        %add3A_566 = arith.constant 10 : i32
        %add3A_567 = arith.addi %add3A_398, %add3A_566 : i32
        %dma_start3A_568 = arith.constant 0 : i32
        %dma_start3A_569 = tpu.memref_slice %arg6[%select_n3A_91, %add3A_567, %dma_start3A_568] : memref<2x256x64xf32, #tpu.memory_space<vmem>> -> memref<1x1x64xf32, #tpu.memory_space<vmem>>
        %dma_start3A_570 = tpu.memref_squeeze %dma_start3A_569 : memref<1x1x64xf32, #tpu.memory_space<vmem>> -> memref<64xf32, #tpu.memory_space<vmem>>
        %dma_start3A_571 = arith.constant 0 : i32
        %dma_start3A_572 = tpu.memref_slice %arg3[%select_n3A, %squeeze3A_565, %dma_start3A_571] : memref<26x100000x64xf32, #tpu.memory_space<hbm>> -> memref<1x1x64xf32, #tpu.memory_space<hbm>>
        %dma_start3A_573 = tpu.memref_squeeze %dma_start3A_572 : memref<1x1x64xf32, #tpu.memory_space<hbm>> -> memref<64xf32, #tpu.memory_space<hbm>>
        %dma_start3A_574 = arith.constant 0 : i32
        %dma_start3A_575 = tpu.memref_slice %arg6[%select_n3A_91, %add3A_567, %dma_start3A_574] : memref<2x256x64xf32, #tpu.memory_space<vmem>> -> memref<1x1x64xf32, #tpu.memory_space<vmem>>
        %dma_start3A_576 = tpu.memref_squeeze %dma_start3A_575 : memref<1x1x64xf32, #tpu.memory_space<vmem>> -> memref<64xf32, #tpu.memory_space<vmem>>
        %dma_start3A_577 = arith.constant 0 : i32
        %dma_start3A_578 = tpu.memref_slice %arg3[%select_n3A, %squeeze3A_565, %dma_start3A_577] : memref<26x100000x64xf32, #tpu.memory_space<hbm>> -> memref<1x1x64xf32, #tpu.memory_space<hbm>>
        %dma_start3A_579 = tpu.memref_squeeze %dma_start3A_578 : memref<1x1x64xf32, #tpu.memory_space<hbm>> -> memref<64xf32, #tpu.memory_space<hbm>>
        tpu.enqueue_dma source(%dma_start3A_579 : memref<64xf32, #tpu.memory_space<hbm>>) target(%dma_start3A_576 : memref<64xf32, #tpu.memory_space<vmem>>) target_semaphore(%arg7 : memref<!tpu.dma_semaphore, #tpu.memory_space<semaphore_mem>>)
        %slice3A_580 = vector.extract_strided_slice %get3A_403 {offsets = [11], sizes = [1], strides = [1]} : vector<16xi32> to vector<1xi32>
        %squeeze3A_581 = vector.extract %slice3A_580[0] : i32 from vector<1xi32>
        %add3A_582 = arith.constant 11 : i32
        %add3A_583 = arith.addi %add3A_398, %add3A_582 : i32
        %dma_start3A_584 = arith.constant 0 : i32
        %dma_start3A_585 = tpu.memref_slice %arg6[%select_n3A_91, %add3A_583, %dma_start3A_584] : memref<2x256x64xf32, #tpu.memory_space<vmem>> -> memref<1x1x64xf32, #tpu.memory_space<vmem>>
        %dma_start3A_586 = tpu.memref_squeeze %dma_start3A_585 : memref<1x1x64xf32, #tpu.memory_space<vmem>> -> memref<64xf32, #tpu.memory_space<vmem>>
        %dma_start3A_587 = arith.constant 0 : i32
        %dma_start3A_588 = tpu.memref_slice %arg3[%select_n3A, %squeeze3A_581, %dma_start3A_587] : memref<26x100000x64xf32, #tpu.memory_space<hbm>> -> memref<1x1x64xf32, #tpu.memory_space<hbm>>
        %dma_start3A_589 = tpu.memref_squeeze %dma_start3A_588 : memref<1x1x64xf32, #tpu.memory_space<hbm>> -> memref<64xf32, #tpu.memory_space<hbm>>
        %dma_start3A_590 = arith.constant 0 : i32
        %dma_start3A_591 = tpu.memref_slice %arg6[%select_n3A_91, %add3A_583, %dma_start3A_590] : memref<2x256x64xf32, #tpu.memory_space<vmem>> -> memref<1x1x64xf32, #tpu.memory_space<vmem>>
        %dma_start3A_592 = tpu.memref_squeeze %dma_start3A_591 : memref<1x1x64xf32, #tpu.memory_space<vmem>> -> memref<64xf32, #tpu.memory_space<vmem>>
        %dma_start3A_593 = arith.constant 0 : i32
        %dma_start3A_594 = tpu.memref_slice %arg3[%select_n3A, %squeeze3A_581, %dma_start3A_593] : memref<26x100000x64xf32, #tpu.memory_space<hbm>> -> memref<1x1x64xf32, #tpu.memory_space<hbm>>
        %dma_start3A_595 = tpu.memref_squeeze %dma_start3A_594 : memref<1x1x64xf32, #tpu.memory_space<hbm>> -> memref<64xf32, #tpu.memory_space<hbm>>
        tpu.enqueue_dma source(%dma_start3A_595 : memref<64xf32, #tpu.memory_space<hbm>>) target(%dma_start3A_592 : memref<64xf32, #tpu.memory_space<vmem>>) target_semaphore(%arg7 : memref<!tpu.dma_semaphore, #tpu.memory_space<semaphore_mem>>)
        %slice3A_596 = vector.extract_strided_slice %get3A_403 {offsets = [12], sizes = [1], strides = [1]} : vector<16xi32> to vector<1xi32>
        %squeeze3A_597 = vector.extract %slice3A_596[0] : i32 from vector<1xi32>
        %add3A_598 = arith.constant 12 : i32
        %add3A_599 = arith.addi %add3A_398, %add3A_598 : i32
        %dma_start3A_600 = arith.constant 0 : i32
        %dma_start3A_601 = tpu.memref_slice %arg6[%select_n3A_91, %add3A_599, %dma_start3A_600] : memref<2x256x64xf32, #tpu.memory_space<vmem>> -> memref<1x1x64xf32, #tpu.memory_space<vmem>>
        %dma_start3A_602 = tpu.memref_squeeze %dma_start3A_601 : memref<1x1x64xf32, #tpu.memory_space<vmem>> -> memref<64xf32, #tpu.memory_space<vmem>>
        %dma_start3A_603 = arith.constant 0 : i32
        %dma_start3A_604 = tpu.memref_slice %arg3[%select_n3A, %squeeze3A_597, %dma_start3A_603] : memref<26x100000x64xf32, #tpu.memory_space<hbm>> -> memref<1x1x64xf32, #tpu.memory_space<hbm>>
        %dma_start3A_605 = tpu.memref_squeeze %dma_start3A_604 : memref<1x1x64xf32, #tpu.memory_space<hbm>> -> memref<64xf32, #tpu.memory_space<hbm>>
        %dma_start3A_606 = arith.constant 0 : i32
        %dma_start3A_607 = tpu.memref_slice %arg6[%select_n3A_91, %add3A_599, %dma_start3A_606] : memref<2x256x64xf32, #tpu.memory_space<vmem>> -> memref<1x1x64xf32, #tpu.memory_space<vmem>>
        %dma_start3A_608 = tpu.memref_squeeze %dma_start3A_607 : memref<1x1x64xf32, #tpu.memory_space<vmem>> -> memref<64xf32, #tpu.memory_space<vmem>>
        %dma_start3A_609 = arith.constant 0 : i32
        %dma_start3A_610 = tpu.memref_slice %arg3[%select_n3A, %squeeze3A_597, %dma_start3A_609] : memref<26x100000x64xf32, #tpu.memory_space<hbm>> -> memref<1x1x64xf32, #tpu.memory_space<hbm>>
        %dma_start3A_611 = tpu.memref_squeeze %dma_start3A_610 : memref<1x1x64xf32, #tpu.memory_space<hbm>> -> memref<64xf32, #tpu.memory_space<hbm>>
        tpu.enqueue_dma source(%dma_start3A_611 : memref<64xf32, #tpu.memory_space<hbm>>) target(%dma_start3A_608 : memref<64xf32, #tpu.memory_space<vmem>>) target_semaphore(%arg7 : memref<!tpu.dma_semaphore, #tpu.memory_space<semaphore_mem>>)
        %slice3A_612 = vector.extract_strided_slice %get3A_403 {offsets = [13], sizes = [1], strides = [1]} : vector<16xi32> to vector<1xi32>
        %squeeze3A_613 = vector.extract %slice3A_612[0] : i32 from vector<1xi32>
        %add3A_614 = arith.constant 13 : i32
        %add3A_615 = arith.addi %add3A_398, %add3A_614 : i32
        %dma_start3A_616 = arith.constant 0 : i32
        %dma_start3A_617 = tpu.memref_slice %arg6[%select_n3A_91, %add3A_615, %dma_start3A_616] : memref<2x256x64xf32, #tpu.memory_space<vmem>> -> memref<1x1x64xf32, #tpu.memory_space<vmem>>
        %dma_start3A_618 = tpu.memref_squeeze %dma_start3A_617 : memref<1x1x64xf32, #tpu.memory_space<vmem>> -> memref<64xf32, #tpu.memory_space<vmem>>
        %dma_start3A_619 = arith.constant 0 : i32
        %dma_start3A_620 = tpu.memref_slice %arg3[%select_n3A, %squeeze3A_613, %dma_start3A_619] : memref<26x100000x64xf32, #tpu.memory_space<hbm>> -> memref<1x1x64xf32, #tpu.memory_space<hbm>>
        %dma_start3A_621 = tpu.memref_squeeze %dma_start3A_620 : memref<1x1x64xf32, #tpu.memory_space<hbm>> -> memref<64xf32, #tpu.memory_space<hbm>>
        %dma_start3A_622 = arith.constant 0 : i32
        %dma_start3A_623 = tpu.memref_slice %arg6[%select_n3A_91, %add3A_615, %dma_start3A_622] : memref<2x256x64xf32, #tpu.memory_space<vmem>> -> memref<1x1x64xf32, #tpu.memory_space<vmem>>
        %dma_start3A_624 = tpu.memref_squeeze %dma_start3A_623 : memref<1x1x64xf32, #tpu.memory_space<vmem>> -> memref<64xf32, #tpu.memory_space<vmem>>
        %dma_start3A_625 = arith.constant 0 : i32
        %dma_start3A_626 = tpu.memref_slice %arg3[%select_n3A, %squeeze3A_613, %dma_start3A_625] : memref<26x100000x64xf32, #tpu.memory_space<hbm>> -> memref<1x1x64xf32, #tpu.memory_space<hbm>>
        %dma_start3A_627 = tpu.memref_squeeze %dma_start3A_626 : memref<1x1x64xf32, #tpu.memory_space<hbm>> -> memref<64xf32, #tpu.memory_space<hbm>>
        tpu.enqueue_dma source(%dma_start3A_627 : memref<64xf32, #tpu.memory_space<hbm>>) target(%dma_start3A_624 : memref<64xf32, #tpu.memory_space<vmem>>) target_semaphore(%arg7 : memref<!tpu.dma_semaphore, #tpu.memory_space<semaphore_mem>>)
        %slice3A_628 = vector.extract_strided_slice %get3A_403 {offsets = [14], sizes = [1], strides = [1]} : vector<16xi32> to vector<1xi32>
        %squeeze3A_629 = vector.extract %slice3A_628[0] : i32 from vector<1xi32>
        %add3A_630 = arith.constant 14 : i32
        %add3A_631 = arith.addi %add3A_398, %add3A_630 : i32
        %dma_start3A_632 = arith.constant 0 : i32
        %dma_start3A_633 = tpu.memref_slice %arg6[%select_n3A_91, %add3A_631, %dma_start3A_632] : memref<2x256x64xf32, #tpu.memory_space<vmem>> -> memref<1x1x64xf32, #tpu.memory_space<vmem>>
        %dma_start3A_634 = tpu.memref_squeeze %dma_start3A_633 : memref<1x1x64xf32, #tpu.memory_space<vmem>> -> memref<64xf32, #tpu.memory_space<vmem>>
        %dma_start3A_635 = arith.constant 0 : i32
        %dma_start3A_636 = tpu.memref_slice %arg3[%select_n3A, %squeeze3A_629, %dma_start3A_635] : memref<26x100000x64xf32, #tpu.memory_space<hbm>> -> memref<1x1x64xf32, #tpu.memory_space<hbm>>
        %dma_start3A_637 = tpu.memref_squeeze %dma_start3A_636 : memref<1x1x64xf32, #tpu.memory_space<hbm>> -> memref<64xf32, #tpu.memory_space<hbm>>
        %dma_start3A_638 = arith.constant 0 : i32
        %dma_start3A_639 = tpu.memref_slice %arg6[%select_n3A_91, %add3A_631, %dma_start3A_638] : memref<2x256x64xf32, #tpu.memory_space<vmem>> -> memref<1x1x64xf32, #tpu.memory_space<vmem>>
        %dma_start3A_640 = tpu.memref_squeeze %dma_start3A_639 : memref<1x1x64xf32, #tpu.memory_space<vmem>> -> memref<64xf32, #tpu.memory_space<vmem>>
        %dma_start3A_641 = arith.constant 0 : i32
        %dma_start3A_642 = tpu.memref_slice %arg3[%select_n3A, %squeeze3A_629, %dma_start3A_641] : memref<26x100000x64xf32, #tpu.memory_space<hbm>> -> memref<1x1x64xf32, #tpu.memory_space<hbm>>
        %dma_start3A_643 = tpu.memref_squeeze %dma_start3A_642 : memref<1x1x64xf32, #tpu.memory_space<hbm>> -> memref<64xf32, #tpu.memory_space<hbm>>
        tpu.enqueue_dma source(%dma_start3A_643 : memref<64xf32, #tpu.memory_space<hbm>>) target(%dma_start3A_640 : memref<64xf32, #tpu.memory_space<vmem>>) target_semaphore(%arg7 : memref<!tpu.dma_semaphore, #tpu.memory_space<semaphore_mem>>)
        %slice3A_644 = vector.extract_strided_slice %get3A_403 {offsets = [15], sizes = [1], strides = [1]} : vector<16xi32> to vector<1xi32>
        %squeeze3A_645 = vector.extract %slice3A_644[0] : i32 from vector<1xi32>
        %add3A_646 = arith.constant 15 : i32
        %add3A_647 = arith.addi %add3A_398, %add3A_646 : i32
        %dma_start3A_648 = arith.constant 0 : i32
        %dma_start3A_649 = tpu.memref_slice %arg6[%select_n3A_91, %add3A_647, %dma_start3A_648] : memref<2x256x64xf32, #tpu.memory_space<vmem>> -> memref<1x1x64xf32, #tpu.memory_space<vmem>>
        %dma_start3A_650 = tpu.memref_squeeze %dma_start3A_649 : memref<1x1x64xf32, #tpu.memory_space<vmem>> -> memref<64xf32, #tpu.memory_space<vmem>>
        %dma_start3A_651 = arith.constant 0 : i32
        %dma_start3A_652 = tpu.memref_slice %arg3[%select_n3A, %squeeze3A_645, %dma_start3A_651] : memref<26x100000x64xf32, #tpu.memory_space<hbm>> -> memref<1x1x64xf32, #tpu.memory_space<hbm>>
        %dma_start3A_653 = tpu.memref_squeeze %dma_start3A_652 : memref<1x1x64xf32, #tpu.memory_space<hbm>> -> memref<64xf32, #tpu.memory_space<hbm>>
        %dma_start3A_654 = arith.constant 0 : i32
        %dma_start3A_655 = tpu.memref_slice %arg6[%select_n3A_91, %add3A_647, %dma_start3A_654] : memref<2x256x64xf32, #tpu.memory_space<vmem>> -> memref<1x1x64xf32, #tpu.memory_space<vmem>>
        %dma_start3A_656 = tpu.memref_squeeze %dma_start3A_655 : memref<1x1x64xf32, #tpu.memory_space<vmem>> -> memref<64xf32, #tpu.memory_space<vmem>>
        %dma_start3A_657 = arith.constant 0 : i32
        %dma_start3A_658 = tpu.memref_slice %arg3[%select_n3A, %squeeze3A_645, %dma_start3A_657] : memref<26x100000x64xf32, #tpu.memory_space<hbm>> -> memref<1x1x64xf32, #tpu.memory_space<hbm>>
        %dma_start3A_659 = tpu.memref_squeeze %dma_start3A_658 : memref<1x1x64xf32, #tpu.memory_space<hbm>> -> memref<64xf32, #tpu.memory_space<hbm>>
        tpu.enqueue_dma source(%dma_start3A_659 : memref<64xf32, #tpu.memory_space<hbm>>) target(%dma_start3A_656 : memref<64xf32, #tpu.memory_space<vmem>>) target_semaphore(%arg7 : memref<!tpu.dma_semaphore, #tpu.memory_space<semaphore_mem>>)
        %mul3A_660 = arith.constant 64 : i32
        %mul3A_661 = arith.muli %scan3A_132, %mul3A_660 : i32
        %add3A_662 = arith.constant 32 : i32
        %add3A_663 = arith.addi %mul3A_661, %add3A_662 : i32
        %add3A_664 = arith.addi %mul3A_75, %add3A_663 : i32
        %get3A_665 = arith.index_cast %select_n3A : i32 to index
        %get3A_666 = arith.index_cast %add3A_664 : i32 to index
        %get3A_667 = tpu.vector_load %arg5[%get3A_665, %get3A_666] {strides = array<i32>} : memref<26x512xi32, #tpu.memory_space<vmem>>, vector<1x16xi32>,
        %get3A_668 = vector.shape_cast %get3A_667 : vector<1x16xi32> to vector<16xi32>
        %slice3A_669 = vector.extract_strided_slice %get3A_668 {offsets = [0], sizes = [1], strides = [1]} : vector<16xi32> to vector<1xi32>
        %squeeze3A_670 = vector.extract %slice3A_669[0] : i32 from vector<1xi32>
        %add3A_671 = arith.constant 0 : i32
        %add3A_672 = arith.addi %add3A_663, %add3A_671 : i32
        %dma_start3A_673 = arith.constant 0 : i32
        %dma_start3A_674 = tpu.memref_slice %arg6[%select_n3A_91, %add3A_672, %dma_start3A_673] : memref<2x256x64xf32, #tpu.memory_space<vmem>> -> memref<1x1x64xf32, #tpu.memory_space<vmem>>
        %dma_start3A_675 = tpu.memref_squeeze %dma_start3A_674 : memref<1x1x64xf32, #tpu.memory_space<vmem>> -> memref<64xf32, #tpu.memory_space<vmem>>
        %dma_start3A_676 = arith.constant 0 : i32
        %dma_start3A_677 = tpu.memref_slice %arg3[%select_n3A, %squeeze3A_670, %dma_start3A_676] : memref<26x100000x64xf32, #tpu.memory_space<hbm>> -> memref<1x1x64xf32, #tpu.memory_space<hbm>>
        %dma_start3A_678 = tpu.memref_squeeze %dma_start3A_677 : memref<1x1x64xf32, #tpu.memory_space<hbm>> -> memref<64xf32, #tpu.memory_space<hbm>>
        %dma_start3A_679 = arith.constant 0 : i32
        %dma_start3A_680 = tpu.memref_slice %arg6[%select_n3A_91, %add3A_672, %dma_start3A_679] : memref<2x256x64xf32, #tpu.memory_space<vmem>> -> memref<1x1x64xf32, #tpu.memory_space<vmem>>
        %dma_start3A_681 = tpu.memref_squeeze %dma_start3A_680 : memref<1x1x64xf32, #tpu.memory_space<vmem>> -> memref<64xf32, #tpu.memory_space<vmem>>
        %dma_start3A_682 = arith.constant 0 : i32
        %dma_start3A_683 = tpu.memref_slice %arg3[%select_n3A, %squeeze3A_670, %dma_start3A_682] : memref<26x100000x64xf32, #tpu.memory_space<hbm>> -> memref<1x1x64xf32, #tpu.memory_space<hbm>>
        %dma_start3A_684 = tpu.memref_squeeze %dma_start3A_683 : memref<1x1x64xf32, #tpu.memory_space<hbm>> -> memref<64xf32, #tpu.memory_space<hbm>>
        tpu.enqueue_dma source(%dma_start3A_684 : memref<64xf32, #tpu.memory_space<hbm>>) target(%dma_start3A_681 : memref<64xf32, #tpu.memory_space<vmem>>) target_semaphore(%arg7 : memref<!tpu.dma_semaphore, #tpu.memory_space<semaphore_mem>>)
        %slice3A_685 = vector.extract_strided_slice %get3A_668 {offsets = [1], sizes = [1], strides = [1]} : vector<16xi32> to vector<1xi32>
        %squeeze3A_686 = vector.extract %slice3A_685[0] : i32 from vector<1xi32>
        %add3A_687 = arith.constant 1 : i32
        %add3A_688 = arith.addi %add3A_663, %add3A_687 : i32
        %dma_start3A_689 = arith.constant 0 : i32
        %dma_start3A_690 = tpu.memref_slice %arg6[%select_n3A_91, %add3A_688, %dma_start3A_689] : memref<2x256x64xf32, #tpu.memory_space<vmem>> -> memref<1x1x64xf32, #tpu.memory_space<vmem>>
        %dma_start3A_691 = tpu.memref_squeeze %dma_start3A_690 : memref<1x1x64xf32, #tpu.memory_space<vmem>> -> memref<64xf32, #tpu.memory_space<vmem>>
        %dma_start3A_692 = arith.constant 0 : i32
        %dma_start3A_693 = tpu.memref_slice %arg3[%select_n3A, %squeeze3A_686, %dma_start3A_692] : memref<26x100000x64xf32, #tpu.memory_space<hbm>> -> memref<1x1x64xf32, #tpu.memory_space<hbm>>
        %dma_start3A_694 = tpu.memref_squeeze %dma_start3A_693 : memref<1x1x64xf32, #tpu.memory_space<hbm>> -> memref<64xf32, #tpu.memory_space<hbm>>
        %dma_start3A_695 = arith.constant 0 : i32
        %dma_start3A_696 = tpu.memref_slice %arg6[%select_n3A_91, %add3A_688, %dma_start3A_695] : memref<2x256x64xf32, #tpu.memory_space<vmem>> -> memref<1x1x64xf32, #tpu.memory_space<vmem>>
        %dma_start3A_697 = tpu.memref_squeeze %dma_start3A_696 : memref<1x1x64xf32, #tpu.memory_space<vmem>> -> memref<64xf32, #tpu.memory_space<vmem>>
        %dma_start3A_698 = arith.constant 0 : i32
        %dma_start3A_699 = tpu.memref_slice %arg3[%select_n3A, %squeeze3A_686, %dma_start3A_698] : memref<26x100000x64xf32, #tpu.memory_space<hbm>> -> memref<1x1x64xf32, #tpu.memory_space<hbm>>
        %dma_start3A_700 = tpu.memref_squeeze %dma_start3A_699 : memref<1x1x64xf32, #tpu.memory_space<hbm>> -> memref<64xf32, #tpu.memory_space<hbm>>
        tpu.enqueue_dma source(%dma_start3A_700 : memref<64xf32, #tpu.memory_space<hbm>>) target(%dma_start3A_697 : memref<64xf32, #tpu.memory_space<vmem>>) target_semaphore(%arg7 : memref<!tpu.dma_semaphore, #tpu.memory_space<semaphore_mem>>)
        %slice3A_701 = vector.extract_strided_slice %get3A_668 {offsets = [2], sizes = [1], strides = [1]} : vector<16xi32> to vector<1xi32>
        %squeeze3A_702 = vector.extract %slice3A_701[0] : i32 from vector<1xi32>
        %add3A_703 = arith.constant 2 : i32
        %add3A_704 = arith.addi %add3A_663, %add3A_703 : i32
        %dma_start3A_705 = arith.constant 0 : i32
        %dma_start3A_706 = tpu.memref_slice %arg6[%select_n3A_91, %add3A_704, %dma_start3A_705] : memref<2x256x64xf32, #tpu.memory_space<vmem>> -> memref<1x1x64xf32, #tpu.memory_space<vmem>>
        %dma_start3A_707 = tpu.memref_squeeze %dma_start3A_706 : memref<1x1x64xf32, #tpu.memory_space<vmem>> -> memref<64xf32, #tpu.memory_space<vmem>>
        %dma_start3A_708 = arith.constant 0 : i32
        %dma_start3A_709 = tpu.memref_slice %arg3[%select_n3A, %squeeze3A_702, %dma_start3A_708] : memref<26x100000x64xf32, #tpu.memory_space<hbm>> -> memref<1x1x64xf32, #tpu.memory_space<hbm>>
        %dma_start3A_710 = tpu.memref_squeeze %dma_start3A_709 : memref<1x1x64xf32, #tpu.memory_space<hbm>> -> memref<64xf32, #tpu.memory_space<hbm>>
        %dma_start3A_711 = arith.constant 0 : i32
        %dma_start3A_712 = tpu.memref_slice %arg6[%select_n3A_91, %add3A_704, %dma_start3A_711] : memref<2x256x64xf32, #tpu.memory_space<vmem>> -> memref<1x1x64xf32, #tpu.memory_space<vmem>>
        %dma_start3A_713 = tpu.memref_squeeze %dma_start3A_712 : memref<1x1x64xf32, #tpu.memory_space<vmem>> -> memref<64xf32, #tpu.memory_space<vmem>>
        %dma_start3A_714 = arith.constant 0 : i32
        %dma_start3A_715 = tpu.memref_slice %arg3[%select_n3A, %squeeze3A_702, %dma_start3A_714] : memref<26x100000x64xf32, #tpu.memory_space<hbm>> -> memref<1x1x64xf32, #tpu.memory_space<hbm>>
        %dma_start3A_716 = tpu.memref_squeeze %dma_start3A_715 : memref<1x1x64xf32, #tpu.memory_space<hbm>> -> memref<64xf32, #tpu.memory_space<hbm>>
        tpu.enqueue_dma source(%dma_start3A_716 : memref<64xf32, #tpu.memory_space<hbm>>) target(%dma_start3A_713 : memref<64xf32, #tpu.memory_space<vmem>>) target_semaphore(%arg7 : memref<!tpu.dma_semaphore, #tpu.memory_space<semaphore_mem>>)
        %slice3A_717 = vector.extract_strided_slice %get3A_668 {offsets = [3], sizes = [1], strides = [1]} : vector<16xi32> to vector<1xi32>
        %squeeze3A_718 = vector.extract %slice3A_717[0] : i32 from vector<1xi32>
        %add3A_719 = arith.constant 3 : i32
        %add3A_720 = arith.addi %add3A_663, %add3A_719 : i32
        %dma_start3A_721 = arith.constant 0 : i32
        %dma_start3A_722 = tpu.memref_slice %arg6[%select_n3A_91, %add3A_720, %dma_start3A_721] : memref<2x256x64xf32, #tpu.memory_space<vmem>> -> memref<1x1x64xf32, #tpu.memory_space<vmem>>
        %dma_start3A_723 = tpu.memref_squeeze %dma_start3A_722 : memref<1x1x64xf32, #tpu.memory_space<vmem>> -> memref<64xf32, #tpu.memory_space<vmem>>
        %dma_start3A_724 = arith.constant 0 : i32
        %dma_start3A_725 = tpu.memref_slice %arg3[%select_n3A, %squeeze3A_718, %dma_start3A_724] : memref<26x100000x64xf32, #tpu.memory_space<hbm>> -> memref<1x1x64xf32, #tpu.memory_space<hbm>>
        %dma_start3A_726 = tpu.memref_squeeze %dma_start3A_725 : memref<1x1x64xf32, #tpu.memory_space<hbm>> -> memref<64xf32, #tpu.memory_space<hbm>>
        %dma_start3A_727 = arith.constant 0 : i32
        %dma_start3A_728 = tpu.memref_slice %arg6[%select_n3A_91, %add3A_720, %dma_start3A_727] : memref<2x256x64xf32, #tpu.memory_space<vmem>> -> memref<1x1x64xf32, #tpu.memory_space<vmem>>
        %dma_start3A_729 = tpu.memref_squeeze %dma_start3A_728 : memref<1x1x64xf32, #tpu.memory_space<vmem>> -> memref<64xf32, #tpu.memory_space<vmem>>
        %dma_start3A_730 = arith.constant 0 : i32
        %dma_start3A_731 = tpu.memref_slice %arg3[%select_n3A, %squeeze3A_718, %dma_start3A_730] : memref<26x100000x64xf32, #tpu.memory_space<hbm>> -> memref<1x1x64xf32, #tpu.memory_space<hbm>>
        %dma_start3A_732 = tpu.memref_squeeze %dma_start3A_731 : memref<1x1x64xf32, #tpu.memory_space<hbm>> -> memref<64xf32, #tpu.memory_space<hbm>>
        tpu.enqueue_dma source(%dma_start3A_732 : memref<64xf32, #tpu.memory_space<hbm>>) target(%dma_start3A_729 : memref<64xf32, #tpu.memory_space<vmem>>) target_semaphore(%arg7 : memref<!tpu.dma_semaphore, #tpu.memory_space<semaphore_mem>>)
        %slice3A_733 = vector.extract_strided_slice %get3A_668 {offsets = [4], sizes = [1], strides = [1]} : vector<16xi32> to vector<1xi32>
        %squeeze3A_734 = vector.extract %slice3A_733[0] : i32 from vector<1xi32>
        %add3A_735 = arith.constant 4 : i32
        %add3A_736 = arith.addi %add3A_663, %add3A_735 : i32
        %dma_start3A_737 = arith.constant 0 : i32
        %dma_start3A_738 = tpu.memref_slice %arg6[%select_n3A_91, %add3A_736, %dma_start3A_737] : memref<2x256x64xf32, #tpu.memory_space<vmem>> -> memref<1x1x64xf32, #tpu.memory_space<vmem>>
        %dma_start3A_739 = tpu.memref_squeeze %dma_start3A_738 : memref<1x1x64xf32, #tpu.memory_space<vmem>> -> memref<64xf32, #tpu.memory_space<vmem>>
        %dma_start3A_740 = arith.constant 0 : i32
        %dma_start3A_741 = tpu.memref_slice %arg3[%select_n3A, %squeeze3A_734, %dma_start3A_740] : memref<26x100000x64xf32, #tpu.memory_space<hbm>> -> memref<1x1x64xf32, #tpu.memory_space<hbm>>
        %dma_start3A_742 = tpu.memref_squeeze %dma_start3A_741 : memref<1x1x64xf32, #tpu.memory_space<hbm>> -> memref<64xf32, #tpu.memory_space<hbm>>
        %dma_start3A_743 = arith.constant 0 : i32
        %dma_start3A_744 = tpu.memref_slice %arg6[%select_n3A_91, %add3A_736, %dma_start3A_743] : memref<2x256x64xf32, #tpu.memory_space<vmem>> -> memref<1x1x64xf32, #tpu.memory_space<vmem>>
        %dma_start3A_745 = tpu.memref_squeeze %dma_start3A_744 : memref<1x1x64xf32, #tpu.memory_space<vmem>> -> memref<64xf32, #tpu.memory_space<vmem>>
        %dma_start3A_746 = arith.constant 0 : i32
        %dma_start3A_747 = tpu.memref_slice %arg3[%select_n3A, %squeeze3A_734, %dma_start3A_746] : memref<26x100000x64xf32, #tpu.memory_space<hbm>> -> memref<1x1x64xf32, #tpu.memory_space<hbm>>
        %dma_start3A_748 = tpu.memref_squeeze %dma_start3A_747 : memref<1x1x64xf32, #tpu.memory_space<hbm>> -> memref<64xf32, #tpu.memory_space<hbm>>
        tpu.enqueue_dma source(%dma_start3A_748 : memref<64xf32, #tpu.memory_space<hbm>>) target(%dma_start3A_745 : memref<64xf32, #tpu.memory_space<vmem>>) target_semaphore(%arg7 : memref<!tpu.dma_semaphore, #tpu.memory_space<semaphore_mem>>)
        %slice3A_749 = vector.extract_strided_slice %get3A_668 {offsets = [5], sizes = [1], strides = [1]} : vector<16xi32> to vector<1xi32>
        %squeeze3A_750 = vector.extract %slice3A_749[0] : i32 from vector<1xi32>
        %add3A_751 = arith.constant 5 : i32
        %add3A_752 = arith.addi %add3A_663, %add3A_751 : i32
        %dma_start3A_753 = arith.constant 0 : i32
        %dma_start3A_754 = tpu.memref_slice %arg6[%select_n3A_91, %add3A_752, %dma_start3A_753] : memref<2x256x64xf32, #tpu.memory_space<vmem>> -> memref<1x1x64xf32, #tpu.memory_space<vmem>>
        %dma_start3A_755 = tpu.memref_squeeze %dma_start3A_754 : memref<1x1x64xf32, #tpu.memory_space<vmem>> -> memref<64xf32, #tpu.memory_space<vmem>>
        %dma_start3A_756 = arith.constant 0 : i32
        %dma_start3A_757 = tpu.memref_slice %arg3[%select_n3A, %squeeze3A_750, %dma_start3A_756] : memref<26x100000x64xf32, #tpu.memory_space<hbm>> -> memref<1x1x64xf32, #tpu.memory_space<hbm>>
        %dma_start3A_758 = tpu.memref_squeeze %dma_start3A_757 : memref<1x1x64xf32, #tpu.memory_space<hbm>> -> memref<64xf32, #tpu.memory_space<hbm>>
        %dma_start3A_759 = arith.constant 0 : i32
        %dma_start3A_760 = tpu.memref_slice %arg6[%select_n3A_91, %add3A_752, %dma_start3A_759] : memref<2x256x64xf32, #tpu.memory_space<vmem>> -> memref<1x1x64xf32, #tpu.memory_space<vmem>>
        %dma_start3A_761 = tpu.memref_squeeze %dma_start3A_760 : memref<1x1x64xf32, #tpu.memory_space<vmem>> -> memref<64xf32, #tpu.memory_space<vmem>>
        %dma_start3A_762 = arith.constant 0 : i32
        %dma_start3A_763 = tpu.memref_slice %arg3[%select_n3A, %squeeze3A_750, %dma_start3A_762] : memref<26x100000x64xf32, #tpu.memory_space<hbm>> -> memref<1x1x64xf32, #tpu.memory_space<hbm>>
        %dma_start3A_764 = tpu.memref_squeeze %dma_start3A_763 : memref<1x1x64xf32, #tpu.memory_space<hbm>> -> memref<64xf32, #tpu.memory_space<hbm>>
        tpu.enqueue_dma source(%dma_start3A_764 : memref<64xf32, #tpu.memory_space<hbm>>) target(%dma_start3A_761 : memref<64xf32, #tpu.memory_space<vmem>>) target_semaphore(%arg7 : memref<!tpu.dma_semaphore, #tpu.memory_space<semaphore_mem>>)
        %slice3A_765 = vector.extract_strided_slice %get3A_668 {offsets = [6], sizes = [1], strides = [1]} : vector<16xi32> to vector<1xi32>
        %squeeze3A_766 = vector.extract %slice3A_765[0] : i32 from vector<1xi32>
        %add3A_767 = arith.constant 6 : i32
        %add3A_768 = arith.addi %add3A_663, %add3A_767 : i32
        %dma_start3A_769 = arith.constant 0 : i32
        %dma_start3A_770 = tpu.memref_slice %arg6[%select_n3A_91, %add3A_768, %dma_start3A_769] : memref<2x256x64xf32, #tpu.memory_space<vmem>> -> memref<1x1x64xf32, #tpu.memory_space<vmem>>
        %dma_start3A_771 = tpu.memref_squeeze %dma_start3A_770 : memref<1x1x64xf32, #tpu.memory_space<vmem>> -> memref<64xf32, #tpu.memory_space<vmem>>
        %dma_start3A_772 = arith.constant 0 : i32
        %dma_start3A_773 = tpu.memref_slice %arg3[%select_n3A, %squeeze3A_766, %dma_start3A_772] : memref<26x100000x64xf32, #tpu.memory_space<hbm>> -> memref<1x1x64xf32, #tpu.memory_space<hbm>>
        %dma_start3A_774 = tpu.memref_squeeze %dma_start3A_773 : memref<1x1x64xf32, #tpu.memory_space<hbm>> -> memref<64xf32, #tpu.memory_space<hbm>>
        %dma_start3A_775 = arith.constant 0 : i32
        %dma_start3A_776 = tpu.memref_slice %arg6[%select_n3A_91, %add3A_768, %dma_start3A_775] : memref<2x256x64xf32, #tpu.memory_space<vmem>> -> memref<1x1x64xf32, #tpu.memory_space<vmem>>
        %dma_start3A_777 = tpu.memref_squeeze %dma_start3A_776 : memref<1x1x64xf32, #tpu.memory_space<vmem>> -> memref<64xf32, #tpu.memory_space<vmem>>
        %dma_start3A_778 = arith.constant 0 : i32
        %dma_start3A_779 = tpu.memref_slice %arg3[%select_n3A, %squeeze3A_766, %dma_start3A_778] : memref<26x100000x64xf32, #tpu.memory_space<hbm>> -> memref<1x1x64xf32, #tpu.memory_space<hbm>>
        %dma_start3A_780 = tpu.memref_squeeze %dma_start3A_779 : memref<1x1x64xf32, #tpu.memory_space<hbm>> -> memref<64xf32, #tpu.memory_space<hbm>>
        tpu.enqueue_dma source(%dma_start3A_780 : memref<64xf32, #tpu.memory_space<hbm>>) target(%dma_start3A_777 : memref<64xf32, #tpu.memory_space<vmem>>) target_semaphore(%arg7 : memref<!tpu.dma_semaphore, #tpu.memory_space<semaphore_mem>>)
        %slice3A_781 = vector.extract_strided_slice %get3A_668 {offsets = [7], sizes = [1], strides = [1]} : vector<16xi32> to vector<1xi32>
        %squeeze3A_782 = vector.extract %slice3A_781[0] : i32 from vector<1xi32>
        %add3A_783 = arith.constant 7 : i32
        %add3A_784 = arith.addi %add3A_663, %add3A_783 : i32
        %dma_start3A_785 = arith.constant 0 : i32
        %dma_start3A_786 = tpu.memref_slice %arg6[%select_n3A_91, %add3A_784, %dma_start3A_785] : memref<2x256x64xf32, #tpu.memory_space<vmem>> -> memref<1x1x64xf32, #tpu.memory_space<vmem>>
        %dma_start3A_787 = tpu.memref_squeeze %dma_start3A_786 : memref<1x1x64xf32, #tpu.memory_space<vmem>> -> memref<64xf32, #tpu.memory_space<vmem>>
        %dma_start3A_788 = arith.constant 0 : i32
        %dma_start3A_789 = tpu.memref_slice %arg3[%select_n3A, %squeeze3A_782, %dma_start3A_788] : memref<26x100000x64xf32, #tpu.memory_space<hbm>> -> memref<1x1x64xf32, #tpu.memory_space<hbm>>
        %dma_start3A_790 = tpu.memref_squeeze %dma_start3A_789 : memref<1x1x64xf32, #tpu.memory_space<hbm>> -> memref<64xf32, #tpu.memory_space<hbm>>
        %dma_start3A_791 = arith.constant 0 : i32
        %dma_start3A_792 = tpu.memref_slice %arg6[%select_n3A_91, %add3A_784, %dma_start3A_791] : memref<2x256x64xf32, #tpu.memory_space<vmem>> -> memref<1x1x64xf32, #tpu.memory_space<vmem>>
        %dma_start3A_793 = tpu.memref_squeeze %dma_start3A_792 : memref<1x1x64xf32, #tpu.memory_space<vmem>> -> memref<64xf32, #tpu.memory_space<vmem>>
        %dma_start3A_794 = arith.constant 0 : i32
        %dma_start3A_795 = tpu.memref_slice %arg3[%select_n3A, %squeeze3A_782, %dma_start3A_794] : memref<26x100000x64xf32, #tpu.memory_space<hbm>> -> memref<1x1x64xf32, #tpu.memory_space<hbm>>
        %dma_start3A_796 = tpu.memref_squeeze %dma_start3A_795 : memref<1x1x64xf32, #tpu.memory_space<hbm>> -> memref<64xf32, #tpu.memory_space<hbm>>
        tpu.enqueue_dma source(%dma_start3A_796 : memref<64xf32, #tpu.memory_space<hbm>>) target(%dma_start3A_793 : memref<64xf32, #tpu.memory_space<vmem>>) target_semaphore(%arg7 : memref<!tpu.dma_semaphore, #tpu.memory_space<semaphore_mem>>)
        %slice3A_797 = vector.extract_strided_slice %get3A_668 {offsets = [8], sizes = [1], strides = [1]} : vector<16xi32> to vector<1xi32>
        %squeeze3A_798 = vector.extract %slice3A_797[0] : i32 from vector<1xi32>
        %add3A_799 = arith.constant 8 : i32
        %add3A_800 = arith.addi %add3A_663, %add3A_799 : i32
        %dma_start3A_801 = arith.constant 0 : i32
        %dma_start3A_802 = tpu.memref_slice %arg6[%select_n3A_91, %add3A_800, %dma_start3A_801] : memref<2x256x64xf32, #tpu.memory_space<vmem>> -> memref<1x1x64xf32, #tpu.memory_space<vmem>>
        %dma_start3A_803 = tpu.memref_squeeze %dma_start3A_802 : memref<1x1x64xf32, #tpu.memory_space<vmem>> -> memref<64xf32, #tpu.memory_space<vmem>>
        %dma_start3A_804 = arith.constant 0 : i32
        %dma_start3A_805 = tpu.memref_slice %arg3[%select_n3A, %squeeze3A_798, %dma_start3A_804] : memref<26x100000x64xf32, #tpu.memory_space<hbm>> -> memref<1x1x64xf32, #tpu.memory_space<hbm>>
        %dma_start3A_806 = tpu.memref_squeeze %dma_start3A_805 : memref<1x1x64xf32, #tpu.memory_space<hbm>> -> memref<64xf32, #tpu.memory_space<hbm>>
        %dma_start3A_807 = arith.constant 0 : i32
        %dma_start3A_808 = tpu.memref_slice %arg6[%select_n3A_91, %add3A_800, %dma_start3A_807] : memref<2x256x64xf32, #tpu.memory_space<vmem>> -> memref<1x1x64xf32, #tpu.memory_space<vmem>>
        %dma_start3A_809 = tpu.memref_squeeze %dma_start3A_808 : memref<1x1x64xf32, #tpu.memory_space<vmem>> -> memref<64xf32, #tpu.memory_space<vmem>>
        %dma_start3A_810 = arith.constant 0 : i32
        %dma_start3A_811 = tpu.memref_slice %arg3[%select_n3A, %squeeze3A_798, %dma_start3A_810] : memref<26x100000x64xf32, #tpu.memory_space<hbm>> -> memref<1x1x64xf32, #tpu.memory_space<hbm>>
        %dma_start3A_812 = tpu.memref_squeeze %dma_start3A_811 : memref<1x1x64xf32, #tpu.memory_space<hbm>> -> memref<64xf32, #tpu.memory_space<hbm>>
        tpu.enqueue_dma source(%dma_start3A_812 : memref<64xf32, #tpu.memory_space<hbm>>) target(%dma_start3A_809 : memref<64xf32, #tpu.memory_space<vmem>>) target_semaphore(%arg7 : memref<!tpu.dma_semaphore, #tpu.memory_space<semaphore_mem>>)
        %slice3A_813 = vector.extract_strided_slice %get3A_668 {offsets = [9], sizes = [1], strides = [1]} : vector<16xi32> to vector<1xi32>
        %squeeze3A_814 = vector.extract %slice3A_813[0] : i32 from vector<1xi32>
        %add3A_815 = arith.constant 9 : i32
        %add3A_816 = arith.addi %add3A_663, %add3A_815 : i32
        %dma_start3A_817 = arith.constant 0 : i32
        %dma_start3A_818 = tpu.memref_slice %arg6[%select_n3A_91, %add3A_816, %dma_start3A_817] : memref<2x256x64xf32, #tpu.memory_space<vmem>> -> memref<1x1x64xf32, #tpu.memory_space<vmem>>
        %dma_start3A_819 = tpu.memref_squeeze %dma_start3A_818 : memref<1x1x64xf32, #tpu.memory_space<vmem>> -> memref<64xf32, #tpu.memory_space<vmem>>
        %dma_start3A_820 = arith.constant 0 : i32
        %dma_start3A_821 = tpu.memref_slice %arg3[%select_n3A, %squeeze3A_814, %dma_start3A_820] : memref<26x100000x64xf32, #tpu.memory_space<hbm>> -> memref<1x1x64xf32, #tpu.memory_space<hbm>>
        %dma_start3A_822 = tpu.memref_squeeze %dma_start3A_821 : memref<1x1x64xf32, #tpu.memory_space<hbm>> -> memref<64xf32, #tpu.memory_space<hbm>>
        %dma_start3A_823 = arith.constant 0 : i32
        %dma_start3A_824 = tpu.memref_slice %arg6[%select_n3A_91, %add3A_816, %dma_start3A_823] : memref<2x256x64xf32, #tpu.memory_space<vmem>> -> memref<1x1x64xf32, #tpu.memory_space<vmem>>
        %dma_start3A_825 = tpu.memref_squeeze %dma_start3A_824 : memref<1x1x64xf32, #tpu.memory_space<vmem>> -> memref<64xf32, #tpu.memory_space<vmem>>
        %dma_start3A_826 = arith.constant 0 : i32
        %dma_start3A_827 = tpu.memref_slice %arg3[%select_n3A, %squeeze3A_814, %dma_start3A_826] : memref<26x100000x64xf32, #tpu.memory_space<hbm>> -> memref<1x1x64xf32, #tpu.memory_space<hbm>>
        %dma_start3A_828 = tpu.memref_squeeze %dma_start3A_827 : memref<1x1x64xf32, #tpu.memory_space<hbm>> -> memref<64xf32, #tpu.memory_space<hbm>>
        tpu.enqueue_dma source(%dma_start3A_828 : memref<64xf32, #tpu.memory_space<hbm>>) target(%dma_start3A_825 : memref<64xf32, #tpu.memory_space<vmem>>) target_semaphore(%arg7 : memref<!tpu.dma_semaphore, #tpu.memory_space<semaphore_mem>>)
        %slice3A_829 = vector.extract_strided_slice %get3A_668 {offsets = [10], sizes = [1], strides = [1]} : vector<16xi32> to vector<1xi32>
        %squeeze3A_830 = vector.extract %slice3A_829[0] : i32 from vector<1xi32>
        %add3A_831 = arith.constant 10 : i32
        %add3A_832 = arith.addi %add3A_663, %add3A_831 : i32
        %dma_start3A_833 = arith.constant 0 : i32
        %dma_start3A_834 = tpu.memref_slice %arg6[%select_n3A_91, %add3A_832, %dma_start3A_833] : memref<2x256x64xf32, #tpu.memory_space<vmem>> -> memref<1x1x64xf32, #tpu.memory_space<vmem>>
        %dma_start3A_835 = tpu.memref_squeeze %dma_start3A_834 : memref<1x1x64xf32, #tpu.memory_space<vmem>> -> memref<64xf32, #tpu.memory_space<vmem>>
        %dma_start3A_836 = arith.constant 0 : i32
        %dma_start3A_837 = tpu.memref_slice %arg3[%select_n3A, %squeeze3A_830, %dma_start3A_836] : memref<26x100000x64xf32, #tpu.memory_space<hbm>> -> memref<1x1x64xf32, #tpu.memory_space<hbm>>
        %dma_start3A_838 = tpu.memref_squeeze %dma_start3A_837 : memref<1x1x64xf32, #tpu.memory_space<hbm>> -> memref<64xf32, #tpu.memory_space<hbm>>
        %dma_start3A_839 = arith.constant 0 : i32
        %dma_start3A_840 = tpu.memref_slice %arg6[%select_n3A_91, %add3A_832, %dma_start3A_839] : memref<2x256x64xf32, #tpu.memory_space<vmem>> -> memref<1x1x64xf32, #tpu.memory_space<vmem>>
        %dma_start3A_841 = tpu.memref_squeeze %dma_start3A_840 : memref<1x1x64xf32, #tpu.memory_space<vmem>> -> memref<64xf32, #tpu.memory_space<vmem>>
        %dma_start3A_842 = arith.constant 0 : i32
        %dma_start3A_843 = tpu.memref_slice %arg3[%select_n3A, %squeeze3A_830, %dma_start3A_842] : memref<26x100000x64xf32, #tpu.memory_space<hbm>> -> memref<1x1x64xf32, #tpu.memory_space<hbm>>
        %dma_start3A_844 = tpu.memref_squeeze %dma_start3A_843 : memref<1x1x64xf32, #tpu.memory_space<hbm>> -> memref<64xf32, #tpu.memory_space<hbm>>
        tpu.enqueue_dma source(%dma_start3A_844 : memref<64xf32, #tpu.memory_space<hbm>>) target(%dma_start3A_841 : memref<64xf32, #tpu.memory_space<vmem>>) target_semaphore(%arg7 : memref<!tpu.dma_semaphore, #tpu.memory_space<semaphore_mem>>)
        %slice3A_845 = vector.extract_strided_slice %get3A_668 {offsets = [11], sizes = [1], strides = [1]} : vector<16xi32> to vector<1xi32>
        %squeeze3A_846 = vector.extract %slice3A_845[0] : i32 from vector<1xi32>
        %add3A_847 = arith.constant 11 : i32
        %add3A_848 = arith.addi %add3A_663, %add3A_847 : i32
        %dma_start3A_849 = arith.constant 0 : i32
        %dma_start3A_850 = tpu.memref_slice %arg6[%select_n3A_91, %add3A_848, %dma_start3A_849] : memref<2x256x64xf32, #tpu.memory_space<vmem>> -> memref<1x1x64xf32, #tpu.memory_space<vmem>>
        %dma_start3A_851 = tpu.memref_squeeze %dma_start3A_850 : memref<1x1x64xf32, #tpu.memory_space<vmem>> -> memref<64xf32, #tpu.memory_space<vmem>>
        %dma_start3A_852 = arith.constant 0 : i32
        %dma_start3A_853 = tpu.memref_slice %arg3[%select_n3A, %squeeze3A_846, %dma_start3A_852] : memref<26x100000x64xf32, #tpu.memory_space<hbm>> -> memref<1x1x64xf32, #tpu.memory_space<hbm>>
        %dma_start3A_854 = tpu.memref_squeeze %dma_start3A_853 : memref<1x1x64xf32, #tpu.memory_space<hbm>> -> memref<64xf32, #tpu.memory_space<hbm>>
        %dma_start3A_855 = arith.constant 0 : i32
        %dma_start3A_856 = tpu.memref_slice %arg6[%select_n3A_91, %add3A_848, %dma_start3A_855] : memref<2x256x64xf32, #tpu.memory_space<vmem>> -> memref<1x1x64xf32, #tpu.memory_space<vmem>>
        %dma_start3A_857 = tpu.memref_squeeze %dma_start3A_856 : memref<1x1x64xf32, #tpu.memory_space<vmem>> -> memref<64xf32, #tpu.memory_space<vmem>>
        %dma_start3A_858 = arith.constant 0 : i32
        %dma_start3A_859 = tpu.memref_slice %arg3[%select_n3A, %squeeze3A_846, %dma_start3A_858] : memref<26x100000x64xf32, #tpu.memory_space<hbm>> -> memref<1x1x64xf32, #tpu.memory_space<hbm>>
        %dma_start3A_860 = tpu.memref_squeeze %dma_start3A_859 : memref<1x1x64xf32, #tpu.memory_space<hbm>> -> memref<64xf32, #tpu.memory_space<hbm>>
        tpu.enqueue_dma source(%dma_start3A_860 : memref<64xf32, #tpu.memory_space<hbm>>) target(%dma_start3A_857 : memref<64xf32, #tpu.memory_space<vmem>>) target_semaphore(%arg7 : memref<!tpu.dma_semaphore, #tpu.memory_space<semaphore_mem>>)
        %slice3A_861 = vector.extract_strided_slice %get3A_668 {offsets = [12], sizes = [1], strides = [1]} : vector<16xi32> to vector<1xi32>
        %squeeze3A_862 = vector.extract %slice3A_861[0] : i32 from vector<1xi32>
        %add3A_863 = arith.constant 12 : i32
        %add3A_864 = arith.addi %add3A_663, %add3A_863 : i32
        %dma_start3A_865 = arith.constant 0 : i32
        %dma_start3A_866 = tpu.memref_slice %arg6[%select_n3A_91, %add3A_864, %dma_start3A_865] : memref<2x256x64xf32, #tpu.memory_space<vmem>> -> memref<1x1x64xf32, #tpu.memory_space<vmem>>
        %dma_start3A_867 = tpu.memref_squeeze %dma_start3A_866 : memref<1x1x64xf32, #tpu.memory_space<vmem>> -> memref<64xf32, #tpu.memory_space<vmem>>
        %dma_start3A_868 = arith.constant 0 : i32
        %dma_start3A_869 = tpu.memref_slice %arg3[%select_n3A, %squeeze3A_862, %dma_start3A_868] : memref<26x100000x64xf32, #tpu.memory_space<hbm>> -> memref<1x1x64xf32, #tpu.memory_space<hbm>>
        %dma_start3A_870 = tpu.memref_squeeze %dma_start3A_869 : memref<1x1x64xf32, #tpu.memory_space<hbm>> -> memref<64xf32, #tpu.memory_space<hbm>>
        %dma_start3A_871 = arith.constant 0 : i32
        %dma_start3A_872 = tpu.memref_slice %arg6[%select_n3A_91, %add3A_864, %dma_start3A_871] : memref<2x256x64xf32, #tpu.memory_space<vmem>> -> memref<1x1x64xf32, #tpu.memory_space<vmem>>
        %dma_start3A_873 = tpu.memref_squeeze %dma_start3A_872 : memref<1x1x64xf32, #tpu.memory_space<vmem>> -> memref<64xf32, #tpu.memory_space<vmem>>
        %dma_start3A_874 = arith.constant 0 : i32
        %dma_start3A_875 = tpu.memref_slice %arg3[%select_n3A, %squeeze3A_862, %dma_start3A_874] : memref<26x100000x64xf32, #tpu.memory_space<hbm>> -> memref<1x1x64xf32, #tpu.memory_space<hbm>>
        %dma_start3A_876 = tpu.memref_squeeze %dma_start3A_875 : memref<1x1x64xf32, #tpu.memory_space<hbm>> -> memref<64xf32, #tpu.memory_space<hbm>>
        tpu.enqueue_dma source(%dma_start3A_876 : memref<64xf32, #tpu.memory_space<hbm>>) target(%dma_start3A_873 : memref<64xf32, #tpu.memory_space<vmem>>) target_semaphore(%arg7 : memref<!tpu.dma_semaphore, #tpu.memory_space<semaphore_mem>>)
        %slice3A_877 = vector.extract_strided_slice %get3A_668 {offsets = [13], sizes = [1], strides = [1]} : vector<16xi32> to vector<1xi32>
        %squeeze3A_878 = vector.extract %slice3A_877[0] : i32 from vector<1xi32>
        %add3A_879 = arith.constant 13 : i32
        %add3A_880 = arith.addi %add3A_663, %add3A_879 : i32
        %dma_start3A_881 = arith.constant 0 : i32
        %dma_start3A_882 = tpu.memref_slice %arg6[%select_n3A_91, %add3A_880, %dma_start3A_881] : memref<2x256x64xf32, #tpu.memory_space<vmem>> -> memref<1x1x64xf32, #tpu.memory_space<vmem>>
        %dma_start3A_883 = tpu.memref_squeeze %dma_start3A_882 : memref<1x1x64xf32, #tpu.memory_space<vmem>> -> memref<64xf32, #tpu.memory_space<vmem>>
        %dma_start3A_884 = arith.constant 0 : i32
        %dma_start3A_885 = tpu.memref_slice %arg3[%select_n3A, %squeeze3A_878, %dma_start3A_884] : memref<26x100000x64xf32, #tpu.memory_space<hbm>> -> memref<1x1x64xf32, #tpu.memory_space<hbm>>
        %dma_start3A_886 = tpu.memref_squeeze %dma_start3A_885 : memref<1x1x64xf32, #tpu.memory_space<hbm>> -> memref<64xf32, #tpu.memory_space<hbm>>
        %dma_start3A_887 = arith.constant 0 : i32
        %dma_start3A_888 = tpu.memref_slice %arg6[%select_n3A_91, %add3A_880, %dma_start3A_887] : memref<2x256x64xf32, #tpu.memory_space<vmem>> -> memref<1x1x64xf32, #tpu.memory_space<vmem>>
        %dma_start3A_889 = tpu.memref_squeeze %dma_start3A_888 : memref<1x1x64xf32, #tpu.memory_space<vmem>> -> memref<64xf32, #tpu.memory_space<vmem>>
        %dma_start3A_890 = arith.constant 0 : i32
        %dma_start3A_891 = tpu.memref_slice %arg3[%select_n3A, %squeeze3A_878, %dma_start3A_890] : memref<26x100000x64xf32, #tpu.memory_space<hbm>> -> memref<1x1x64xf32, #tpu.memory_space<hbm>>
        %dma_start3A_892 = tpu.memref_squeeze %dma_start3A_891 : memref<1x1x64xf32, #tpu.memory_space<hbm>> -> memref<64xf32, #tpu.memory_space<hbm>>
        tpu.enqueue_dma source(%dma_start3A_892 : memref<64xf32, #tpu.memory_space<hbm>>) target(%dma_start3A_889 : memref<64xf32, #tpu.memory_space<vmem>>) target_semaphore(%arg7 : memref<!tpu.dma_semaphore, #tpu.memory_space<semaphore_mem>>)
        %slice3A_893 = vector.extract_strided_slice %get3A_668 {offsets = [14], sizes = [1], strides = [1]} : vector<16xi32> to vector<1xi32>
        %squeeze3A_894 = vector.extract %slice3A_893[0] : i32 from vector<1xi32>
        %add3A_895 = arith.constant 14 : i32
        %add3A_896 = arith.addi %add3A_663, %add3A_895 : i32
        %dma_start3A_897 = arith.constant 0 : i32
        %dma_start3A_898 = tpu.memref_slice %arg6[%select_n3A_91, %add3A_896, %dma_start3A_897] : memref<2x256x64xf32, #tpu.memory_space<vmem>> -> memref<1x1x64xf32, #tpu.memory_space<vmem>>
        %dma_start3A_899 = tpu.memref_squeeze %dma_start3A_898 : memref<1x1x64xf32, #tpu.memory_space<vmem>> -> memref<64xf32, #tpu.memory_space<vmem>>
        %dma_start3A_900 = arith.constant 0 : i32
        %dma_start3A_901 = tpu.memref_slice %arg3[%select_n3A, %squeeze3A_894, %dma_start3A_900] : memref<26x100000x64xf32, #tpu.memory_space<hbm>> -> memref<1x1x64xf32, #tpu.memory_space<hbm>>
        %dma_start3A_902 = tpu.memref_squeeze %dma_start3A_901 : memref<1x1x64xf32, #tpu.memory_space<hbm>> -> memref<64xf32, #tpu.memory_space<hbm>>
        %dma_start3A_903 = arith.constant 0 : i32
        %dma_start3A_904 = tpu.memref_slice %arg6[%select_n3A_91, %add3A_896, %dma_start3A_903] : memref<2x256x64xf32, #tpu.memory_space<vmem>> -> memref<1x1x64xf32, #tpu.memory_space<vmem>>
        %dma_start3A_905 = tpu.memref_squeeze %dma_start3A_904 : memref<1x1x64xf32, #tpu.memory_space<vmem>> -> memref<64xf32, #tpu.memory_space<vmem>>
        %dma_start3A_906 = arith.constant 0 : i32
        %dma_start3A_907 = tpu.memref_slice %arg3[%select_n3A, %squeeze3A_894, %dma_start3A_906] : memref<26x100000x64xf32, #tpu.memory_space<hbm>> -> memref<1x1x64xf32, #tpu.memory_space<hbm>>
        %dma_start3A_908 = tpu.memref_squeeze %dma_start3A_907 : memref<1x1x64xf32, #tpu.memory_space<hbm>> -> memref<64xf32, #tpu.memory_space<hbm>>
        tpu.enqueue_dma source(%dma_start3A_908 : memref<64xf32, #tpu.memory_space<hbm>>) target(%dma_start3A_905 : memref<64xf32, #tpu.memory_space<vmem>>) target_semaphore(%arg7 : memref<!tpu.dma_semaphore, #tpu.memory_space<semaphore_mem>>)
        %slice3A_909 = vector.extract_strided_slice %get3A_668 {offsets = [15], sizes = [1], strides = [1]} : vector<16xi32> to vector<1xi32>
        %squeeze3A_910 = vector.extract %slice3A_909[0] : i32 from vector<1xi32>
        %add3A_911 = arith.constant 15 : i32
        %add3A_912 = arith.addi %add3A_663, %add3A_911 : i32
        %dma_start3A_913 = arith.constant 0 : i32
        %dma_start3A_914 = tpu.memref_slice %arg6[%select_n3A_91, %add3A_912, %dma_start3A_913] : memref<2x256x64xf32, #tpu.memory_space<vmem>> -> memref<1x1x64xf32, #tpu.memory_space<vmem>>
        %dma_start3A_915 = tpu.memref_squeeze %dma_start3A_914 : memref<1x1x64xf32, #tpu.memory_space<vmem>> -> memref<64xf32, #tpu.memory_space<vmem>>
        %dma_start3A_916 = arith.constant 0 : i32
        %dma_start3A_917 = tpu.memref_slice %arg3[%select_n3A, %squeeze3A_910, %dma_start3A_916] : memref<26x100000x64xf32, #tpu.memory_space<hbm>> -> memref<1x1x64xf32, #tpu.memory_space<hbm>>
        %dma_start3A_918 = tpu.memref_squeeze %dma_start3A_917 : memref<1x1x64xf32, #tpu.memory_space<hbm>> -> memref<64xf32, #tpu.memory_space<hbm>>
        %dma_start3A_919 = arith.constant 0 : i32
        %dma_start3A_920 = tpu.memref_slice %arg6[%select_n3A_91, %add3A_912, %dma_start3A_919] : memref<2x256x64xf32, #tpu.memory_space<vmem>> -> memref<1x1x64xf32, #tpu.memory_space<vmem>>
        %dma_start3A_921 = tpu.memref_squeeze %dma_start3A_920 : memref<1x1x64xf32, #tpu.memory_space<vmem>> -> memref<64xf32, #tpu.memory_space<vmem>>
        %dma_start3A_922 = arith.constant 0 : i32
        %dma_start3A_923 = tpu.memref_slice %arg3[%select_n3A, %squeeze3A_910, %dma_start3A_922] : memref<26x100000x64xf32, #tpu.memory_space<hbm>> -> memref<1x1x64xf32, #tpu.memory_space<hbm>>
        %dma_start3A_924 = tpu.memref_squeeze %dma_start3A_923 : memref<1x1x64xf32, #tpu.memory_space<hbm>> -> memref<64xf32, #tpu.memory_space<hbm>>
        tpu.enqueue_dma source(%dma_start3A_924 : memref<64xf32, #tpu.memory_space<hbm>>) target(%dma_start3A_921 : memref<64xf32, #tpu.memory_space<vmem>>) target_semaphore(%arg7 : memref<!tpu.dma_semaphore, #tpu.memory_space<semaphore_mem>>)
        %mul3A_925 = arith.constant 64 : i32
        %mul3A_926 = arith.muli %scan3A_132, %mul3A_925 : i32
        %add3A_927 = arith.constant 48 : i32
        %add3A_928 = arith.addi %mul3A_926, %add3A_927 : i32
        %add3A_929 = arith.addi %mul3A_75, %add3A_928 : i32
        %get3A_930 = arith.index_cast %select_n3A : i32 to index
        %get3A_931 = arith.index_cast %add3A_929 : i32 to index
        %get3A_932 = tpu.vector_load %arg5[%get3A_930, %get3A_931] {strides = array<i32>} : memref<26x512xi32, #tpu.memory_space<vmem>>, vector<1x16xi32>,
        %get3A_933 = vector.shape_cast %get3A_932 : vector<1x16xi32> to vector<16xi32>
        %slice3A_934 = vector.extract_strided_slice %get3A_933 {offsets = [0], sizes = [1], strides = [1]} : vector<16xi32> to vector<1xi32>
        %squeeze3A_935 = vector.extract %slice3A_934[0] : i32 from vector<1xi32>
        %add3A_936 = arith.constant 0 : i32
        %add3A_937 = arith.addi %add3A_928, %add3A_936 : i32
        %dma_start3A_938 = arith.constant 0 : i32
        %dma_start3A_939 = tpu.memref_slice %arg6[%select_n3A_91, %add3A_937, %dma_start3A_938] : memref<2x256x64xf32, #tpu.memory_space<vmem>> -> memref<1x1x64xf32, #tpu.memory_space<vmem>>
        %dma_start3A_940 = tpu.memref_squeeze %dma_start3A_939 : memref<1x1x64xf32, #tpu.memory_space<vmem>> -> memref<64xf32, #tpu.memory_space<vmem>>
        %dma_start3A_941 = arith.constant 0 : i32
        %dma_start3A_942 = tpu.memref_slice %arg3[%select_n3A, %squeeze3A_935, %dma_start3A_941] : memref<26x100000x64xf32, #tpu.memory_space<hbm>> -> memref<1x1x64xf32, #tpu.memory_space<hbm>>
        %dma_start3A_943 = tpu.memref_squeeze %dma_start3A_942 : memref<1x1x64xf32, #tpu.memory_space<hbm>> -> memref<64xf32, #tpu.memory_space<hbm>>
        %dma_start3A_944 = arith.constant 0 : i32
        %dma_start3A_945 = tpu.memref_slice %arg6[%select_n3A_91, %add3A_937, %dma_start3A_944] : memref<2x256x64xf32, #tpu.memory_space<vmem>> -> memref<1x1x64xf32, #tpu.memory_space<vmem>>
        %dma_start3A_946 = tpu.memref_squeeze %dma_start3A_945 : memref<1x1x64xf32, #tpu.memory_space<vmem>> -> memref<64xf32, #tpu.memory_space<vmem>>
        %dma_start3A_947 = arith.constant 0 : i32
        %dma_start3A_948 = tpu.memref_slice %arg3[%select_n3A, %squeeze3A_935, %dma_start3A_947] : memref<26x100000x64xf32, #tpu.memory_space<hbm>> -> memref<1x1x64xf32, #tpu.memory_space<hbm>>
        %dma_start3A_949 = tpu.memref_squeeze %dma_start3A_948 : memref<1x1x64xf32, #tpu.memory_space<hbm>> -> memref<64xf32, #tpu.memory_space<hbm>>
        tpu.enqueue_dma source(%dma_start3A_949 : memref<64xf32, #tpu.memory_space<hbm>>) target(%dma_start3A_946 : memref<64xf32, #tpu.memory_space<vmem>>) target_semaphore(%arg7 : memref<!tpu.dma_semaphore, #tpu.memory_space<semaphore_mem>>)
        %slice3A_950 = vector.extract_strided_slice %get3A_933 {offsets = [1], sizes = [1], strides = [1]} : vector<16xi32> to vector<1xi32>
        %squeeze3A_951 = vector.extract %slice3A_950[0] : i32 from vector<1xi32>
        %add3A_952 = arith.constant 1 : i32
        %add3A_953 = arith.addi %add3A_928, %add3A_952 : i32
        %dma_start3A_954 = arith.constant 0 : i32
        %dma_start3A_955 = tpu.memref_slice %arg6[%select_n3A_91, %add3A_953, %dma_start3A_954] : memref<2x256x64xf32, #tpu.memory_space<vmem>> -> memref<1x1x64xf32, #tpu.memory_space<vmem>>
        %dma_start3A_956 = tpu.memref_squeeze %dma_start3A_955 : memref<1x1x64xf32, #tpu.memory_space<vmem>> -> memref<64xf32, #tpu.memory_space<vmem>>
        %dma_start3A_957 = arith.constant 0 : i32
        %dma_start3A_958 = tpu.memref_slice %arg3[%select_n3A, %squeeze3A_951, %dma_start3A_957] : memref<26x100000x64xf32, #tpu.memory_space<hbm>> -> memref<1x1x64xf32, #tpu.memory_space<hbm>>
        %dma_start3A_959 = tpu.memref_squeeze %dma_start3A_958 : memref<1x1x64xf32, #tpu.memory_space<hbm>> -> memref<64xf32, #tpu.memory_space<hbm>>
        %dma_start3A_960 = arith.constant 0 : i32
        %dma_start3A_961 = tpu.memref_slice %arg6[%select_n3A_91, %add3A_953, %dma_start3A_960] : memref<2x256x64xf32, #tpu.memory_space<vmem>> -> memref<1x1x64xf32, #tpu.memory_space<vmem>>
        %dma_start3A_962 = tpu.memref_squeeze %dma_start3A_961 : memref<1x1x64xf32, #tpu.memory_space<vmem>> -> memref<64xf32, #tpu.memory_space<vmem>>
        %dma_start3A_963 = arith.constant 0 : i32
        %dma_start3A_964 = tpu.memref_slice %arg3[%select_n3A, %squeeze3A_951, %dma_start3A_963] : memref<26x100000x64xf32, #tpu.memory_space<hbm>> -> memref<1x1x64xf32, #tpu.memory_space<hbm>>
        %dma_start3A_965 = tpu.memref_squeeze %dma_start3A_964 : memref<1x1x64xf32, #tpu.memory_space<hbm>> -> memref<64xf32, #tpu.memory_space<hbm>>
        tpu.enqueue_dma source(%dma_start3A_965 : memref<64xf32, #tpu.memory_space<hbm>>) target(%dma_start3A_962 : memref<64xf32, #tpu.memory_space<vmem>>) target_semaphore(%arg7 : memref<!tpu.dma_semaphore, #tpu.memory_space<semaphore_mem>>)
        %slice3A_966 = vector.extract_strided_slice %get3A_933 {offsets = [2], sizes = [1], strides = [1]} : vector<16xi32> to vector<1xi32>
        %squeeze3A_967 = vector.extract %slice3A_966[0] : i32 from vector<1xi32>
        %add3A_968 = arith.constant 2 : i32
        %add3A_969 = arith.addi %add3A_928, %add3A_968 : i32
        %dma_start3A_970 = arith.constant 0 : i32
        %dma_start3A_971 = tpu.memref_slice %arg6[%select_n3A_91, %add3A_969, %dma_start3A_970] : memref<2x256x64xf32, #tpu.memory_space<vmem>> -> memref<1x1x64xf32, #tpu.memory_space<vmem>>
        %dma_start3A_972 = tpu.memref_squeeze %dma_start3A_971 : memref<1x1x64xf32, #tpu.memory_space<vmem>> -> memref<64xf32, #tpu.memory_space<vmem>>
        %dma_start3A_973 = arith.constant 0 : i32
        %dma_start3A_974 = tpu.memref_slice %arg3[%select_n3A, %squeeze3A_967, %dma_start3A_973] : memref<26x100000x64xf32, #tpu.memory_space<hbm>> -> memref<1x1x64xf32, #tpu.memory_space<hbm>>
        %dma_start3A_975 = tpu.memref_squeeze %dma_start3A_974 : memref<1x1x64xf32, #tpu.memory_space<hbm>> -> memref<64xf32, #tpu.memory_space<hbm>>
        %dma_start3A_976 = arith.constant 0 : i32
        %dma_start3A_977 = tpu.memref_slice %arg6[%select_n3A_91, %add3A_969, %dma_start3A_976] : memref<2x256x64xf32, #tpu.memory_space<vmem>> -> memref<1x1x64xf32, #tpu.memory_space<vmem>>
        %dma_start3A_978 = tpu.memref_squeeze %dma_start3A_977 : memref<1x1x64xf32, #tpu.memory_space<vmem>> -> memref<64xf32, #tpu.memory_space<vmem>>
        %dma_start3A_979 = arith.constant 0 : i32
        %dma_start3A_980 = tpu.memref_slice %arg3[%select_n3A, %squeeze3A_967, %dma_start3A_979] : memref<26x100000x64xf32, #tpu.memory_space<hbm>> -> memref<1x1x64xf32, #tpu.memory_space<hbm>>
        %dma_start3A_981 = tpu.memref_squeeze %dma_start3A_980 : memref<1x1x64xf32, #tpu.memory_space<hbm>> -> memref<64xf32, #tpu.memory_space<hbm>>
        tpu.enqueue_dma source(%dma_start3A_981 : memref<64xf32, #tpu.memory_space<hbm>>) target(%dma_start3A_978 : memref<64xf32, #tpu.memory_space<vmem>>) target_semaphore(%arg7 : memref<!tpu.dma_semaphore, #tpu.memory_space<semaphore_mem>>)
        %slice3A_982 = vector.extract_strided_slice %get3A_933 {offsets = [3], sizes = [1], strides = [1]} : vector<16xi32> to vector<1xi32>
        %squeeze3A_983 = vector.extract %slice3A_982[0] : i32 from vector<1xi32>
        %add3A_984 = arith.constant 3 : i32
        %add3A_985 = arith.addi %add3A_928, %add3A_984 : i32
        %dma_start3A_986 = arith.constant 0 : i32
        %dma_start3A_987 = tpu.memref_slice %arg6[%select_n3A_91, %add3A_985, %dma_start3A_986] : memref<2x256x64xf32, #tpu.memory_space<vmem>> -> memref<1x1x64xf32, #tpu.memory_space<vmem>>
        %dma_start3A_988 = tpu.memref_squeeze %dma_start3A_987 : memref<1x1x64xf32, #tpu.memory_space<vmem>> -> memref<64xf32, #tpu.memory_space<vmem>>
        %dma_start3A_989 = arith.constant 0 : i32
        %dma_start3A_990 = tpu.memref_slice %arg3[%select_n3A, %squeeze3A_983, %dma_start3A_989] : memref<26x100000x64xf32, #tpu.memory_space<hbm>> -> memref<1x1x64xf32, #tpu.memory_space<hbm>>
        %dma_start3A_991 = tpu.memref_squeeze %dma_start3A_990 : memref<1x1x64xf32, #tpu.memory_space<hbm>> -> memref<64xf32, #tpu.memory_space<hbm>>
        %dma_start3A_992 = arith.constant 0 : i32
        %dma_start3A_993 = tpu.memref_slice %arg6[%select_n3A_91, %add3A_985, %dma_start3A_992] : memref<2x256x64xf32, #tpu.memory_space<vmem>> -> memref<1x1x64xf32, #tpu.memory_space<vmem>>
        %dma_start3A_994 = tpu.memref_squeeze %dma_start3A_993 : memref<1x1x64xf32, #tpu.memory_space<vmem>> -> memref<64xf32, #tpu.memory_space<vmem>>
        %dma_start3A_995 = arith.constant 0 : i32
        %dma_start3A_996 = tpu.memref_slice %arg3[%select_n3A, %squeeze3A_983, %dma_start3A_995] : memref<26x100000x64xf32, #tpu.memory_space<hbm>> -> memref<1x1x64xf32, #tpu.memory_space<hbm>>
        %dma_start3A_997 = tpu.memref_squeeze %dma_start3A_996 : memref<1x1x64xf32, #tpu.memory_space<hbm>> -> memref<64xf32, #tpu.memory_space<hbm>>
        tpu.enqueue_dma source(%dma_start3A_997 : memref<64xf32, #tpu.memory_space<hbm>>) target(%dma_start3A_994 : memref<64xf32, #tpu.memory_space<vmem>>) target_semaphore(%arg7 : memref<!tpu.dma_semaphore, #tpu.memory_space<semaphore_mem>>)
        %slice3A_998 = vector.extract_strided_slice %get3A_933 {offsets = [4], sizes = [1], strides = [1]} : vector<16xi32> to vector<1xi32>
        %squeeze3A_999 = vector.extract %slice3A_998[0] : i32 from vector<1xi32>
        %add3A_1000 = arith.constant 4 : i32
        %add3A_1001 = arith.addi %add3A_928, %add3A_1000 : i32
        %dma_start3A_1002 = arith.constant 0 : i32
        %dma_start3A_1003 = tpu.memref_slice %arg6[%select_n3A_91, %add3A_1001, %dma_start3A_1002] : memref<2x256x64xf32, #tpu.memory_space<vmem>> -> memref<1x1x64xf32, #tpu.memory_space<vmem>>
        %dma_start3A_1004 = tpu.memref_squeeze %dma_start3A_1003 : memref<1x1x64xf32, #tpu.memory_space<vmem>> -> memref<64xf32, #tpu.memory_space<vmem>>
        %dma_start3A_1005 = arith.constant 0 : i32
        %dma_start3A_1006 = tpu.memref_slice %arg3[%select_n3A, %squeeze3A_999, %dma_start3A_1005] : memref<26x100000x64xf32, #tpu.memory_space<hbm>> -> memref<1x1x64xf32, #tpu.memory_space<hbm>>
        %dma_start3A_1007 = tpu.memref_squeeze %dma_start3A_1006 : memref<1x1x64xf32, #tpu.memory_space<hbm>> -> memref<64xf32, #tpu.memory_space<hbm>>
        %dma_start3A_1008 = arith.constant 0 : i32
        %dma_start3A_1009 = tpu.memref_slice %arg6[%select_n3A_91, %add3A_1001, %dma_start3A_1008] : memref<2x256x64xf32, #tpu.memory_space<vmem>> -> memref<1x1x64xf32, #tpu.memory_space<vmem>>
        %dma_start3A_1010 = tpu.memref_squeeze %dma_start3A_1009 : memref<1x1x64xf32, #tpu.memory_space<vmem>> -> memref<64xf32, #tpu.memory_space<vmem>>
        %dma_start3A_1011 = arith.constant 0 : i32
        %dma_start3A_1012 = tpu.memref_slice %arg3[%select_n3A, %squeeze3A_999, %dma_start3A_1011] : memref<26x100000x64xf32, #tpu.memory_space<hbm>> -> memref<1x1x64xf32, #tpu.memory_space<hbm>>
        %dma_start3A_1013 = tpu.memref_squeeze %dma_start3A_1012 : memref<1x1x64xf32, #tpu.memory_space<hbm>> -> memref<64xf32, #tpu.memory_space<hbm>>
        tpu.enqueue_dma source(%dma_start3A_1013 : memref<64xf32, #tpu.memory_space<hbm>>) target(%dma_start3A_1010 : memref<64xf32, #tpu.memory_space<vmem>>) target_semaphore(%arg7 : memref<!tpu.dma_semaphore, #tpu.memory_space<semaphore_mem>>)
        %slice3A_1014 = vector.extract_strided_slice %get3A_933 {offsets = [5], sizes = [1], strides = [1]} : vector<16xi32> to vector<1xi32>
        %squeeze3A_1015 = vector.extract %slice3A_1014[0] : i32 from vector<1xi32>
        %add3A_1016 = arith.constant 5 : i32
        %add3A_1017 = arith.addi %add3A_928, %add3A_1016 : i32
        %dma_start3A_1018 = arith.constant 0 : i32
        %dma_start3A_1019 = tpu.memref_slice %arg6[%select_n3A_91, %add3A_1017, %dma_start3A_1018] : memref<2x256x64xf32, #tpu.memory_space<vmem>> -> memref<1x1x64xf32, #tpu.memory_space<vmem>>
        %dma_start3A_1020 = tpu.memref_squeeze %dma_start3A_1019 : memref<1x1x64xf32, #tpu.memory_space<vmem>> -> memref<64xf32, #tpu.memory_space<vmem>>
        %dma_start3A_1021 = arith.constant 0 : i32
        %dma_start3A_1022 = tpu.memref_slice %arg3[%select_n3A, %squeeze3A_1015, %dma_start3A_1021] : memref<26x100000x64xf32, #tpu.memory_space<hbm>> -> memref<1x1x64xf32, #tpu.memory_space<hbm>>
        %dma_start3A_1023 = tpu.memref_squeeze %dma_start3A_1022 : memref<1x1x64xf32, #tpu.memory_space<hbm>> -> memref<64xf32, #tpu.memory_space<hbm>>
        %dma_start3A_1024 = arith.constant 0 : i32
        %dma_start3A_1025 = tpu.memref_slice %arg6[%select_n3A_91, %add3A_1017, %dma_start3A_1024] : memref<2x256x64xf32, #tpu.memory_space<vmem>> -> memref<1x1x64xf32, #tpu.memory_space<vmem>>
        %dma_start3A_1026 = tpu.memref_squeeze %dma_start3A_1025 : memref<1x1x64xf32, #tpu.memory_space<vmem>> -> memref<64xf32, #tpu.memory_space<vmem>>
        %dma_start3A_1027 = arith.constant 0 : i32
        %dma_start3A_1028 = tpu.memref_slice %arg3[%select_n3A, %squeeze3A_1015, %dma_start3A_1027] : memref<26x100000x64xf32, #tpu.memory_space<hbm>> -> memref<1x1x64xf32, #tpu.memory_space<hbm>>
        %dma_start3A_1029 = tpu.memref_squeeze %dma_start3A_1028 : memref<1x1x64xf32, #tpu.memory_space<hbm>> -> memref<64xf32, #tpu.memory_space<hbm>>
        tpu.enqueue_dma source(%dma_start3A_1029 : memref<64xf32, #tpu.memory_space<hbm>>) target(%dma_start3A_1026 : memref<64xf32, #tpu.memory_space<vmem>>) target_semaphore(%arg7 : memref<!tpu.dma_semaphore, #tpu.memory_space<semaphore_mem>>)
        %slice3A_1030 = vector.extract_strided_slice %get3A_933 {offsets = [6], sizes = [1], strides = [1]} : vector<16xi32> to vector<1xi32>
        %squeeze3A_1031 = vector.extract %slice3A_1030[0] : i32 from vector<1xi32>
        %add3A_1032 = arith.constant 6 : i32
        %add3A_1033 = arith.addi %add3A_928, %add3A_1032 : i32
        %dma_start3A_1034 = arith.constant 0 : i32
        %dma_start3A_1035 = tpu.memref_slice %arg6[%select_n3A_91, %add3A_1033, %dma_start3A_1034] : memref<2x256x64xf32, #tpu.memory_space<vmem>> -> memref<1x1x64xf32, #tpu.memory_space<vmem>>
        %dma_start3A_1036 = tpu.memref_squeeze %dma_start3A_1035 : memref<1x1x64xf32, #tpu.memory_space<vmem>> -> memref<64xf32, #tpu.memory_space<vmem>>
        %dma_start3A_1037 = arith.constant 0 : i32
        %dma_start3A_1038 = tpu.memref_slice %arg3[%select_n3A, %squeeze3A_1031, %dma_start3A_1037] : memref<26x100000x64xf32, #tpu.memory_space<hbm>> -> memref<1x1x64xf32, #tpu.memory_space<hbm>>
        %dma_start3A_1039 = tpu.memref_squeeze %dma_start3A_1038 : memref<1x1x64xf32, #tpu.memory_space<hbm>> -> memref<64xf32, #tpu.memory_space<hbm>>
        %dma_start3A_1040 = arith.constant 0 : i32
        %dma_start3A_1041 = tpu.memref_slice %arg6[%select_n3A_91, %add3A_1033, %dma_start3A_1040] : memref<2x256x64xf32, #tpu.memory_space<vmem>> -> memref<1x1x64xf32, #tpu.memory_space<vmem>>
        %dma_start3A_1042 = tpu.memref_squeeze %dma_start3A_1041 : memref<1x1x64xf32, #tpu.memory_space<vmem>> -> memref<64xf32, #tpu.memory_space<vmem>>
        %dma_start3A_1043 = arith.constant 0 : i32
        %dma_start3A_1044 = tpu.memref_slice %arg3[%select_n3A, %squeeze3A_1031, %dma_start3A_1043] : memref<26x100000x64xf32, #tpu.memory_space<hbm>> -> memref<1x1x64xf32, #tpu.memory_space<hbm>>
        %dma_start3A_1045 = tpu.memref_squeeze %dma_start3A_1044 : memref<1x1x64xf32, #tpu.memory_space<hbm>> -> memref<64xf32, #tpu.memory_space<hbm>>
        tpu.enqueue_dma source(%dma_start3A_1045 : memref<64xf32, #tpu.memory_space<hbm>>) target(%dma_start3A_1042 : memref<64xf32, #tpu.memory_space<vmem>>) target_semaphore(%arg7 : memref<!tpu.dma_semaphore, #tpu.memory_space<semaphore_mem>>)
        %slice3A_1046 = vector.extract_strided_slice %get3A_933 {offsets = [7], sizes = [1], strides = [1]} : vector<16xi32> to vector<1xi32>
        %squeeze3A_1047 = vector.extract %slice3A_1046[0] : i32 from vector<1xi32>
        %add3A_1048 = arith.constant 7 : i32
        %add3A_1049 = arith.addi %add3A_928, %add3A_1048 : i32
        %dma_start3A_1050 = arith.constant 0 : i32
        %dma_start3A_1051 = tpu.memref_slice %arg6[%select_n3A_91, %add3A_1049, %dma_start3A_1050] : memref<2x256x64xf32, #tpu.memory_space<vmem>> -> memref<1x1x64xf32, #tpu.memory_space<vmem>>
        %dma_start3A_1052 = tpu.memref_squeeze %dma_start3A_1051 : memref<1x1x64xf32, #tpu.memory_space<vmem>> -> memref<64xf32, #tpu.memory_space<vmem>>
        %dma_start3A_1053 = arith.constant 0 : i32
        %dma_start3A_1054 = tpu.memref_slice %arg3[%select_n3A, %squeeze3A_1047, %dma_start3A_1053] : memref<26x100000x64xf32, #tpu.memory_space<hbm>> -> memref<1x1x64xf32, #tpu.memory_space<hbm>>
        %dma_start3A_1055 = tpu.memref_squeeze %dma_start3A_1054 : memref<1x1x64xf32, #tpu.memory_space<hbm>> -> memref<64xf32, #tpu.memory_space<hbm>>
        %dma_start3A_1056 = arith.constant 0 : i32
        %dma_start3A_1057 = tpu.memref_slice %arg6[%select_n3A_91, %add3A_1049, %dma_start3A_1056] : memref<2x256x64xf32, #tpu.memory_space<vmem>> -> memref<1x1x64xf32, #tpu.memory_space<vmem>>
        %dma_start3A_1058 = tpu.memref_squeeze %dma_start3A_1057 : memref<1x1x64xf32, #tpu.memory_space<vmem>> -> memref<64xf32, #tpu.memory_space<vmem>>
        %dma_start3A_1059 = arith.constant 0 : i32
        %dma_start3A_1060 = tpu.memref_slice %arg3[%select_n3A, %squeeze3A_1047, %dma_start3A_1059] : memref<26x100000x64xf32, #tpu.memory_space<hbm>> -> memref<1x1x64xf32, #tpu.memory_space<hbm>>
        %dma_start3A_1061 = tpu.memref_squeeze %dma_start3A_1060 : memref<1x1x64xf32, #tpu.memory_space<hbm>> -> memref<64xf32, #tpu.memory_space<hbm>>
        tpu.enqueue_dma source(%dma_start3A_1061 : memref<64xf32, #tpu.memory_space<hbm>>) target(%dma_start3A_1058 : memref<64xf32, #tpu.memory_space<vmem>>) target_semaphore(%arg7 : memref<!tpu.dma_semaphore, #tpu.memory_space<semaphore_mem>>)
        %slice3A_1062 = vector.extract_strided_slice %get3A_933 {offsets = [8], sizes = [1], strides = [1]} : vector<16xi32> to vector<1xi32>
        %squeeze3A_1063 = vector.extract %slice3A_1062[0] : i32 from vector<1xi32>
        %add3A_1064 = arith.constant 8 : i32
        %add3A_1065 = arith.addi %add3A_928, %add3A_1064 : i32
        %dma_start3A_1066 = arith.constant 0 : i32
        %dma_start3A_1067 = tpu.memref_slice %arg6[%select_n3A_91, %add3A_1065, %dma_start3A_1066] : memref<2x256x64xf32, #tpu.memory_space<vmem>> -> memref<1x1x64xf32, #tpu.memory_space<vmem>>
        %dma_start3A_1068 = tpu.memref_squeeze %dma_start3A_1067 : memref<1x1x64xf32, #tpu.memory_space<vmem>> -> memref<64xf32, #tpu.memory_space<vmem>>
        %dma_start3A_1069 = arith.constant 0 : i32
        %dma_start3A_1070 = tpu.memref_slice %arg3[%select_n3A, %squeeze3A_1063, %dma_start3A_1069] : memref<26x100000x64xf32, #tpu.memory_space<hbm>> -> memref<1x1x64xf32, #tpu.memory_space<hbm>>
        %dma_start3A_1071 = tpu.memref_squeeze %dma_start3A_1070 : memref<1x1x64xf32, #tpu.memory_space<hbm>> -> memref<64xf32, #tpu.memory_space<hbm>>
        %dma_start3A_1072 = arith.constant 0 : i32
        %dma_start3A_1073 = tpu.memref_slice %arg6[%select_n3A_91, %add3A_1065, %dma_start3A_1072] : memref<2x256x64xf32, #tpu.memory_space<vmem>> -> memref<1x1x64xf32, #tpu.memory_space<vmem>>
        %dma_start3A_1074 = tpu.memref_squeeze %dma_start3A_1073 : memref<1x1x64xf32, #tpu.memory_space<vmem>> -> memref<64xf32, #tpu.memory_space<vmem>>
        %dma_start3A_1075 = arith.constant 0 : i32
        %dma_start3A_1076 = tpu.memref_slice %arg3[%select_n3A, %squeeze3A_1063, %dma_start3A_1075] : memref<26x100000x64xf32, #tpu.memory_space<hbm>> -> memref<1x1x64xf32, #tpu.memory_space<hbm>>
        %dma_start3A_1077 = tpu.memref_squeeze %dma_start3A_1076 : memref<1x1x64xf32, #tpu.memory_space<hbm>> -> memref<64xf32, #tpu.memory_space<hbm>>
        tpu.enqueue_dma source(%dma_start3A_1077 : memref<64xf32, #tpu.memory_space<hbm>>) target(%dma_start3A_1074 : memref<64xf32, #tpu.memory_space<vmem>>) target_semaphore(%arg7 : memref<!tpu.dma_semaphore, #tpu.memory_space<semaphore_mem>>)
        %slice3A_1078 = vector.extract_strided_slice %get3A_933 {offsets = [9], sizes = [1], strides = [1]} : vector<16xi32> to vector<1xi32>
        %squeeze3A_1079 = vector.extract %slice3A_1078[0] : i32 from vector<1xi32>
        %add3A_1080 = arith.constant 9 : i32
        %add3A_1081 = arith.addi %add3A_928, %add3A_1080 : i32
        %dma_start3A_1082 = arith.constant 0 : i32
        %dma_start3A_1083 = tpu.memref_slice %arg6[%select_n3A_91, %add3A_1081, %dma_start3A_1082] : memref<2x256x64xf32, #tpu.memory_space<vmem>> -> memref<1x1x64xf32, #tpu.memory_space<vmem>>
        %dma_start3A_1084 = tpu.memref_squeeze %dma_start3A_1083 : memref<1x1x64xf32, #tpu.memory_space<vmem>> -> memref<64xf32, #tpu.memory_space<vmem>>
        %dma_start3A_1085 = arith.constant 0 : i32
        %dma_start3A_1086 = tpu.memref_slice %arg3[%select_n3A, %squeeze3A_1079, %dma_start3A_1085] : memref<26x100000x64xf32, #tpu.memory_space<hbm>> -> memref<1x1x64xf32, #tpu.memory_space<hbm>>
        %dma_start3A_1087 = tpu.memref_squeeze %dma_start3A_1086 : memref<1x1x64xf32, #tpu.memory_space<hbm>> -> memref<64xf32, #tpu.memory_space<hbm>>
        %dma_start3A_1088 = arith.constant 0 : i32
        %dma_start3A_1089 = tpu.memref_slice %arg6[%select_n3A_91, %add3A_1081, %dma_start3A_1088] : memref<2x256x64xf32, #tpu.memory_space<vmem>> -> memref<1x1x64xf32, #tpu.memory_space<vmem>>
        %dma_start3A_1090 = tpu.memref_squeeze %dma_start3A_1089 : memref<1x1x64xf32, #tpu.memory_space<vmem>> -> memref<64xf32, #tpu.memory_space<vmem>>
        %dma_start3A_1091 = arith.constant 0 : i32
        %dma_start3A_1092 = tpu.memref_slice %arg3[%select_n3A, %squeeze3A_1079, %dma_start3A_1091] : memref<26x100000x64xf32, #tpu.memory_space<hbm>> -> memref<1x1x64xf32, #tpu.memory_space<hbm>>
        %dma_start3A_1093 = tpu.memref_squeeze %dma_start3A_1092 : memref<1x1x64xf32, #tpu.memory_space<hbm>> -> memref<64xf32, #tpu.memory_space<hbm>>
        tpu.enqueue_dma source(%dma_start3A_1093 : memref<64xf32, #tpu.memory_space<hbm>>) target(%dma_start3A_1090 : memref<64xf32, #tpu.memory_space<vmem>>) target_semaphore(%arg7 : memref<!tpu.dma_semaphore, #tpu.memory_space<semaphore_mem>>)
        %slice3A_1094 = vector.extract_strided_slice %get3A_933 {offsets = [10], sizes = [1], strides = [1]} : vector<16xi32> to vector<1xi32>
        %squeeze3A_1095 = vector.extract %slice3A_1094[0] : i32 from vector<1xi32>
        %add3A_1096 = arith.constant 10 : i32
        %add3A_1097 = arith.addi %add3A_928, %add3A_1096 : i32
        %dma_start3A_1098 = arith.constant 0 : i32
        %dma_start3A_1099 = tpu.memref_slice %arg6[%select_n3A_91, %add3A_1097, %dma_start3A_1098] : memref<2x256x64xf32, #tpu.memory_space<vmem>> -> memref<1x1x64xf32, #tpu.memory_space<vmem>>
        %dma_start3A_1100 = tpu.memref_squeeze %dma_start3A_1099 : memref<1x1x64xf32, #tpu.memory_space<vmem>> -> memref<64xf32, #tpu.memory_space<vmem>>
        %dma_start3A_1101 = arith.constant 0 : i32
        %dma_start3A_1102 = tpu.memref_slice %arg3[%select_n3A, %squeeze3A_1095, %dma_start3A_1101] : memref<26x100000x64xf32, #tpu.memory_space<hbm>> -> memref<1x1x64xf32, #tpu.memory_space<hbm>>
        %dma_start3A_1103 = tpu.memref_squeeze %dma_start3A_1102 : memref<1x1x64xf32, #tpu.memory_space<hbm>> -> memref<64xf32, #tpu.memory_space<hbm>>
        %dma_start3A_1104 = arith.constant 0 : i32
        %dma_start3A_1105 = tpu.memref_slice %arg6[%select_n3A_91, %add3A_1097, %dma_start3A_1104] : memref<2x256x64xf32, #tpu.memory_space<vmem>> -> memref<1x1x64xf32, #tpu.memory_space<vmem>>
        %dma_start3A_1106 = tpu.memref_squeeze %dma_start3A_1105 : memref<1x1x64xf32, #tpu.memory_space<vmem>> -> memref<64xf32, #tpu.memory_space<vmem>>
        %dma_start3A_1107 = arith.constant 0 : i32
        %dma_start3A_1108 = tpu.memref_slice %arg3[%select_n3A, %squeeze3A_1095, %dma_start3A_1107] : memref<26x100000x64xf32, #tpu.memory_space<hbm>> -> memref<1x1x64xf32, #tpu.memory_space<hbm>>
        %dma_start3A_1109 = tpu.memref_squeeze %dma_start3A_1108 : memref<1x1x64xf32, #tpu.memory_space<hbm>> -> memref<64xf32, #tpu.memory_space<hbm>>
        tpu.enqueue_dma source(%dma_start3A_1109 : memref<64xf32, #tpu.memory_space<hbm>>) target(%dma_start3A_1106 : memref<64xf32, #tpu.memory_space<vmem>>) target_semaphore(%arg7 : memref<!tpu.dma_semaphore, #tpu.memory_space<semaphore_mem>>)
        %slice3A_1110 = vector.extract_strided_slice %get3A_933 {offsets = [11], sizes = [1], strides = [1]} : vector<16xi32> to vector<1xi32>
        %squeeze3A_1111 = vector.extract %slice3A_1110[0] : i32 from vector<1xi32>
        %add3A_1112 = arith.constant 11 : i32
        %add3A_1113 = arith.addi %add3A_928, %add3A_1112 : i32
        %dma_start3A_1114 = arith.constant 0 : i32
        %dma_start3A_1115 = tpu.memref_slice %arg6[%select_n3A_91, %add3A_1113, %dma_start3A_1114] : memref<2x256x64xf32, #tpu.memory_space<vmem>> -> memref<1x1x64xf32, #tpu.memory_space<vmem>>
        %dma_start3A_1116 = tpu.memref_squeeze %dma_start3A_1115 : memref<1x1x64xf32, #tpu.memory_space<vmem>> -> memref<64xf32, #tpu.memory_space<vmem>>
        %dma_start3A_1117 = arith.constant 0 : i32
        %dma_start3A_1118 = tpu.memref_slice %arg3[%select_n3A, %squeeze3A_1111, %dma_start3A_1117] : memref<26x100000x64xf32, #tpu.memory_space<hbm>> -> memref<1x1x64xf32, #tpu.memory_space<hbm>>
        %dma_start3A_1119 = tpu.memref_squeeze %dma_start3A_1118 : memref<1x1x64xf32, #tpu.memory_space<hbm>> -> memref<64xf32, #tpu.memory_space<hbm>>
        %dma_start3A_1120 = arith.constant 0 : i32
        %dma_start3A_1121 = tpu.memref_slice %arg6[%select_n3A_91, %add3A_1113, %dma_start3A_1120] : memref<2x256x64xf32, #tpu.memory_space<vmem>> -> memref<1x1x64xf32, #tpu.memory_space<vmem>>
        %dma_start3A_1122 = tpu.memref_squeeze %dma_start3A_1121 : memref<1x1x64xf32, #tpu.memory_space<vmem>> -> memref<64xf32, #tpu.memory_space<vmem>>
        %dma_start3A_1123 = arith.constant 0 : i32
        %dma_start3A_1124 = tpu.memref_slice %arg3[%select_n3A, %squeeze3A_1111, %dma_start3A_1123] : memref<26x100000x64xf32, #tpu.memory_space<hbm>> -> memref<1x1x64xf32, #tpu.memory_space<hbm>>
        %dma_start3A_1125 = tpu.memref_squeeze %dma_start3A_1124 : memref<1x1x64xf32, #tpu.memory_space<hbm>> -> memref<64xf32, #tpu.memory_space<hbm>>
        tpu.enqueue_dma source(%dma_start3A_1125 : memref<64xf32, #tpu.memory_space<hbm>>) target(%dma_start3A_1122 : memref<64xf32, #tpu.memory_space<vmem>>) target_semaphore(%arg7 : memref<!tpu.dma_semaphore, #tpu.memory_space<semaphore_mem>>)
        %slice3A_1126 = vector.extract_strided_slice %get3A_933 {offsets = [12], sizes = [1], strides = [1]} : vector<16xi32> to vector<1xi32>
        %squeeze3A_1127 = vector.extract %slice3A_1126[0] : i32 from vector<1xi32>
        %add3A_1128 = arith.constant 12 : i32
        %add3A_1129 = arith.addi %add3A_928, %add3A_1128 : i32
        %dma_start3A_1130 = arith.constant 0 : i32
        %dma_start3A_1131 = tpu.memref_slice %arg6[%select_n3A_91, %add3A_1129, %dma_start3A_1130] : memref<2x256x64xf32, #tpu.memory_space<vmem>> -> memref<1x1x64xf32, #tpu.memory_space<vmem>>
        %dma_start3A_1132 = tpu.memref_squeeze %dma_start3A_1131 : memref<1x1x64xf32, #tpu.memory_space<vmem>> -> memref<64xf32, #tpu.memory_space<vmem>>
        %dma_start3A_1133 = arith.constant 0 : i32
        %dma_start3A_1134 = tpu.memref_slice %arg3[%select_n3A, %squeeze3A_1127, %dma_start3A_1133] : memref<26x100000x64xf32, #tpu.memory_space<hbm>> -> memref<1x1x64xf32, #tpu.memory_space<hbm>>
        %dma_start3A_1135 = tpu.memref_squeeze %dma_start3A_1134 : memref<1x1x64xf32, #tpu.memory_space<hbm>> -> memref<64xf32, #tpu.memory_space<hbm>>
        %dma_start3A_1136 = arith.constant 0 : i32
        %dma_start3A_1137 = tpu.memref_slice %arg6[%select_n3A_91, %add3A_1129, %dma_start3A_1136] : memref<2x256x64xf32, #tpu.memory_space<vmem>> -> memref<1x1x64xf32, #tpu.memory_space<vmem>>
        %dma_start3A_1138 = tpu.memref_squeeze %dma_start3A_1137 : memref<1x1x64xf32, #tpu.memory_space<vmem>> -> memref<64xf32, #tpu.memory_space<vmem>>
        %dma_start3A_1139 = arith.constant 0 : i32
        %dma_start3A_1140 = tpu.memref_slice %arg3[%select_n3A, %squeeze3A_1127, %dma_start3A_1139] : memref<26x100000x64xf32, #tpu.memory_space<hbm>> -> memref<1x1x64xf32, #tpu.memory_space<hbm>>
        %dma_start3A_1141 = tpu.memref_squeeze %dma_start3A_1140 : memref<1x1x64xf32, #tpu.memory_space<hbm>> -> memref<64xf32, #tpu.memory_space<hbm>>
        tpu.enqueue_dma source(%dma_start3A_1141 : memref<64xf32, #tpu.memory_space<hbm>>) target(%dma_start3A_1138 : memref<64xf32, #tpu.memory_space<vmem>>) target_semaphore(%arg7 : memref<!tpu.dma_semaphore, #tpu.memory_space<semaphore_mem>>)
        %slice3A_1142 = vector.extract_strided_slice %get3A_933 {offsets = [13], sizes = [1], strides = [1]} : vector<16xi32> to vector<1xi32>
        %squeeze3A_1143 = vector.extract %slice3A_1142[0] : i32 from vector<1xi32>
        %add3A_1144 = arith.constant 13 : i32
        %add3A_1145 = arith.addi %add3A_928, %add3A_1144 : i32
        %dma_start3A_1146 = arith.constant 0 : i32
        %dma_start3A_1147 = tpu.memref_slice %arg6[%select_n3A_91, %add3A_1145, %dma_start3A_1146] : memref<2x256x64xf32, #tpu.memory_space<vmem>> -> memref<1x1x64xf32, #tpu.memory_space<vmem>>
        %dma_start3A_1148 = tpu.memref_squeeze %dma_start3A_1147 : memref<1x1x64xf32, #tpu.memory_space<vmem>> -> memref<64xf32, #tpu.memory_space<vmem>>
        %dma_start3A_1149 = arith.constant 0 : i32
        %dma_start3A_1150 = tpu.memref_slice %arg3[%select_n3A, %squeeze3A_1143, %dma_start3A_1149] : memref<26x100000x64xf32, #tpu.memory_space<hbm>> -> memref<1x1x64xf32, #tpu.memory_space<hbm>>
        %dma_start3A_1151 = tpu.memref_squeeze %dma_start3A_1150 : memref<1x1x64xf32, #tpu.memory_space<hbm>> -> memref<64xf32, #tpu.memory_space<hbm>>
        %dma_start3A_1152 = arith.constant 0 : i32
        %dma_start3A_1153 = tpu.memref_slice %arg6[%select_n3A_91, %add3A_1145, %dma_start3A_1152] : memref<2x256x64xf32, #tpu.memory_space<vmem>> -> memref<1x1x64xf32, #tpu.memory_space<vmem>>
        %dma_start3A_1154 = tpu.memref_squeeze %dma_start3A_1153 : memref<1x1x64xf32, #tpu.memory_space<vmem>> -> memref<64xf32, #tpu.memory_space<vmem>>
        %dma_start3A_1155 = arith.constant 0 : i32
        %dma_start3A_1156 = tpu.memref_slice %arg3[%select_n3A, %squeeze3A_1143, %dma_start3A_1155] : memref<26x100000x64xf32, #tpu.memory_space<hbm>> -> memref<1x1x64xf32, #tpu.memory_space<hbm>>
        %dma_start3A_1157 = tpu.memref_squeeze %dma_start3A_1156 : memref<1x1x64xf32, #tpu.memory_space<hbm>> -> memref<64xf32, #tpu.memory_space<hbm>>
        tpu.enqueue_dma source(%dma_start3A_1157 : memref<64xf32, #tpu.memory_space<hbm>>) target(%dma_start3A_1154 : memref<64xf32, #tpu.memory_space<vmem>>) target_semaphore(%arg7 : memref<!tpu.dma_semaphore, #tpu.memory_space<semaphore_mem>>)
        %slice3A_1158 = vector.extract_strided_slice %get3A_933 {offsets = [14], sizes = [1], strides = [1]} : vector<16xi32> to vector<1xi32>
        %squeeze3A_1159 = vector.extract %slice3A_1158[0] : i32 from vector<1xi32>
        %add3A_1160 = arith.constant 14 : i32
        %add3A_1161 = arith.addi %add3A_928, %add3A_1160 : i32
        %dma_start3A_1162 = arith.constant 0 : i32
        %dma_start3A_1163 = tpu.memref_slice %arg6[%select_n3A_91, %add3A_1161, %dma_start3A_1162] : memref<2x256x64xf32, #tpu.memory_space<vmem>> -> memref<1x1x64xf32, #tpu.memory_space<vmem>>
        %dma_start3A_1164 = tpu.memref_squeeze %dma_start3A_1163 : memref<1x1x64xf32, #tpu.memory_space<vmem>> -> memref<64xf32, #tpu.memory_space<vmem>>
        %dma_start3A_1165 = arith.constant 0 : i32
        %dma_start3A_1166 = tpu.memref_slice %arg3[%select_n3A, %squeeze3A_1159, %dma_start3A_1165] : memref<26x100000x64xf32, #tpu.memory_space<hbm>> -> memref<1x1x64xf32, #tpu.memory_space<hbm>>
        %dma_start3A_1167 = tpu.memref_squeeze %dma_start3A_1166 : memref<1x1x64xf32, #tpu.memory_space<hbm>> -> memref<64xf32, #tpu.memory_space<hbm>>
        %dma_start3A_1168 = arith.constant 0 : i32
        %dma_start3A_1169 = tpu.memref_slice %arg6[%select_n3A_91, %add3A_1161, %dma_start3A_1168] : memref<2x256x64xf32, #tpu.memory_space<vmem>> -> memref<1x1x64xf32, #tpu.memory_space<vmem>>
        %dma_start3A_1170 = tpu.memref_squeeze %dma_start3A_1169 : memref<1x1x64xf32, #tpu.memory_space<vmem>> -> memref<64xf32, #tpu.memory_space<vmem>>
        %dma_start3A_1171 = arith.constant 0 : i32
        %dma_start3A_1172 = tpu.memref_slice %arg3[%select_n3A, %squeeze3A_1159, %dma_start3A_1171] : memref<26x100000x64xf32, #tpu.memory_space<hbm>> -> memref<1x1x64xf32, #tpu.memory_space<hbm>>
        %dma_start3A_1173 = tpu.memref_squeeze %dma_start3A_1172 : memref<1x1x64xf32, #tpu.memory_space<hbm>> -> memref<64xf32, #tpu.memory_space<hbm>>
        tpu.enqueue_dma source(%dma_start3A_1173 : memref<64xf32, #tpu.memory_space<hbm>>) target(%dma_start3A_1170 : memref<64xf32, #tpu.memory_space<vmem>>) target_semaphore(%arg7 : memref<!tpu.dma_semaphore, #tpu.memory_space<semaphore_mem>>)
        %slice3A_1174 = vector.extract_strided_slice %get3A_933 {offsets = [15], sizes = [1], strides = [1]} : vector<16xi32> to vector<1xi32>
        %squeeze3A_1175 = vector.extract %slice3A_1174[0] : i32 from vector<1xi32>
        %add3A_1176 = arith.constant 15 : i32
        %add3A_1177 = arith.addi %add3A_928, %add3A_1176 : i32
        %dma_start3A_1178 = arith.constant 0 : i32
        %dma_start3A_1179 = tpu.memref_slice %arg6[%select_n3A_91, %add3A_1177, %dma_start3A_1178] : memref<2x256x64xf32, #tpu.memory_space<vmem>> -> memref<1x1x64xf32, #tpu.memory_space<vmem>>
        %dma_start3A_1180 = tpu.memref_squeeze %dma_start3A_1179 : memref<1x1x64xf32, #tpu.memory_space<vmem>> -> memref<64xf32, #tpu.memory_space<vmem>>
        %dma_start3A_1181 = arith.constant 0 : i32
        %dma_start3A_1182 = tpu.memref_slice %arg3[%select_n3A, %squeeze3A_1175, %dma_start3A_1181] : memref<26x100000x64xf32, #tpu.memory_space<hbm>> -> memref<1x1x64xf32, #tpu.memory_space<hbm>>
        %dma_start3A_1183 = tpu.memref_squeeze %dma_start3A_1182 : memref<1x1x64xf32, #tpu.memory_space<hbm>> -> memref<64xf32, #tpu.memory_space<hbm>>
        %dma_start3A_1184 = arith.constant 0 : i32
        %dma_start3A_1185 = tpu.memref_slice %arg6[%select_n3A_91, %add3A_1177, %dma_start3A_1184] : memref<2x256x64xf32, #tpu.memory_space<vmem>> -> memref<1x1x64xf32, #tpu.memory_space<vmem>>
        %dma_start3A_1186 = tpu.memref_squeeze %dma_start3A_1185 : memref<1x1x64xf32, #tpu.memory_space<vmem>> -> memref<64xf32, #tpu.memory_space<vmem>>
        %dma_start3A_1187 = arith.constant 0 : i32
        %dma_start3A_1188 = tpu.memref_slice %arg3[%select_n3A, %squeeze3A_1175, %dma_start3A_1187] : memref<26x100000x64xf32, #tpu.memory_space<hbm>> -> memref<1x1x64xf32, #tpu.memory_space<hbm>>
        %dma_start3A_1189 = tpu.memref_squeeze %dma_start3A_1188 : memref<1x1x64xf32, #tpu.memory_space<hbm>> -> memref<64xf32, #tpu.memory_space<hbm>>
        tpu.enqueue_dma source(%dma_start3A_1189 : memref<64xf32, #tpu.memory_space<hbm>>) target(%dma_start3A_1186 : memref<64xf32, #tpu.memory_space<vmem>>) target_semaphore(%arg7 : memref<!tpu.dma_semaphore, #tpu.memory_space<semaphore_mem>>)
        %ge3A_1190 = arith.constant 1 : i32
        %ge3A_1191 = arith.cmpi sge, %scan3A_132, %ge3A_1190 : i32
        %convert_element_type3A_1192 = arith.extui %ge3A_1191 : i1 to i32
        %cond3A_1193 = arith.constant 0 : i32
        %cond3A_1194 = arith.cmpi ne, %convert_element_type3A_1192, %cond3A_1193 : i32
        scf.if %cond3A_1194 {
          %dma_wait3A_1195 = arith.constant 0 : i32
          %dma_wait3A_1196 = arith.constant 0 : i32
          %dma_wait3A_1197 = arith.constant 0 : i32
          %dma_wait3A_1198 = arith.constant 0 : i32
          %dma_wait3A_1199 = tpu.memref_slice %arg6[%dma_wait3A_1196, %dma_wait3A_1197, %dma_wait3A_1198] : memref<2x256x64xf32, #tpu.memory_space<vmem>> -> memref<1x64x64xf32, #tpu.memory_space<vmem>>
          %dma_wait3A_1200 = tpu.memref_squeeze %dma_wait3A_1199 : memref<1x64x64xf32, #tpu.memory_space<vmem>> -> memref<64x64xf32, #tpu.memory_space<vmem>>
          %dma_wait3A_1201 = arith.constant 0 : i32
          %dma_wait3A_1202 = arith.constant 0 : i32
          %dma_wait3A_1203 = tpu.memref_slice %arg3[%dma_wait3A_1195, %dma_wait3A_1201, %dma_wait3A_1202] : memref<26x100000x64xf32, #tpu.memory_space<hbm>> -> memref<1x64x64xf32, #tpu.memory_space<hbm>>
          %dma_wait3A_1204 = tpu.memref_squeeze %dma_wait3A_1203 : memref<1x64x64xf32, #tpu.memory_space<hbm>> -> memref<64x64xf32, #tpu.memory_space<hbm>>
          %dma_wait3A_1205 = arith.constant 0 : i32
          %dma_wait3A_1206 = arith.constant 0 : i32
          %dma_wait3A_1207 = tpu.memref_slice %arg6[%dma_wait3A_1196, %dma_wait3A_1205, %dma_wait3A_1206] : memref<2x256x64xf32, #tpu.memory_space<vmem>> -> memref<1x64x64xf32, #tpu.memory_space<vmem>>
          %dma_wait3A_1208 = tpu.memref_squeeze %dma_wait3A_1207 : memref<1x64x64xf32, #tpu.memory_space<vmem>> -> memref<64x64xf32, #tpu.memory_space<vmem>>
          %dma_wait3A_1209 = arith.constant 0 : i32
          %dma_wait3A_1210 = arith.constant 0 : i32
          %dma_wait3A_1211 = tpu.memref_slice %arg3[%dma_wait3A_1195, %dma_wait3A_1209, %dma_wait3A_1210] : memref<26x100000x64xf32, #tpu.memory_space<hbm>> -> memref<1x64x64xf32, #tpu.memory_space<hbm>>
          %dma_wait3A_1212 = tpu.memref_squeeze %dma_wait3A_1211 : memref<1x64x64xf32, #tpu.memory_space<hbm>> -> memref<64x64xf32, #tpu.memory_space<hbm>>
          tpu.wait_dma2 semaphore(%arg7 : memref<!tpu.dma_semaphore, #tpu.memory_space<semaphore_mem>>) src(%dma_wait3A_1212 : memref<64x64xf32, #tpu.memory_space<hbm>>) dst(%dma_wait3A_1208 : memref<64x64xf32, #tpu.memory_space<vmem>>)
        } else {
        }
      }
      %scan3A_99 = arith.constant 4 : i32
      %dma_wait3A_100 = arith.constant 0 : i32
      %dma_wait3A_101 = arith.constant 0 : i32
      %dma_wait3A_102 = arith.constant 0 : i32
      %dma_wait3A_103 = arith.constant 0 : i32
      %dma_wait3A_104 = tpu.memref_slice %arg6[%dma_wait3A_101, %dma_wait3A_102, %dma_wait3A_103] : memref<2x256x64xf32, #tpu.memory_space<vmem>> -> memref<1x64x64xf32, #tpu.memory_space<vmem>>
      %dma_wait3A_105 = tpu.memref_squeeze %dma_wait3A_104 : memref<1x64x64xf32, #tpu.memory_space<vmem>> -> memref<64x64xf32, #tpu.memory_space<vmem>>
      %dma_wait3A_106 = arith.constant 0 : i32
      %dma_wait3A_107 = arith.constant 0 : i32
      %dma_wait3A_108 = tpu.memref_slice %arg3[%dma_wait3A_100, %dma_wait3A_106, %dma_wait3A_107] : memref<26x100000x64xf32, #tpu.memory_space<hbm>> -> memref<1x64x64xf32, #tpu.memory_space<hbm>>
      %dma_wait3A_109 = tpu.memref_squeeze %dma_wait3A_108 : memref<1x64x64xf32, #tpu.memory_space<hbm>> -> memref<64x64xf32, #tpu.memory_space<hbm>>
      %dma_wait3A_110 = arith.constant 0 : i32
      %dma_wait3A_111 = arith.constant 0 : i32
      %dma_wait3A_112 = tpu.memref_slice %arg6[%dma_wait3A_101, %dma_wait3A_110, %dma_wait3A_111] : memref<2x256x64xf32, #tpu.memory_space<vmem>> -> memref<1x64x64xf32, #tpu.memory_space<vmem>>
      %dma_wait3A_113 = tpu.memref_squeeze %dma_wait3A_112 : memref<1x64x64xf32, #tpu.memory_space<vmem>> -> memref<64x64xf32, #tpu.memory_space<vmem>>
      %dma_wait3A_114 = arith.constant 0 : i32
      %dma_wait3A_115 = arith.constant 0 : i32
      %dma_wait3A_116 = tpu.memref_slice %arg3[%dma_wait3A_100, %dma_wait3A_114, %dma_wait3A_115] : memref<26x100000x64xf32, #tpu.memory_space<hbm>> -> memref<1x64x64xf32, #tpu.memory_space<hbm>>
      %dma_wait3A_117 = tpu.memref_squeeze %dma_wait3A_116 : memref<1x64x64xf32, #tpu.memory_space<hbm>> -> memref<64x64xf32, #tpu.memory_space<hbm>>
      tpu.wait_dma2 semaphore(%arg7 : memref<!tpu.dma_semaphore, #tpu.memory_space<semaphore_mem>>) src(%dma_wait3A_117 : memref<64x64xf32, #tpu.memory_space<hbm>>) dst(%dma_wait3A_113 : memref<64x64xf32, #tpu.memory_space<vmem>>)
      %add3A_118 = arith.addi %mul3A_2, %mul3A_75 : i32
      %dma_start3A = arith.constant 0 : i32
      %dma_start3A_119 = arith.constant 0 : i32
      %dma_start3A_120 = tpu.memref_slice %arg6[%select_n3A_91, %dma_start3A, %dma_start3A_119] : memref<2x256x64xf32, #tpu.memory_space<vmem>> -> memref<1x256x64xf32, #tpu.memory_space<vmem>>
      %dma_start3A_121 = tpu.memref_squeeze %dma_start3A_120 : memref<1x256x64xf32, #tpu.memory_space<vmem>> -> memref<256x64xf32, #tpu.memory_space<vmem>>
      %dma_start3A_122 = arith.constant 0 : i32
      %dma_start3A_123 = tpu.memref_slice %arg4[%select_n3A, %add3A_118, %dma_start3A_122] : memref<26x16384x64xf32, #tpu.memory_space<hbm>> -> memref<1x256x64xf32, #tpu.memory_space<hbm>>
      %dma_start3A_124 = tpu.memref_squeeze %dma_start3A_123 : memref<1x256x64xf32, #tpu.memory_space<hbm>> -> memref<256x64xf32, #tpu.memory_space<hbm>>
      %dma_start3A_125 = arith.constant 0 : i32
      %dma_start3A_126 = tpu.memref_slice %arg4[%select_n3A, %add3A_118, %dma_start3A_125] : memref<26x16384x64xf32, #tpu.memory_space<hbm>> -> memref<1x256x64xf32, #tpu.memory_space<hbm>>
      %dma_start3A_127 = tpu.memref_squeeze %dma_start3A_126 : memref<1x256x64xf32, #tpu.memory_space<hbm>> -> memref<256x64xf32, #tpu.memory_space<hbm>>
      %dma_start3A_128 = arith.constant 0 : i32
      %dma_start3A_129 = arith.constant 0 : i32
      %dma_start3A_130 = tpu.memref_slice %arg6[%select_n3A_91, %dma_start3A_128, %dma_start3A_129] : memref<2x256x64xf32, #tpu.memory_space<vmem>> -> memref<1x256x64xf32, #tpu.memory_space<vmem>>
      %dma_start3A_131 = tpu.memref_squeeze %dma_start3A_130 : memref<1x256x64xf32, #tpu.memory_space<vmem>> -> memref<256x64xf32, #tpu.memory_space<vmem>>
      tpu.enqueue_dma source(%dma_start3A_131 : memref<256x64xf32, #tpu.memory_space<vmem>>) target(%dma_start3A_127 : memref<256x64xf32, #tpu.memory_space<hbm>>) target_semaphore(%arg8 : memref<!tpu.dma_semaphore, #tpu.memory_space<semaphore_mem>>)
    }
    %scan3A_7 = arith.constant 52 : i32
    %dma_wait3A = arith.constant 0 : i32
    %dma_wait3A_8 = arith.constant 0 : i32
    %dma_wait3A_9 = arith.constant 0 : i32
    %dma_wait3A_10 = arith.constant 0 : i32
    %dma_wait3A_11 = tpu.memref_slice %arg6[%dma_wait3A, %dma_wait3A_9, %dma_wait3A_10] : memref<2x256x64xf32, #tpu.memory_space<vmem>> -> memref<1x256x64xf32, #tpu.memory_space<vmem>>
    %dma_wait3A_12 = tpu.memref_squeeze %dma_wait3A_11 : memref<1x256x64xf32, #tpu.memory_space<vmem>> -> memref<256x64xf32, #tpu.memory_space<vmem>>
    %dma_wait3A_13 = arith.constant 0 : i32
    %dma_wait3A_14 = arith.constant 0 : i32
    %dma_wait3A_15 = tpu.memref_slice %arg4[%dma_wait3A_8, %dma_wait3A_13, %dma_wait3A_14] : memref<26x16384x64xf32, #tpu.memory_space<hbm>> -> memref<1x256x64xf32, #tpu.memory_space<hbm>>
    %dma_wait3A_16 = tpu.memref_squeeze %dma_wait3A_15 : memref<1x256x64xf32, #tpu.memory_space<hbm>> -> memref<256x64xf32, #tpu.memory_space<hbm>>
    %dma_wait3A_17 = arith.constant 0 : i32
    %dma_wait3A_18 = arith.constant 0 : i32
    %dma_wait3A_19 = tpu.memref_slice %arg4[%dma_wait3A_8, %dma_wait3A_17, %dma_wait3A_18] : memref<26x16384x64xf32, #tpu.memory_space<hbm>> -> memref<1x256x64xf32, #tpu.memory_space<hbm>>
    %dma_wait3A_20 = tpu.memref_squeeze %dma_wait3A_19 : memref<1x256x64xf32, #tpu.memory_space<hbm>> -> memref<256x64xf32, #tpu.memory_space<hbm>>
    %dma_wait3A_21 = arith.constant 0 : i32
    %dma_wait3A_22 = arith.constant 0 : i32
    %dma_wait3A_23 = tpu.memref_slice %arg6[%dma_wait3A, %dma_wait3A_21, %dma_wait3A_22] : memref<2x256x64xf32, #tpu.memory_space<vmem>> -> memref<1x256x64xf32, #tpu.memory_space<vmem>>
    %dma_wait3A_24 = tpu.memref_squeeze %dma_wait3A_23 : memref<1x256x64xf32, #tpu.memory_space<vmem>> -> memref<256x64xf32, #tpu.memory_space<vmem>>
    tpu.wait_dma2 semaphore(%arg8 : memref<!tpu.dma_semaphore, #tpu.memory_space<semaphore_mem>>) src(%dma_wait3A_24 : memref<256x64xf32, #tpu.memory_space<vmem>>) dst(%dma_wait3A_20 : memref<256x64xf32, #tpu.memory_space<hbm>>)
    %dma_wait3A_25 = arith.constant 0 : i32
    %dma_wait3A_26 = arith.constant 0 : i32
    %dma_wait3A_27 = arith.constant 0 : i32
    %dma_wait3A_28 = arith.constant 0 : i32
    %dma_wait3A_29 = tpu.memref_slice %arg6[%dma_wait3A_25, %dma_wait3A_27, %dma_wait3A_28] : memref<2x256x64xf32, #tpu.memory_space<vmem>> -> memref<1x256x64xf32, #tpu.memory_space<vmem>>
    %dma_wait3A_30 = tpu.memref_squeeze %dma_wait3A_29 : memref<1x256x64xf32, #tpu.memory_space<vmem>> -> memref<256x64xf32, #tpu.memory_space<vmem>>
    %dma_wait3A_31 = arith.constant 0 : i32
    %dma_wait3A_32 = arith.constant 0 : i32
    %dma_wait3A_33 = tpu.memref_slice %arg4[%dma_wait3A_26, %dma_wait3A_31, %dma_wait3A_32] : memref<26x16384x64xf32, #tpu.memory_space<hbm>> -> memref<1x256x64xf32, #tpu.memory_space<hbm>>
    %dma_wait3A_34 = tpu.memref_squeeze %dma_wait3A_33 : memref<1x256x64xf32, #tpu.memory_space<hbm>> -> memref<256x64xf32, #tpu.memory_space<hbm>>
    %dma_wait3A_35 = arith.constant 0 : i32
    %dma_wait3A_36 = arith.constant 0 : i32
    %dma_wait3A_37 = tpu.memref_slice %arg4[%dma_wait3A_26, %dma_wait3A_35, %dma_wait3A_36] : memref<26x16384x64xf32, #tpu.memory_space<hbm>> -> memref<1x256x64xf32, #tpu.memory_space<hbm>>
    %dma_wait3A_38 = tpu.memref_squeeze %dma_wait3A_37 : memref<1x256x64xf32, #tpu.memory_space<hbm>> -> memref<256x64xf32, #tpu.memory_space<hbm>>
    %dma_wait3A_39 = arith.constant 0 : i32
    %dma_wait3A_40 = arith.constant 0 : i32
    %dma_wait3A_41 = tpu.memref_slice %arg6[%dma_wait3A_25, %dma_wait3A_39, %dma_wait3A_40] : memref<2x256x64xf32, #tpu.memory_space<vmem>> -> memref<1x256x64xf32, #tpu.memory_space<vmem>>
    %dma_wait3A_42 = tpu.memref_squeeze %dma_wait3A_41 : memref<1x256x64xf32, #tpu.memory_space<vmem>> -> memref<256x64xf32, #tpu.memory_space<vmem>>
    tpu.wait_dma2 semaphore(%arg8 : memref<!tpu.dma_semaphore, #tpu.memory_space<semaphore_mem>>) src(%dma_wait3A_42 : memref<256x64xf32, #tpu.memory_space<vmem>>) dst(%dma_wait3A_38 : memref<256x64xf32, #tpu.memory_space<hbm>>)
    return
  }
}

</mosaic_0001>

<sc_bundles>
// kernel: kernel.3.cloned.1.call-start
scs
__scs_entry_jumppad:
0x0: {  	(pc) =	sbr.rel $0x88, $3  }
0x1: {  	(tag) =	ssettag $0x0;
	lr =	simm.s32 $0x1  }
0x2: {  	[smem:$0x3F9F] =	sst lr;
	_ =	strace $0xD0000000  }
0x3: {  	_ = 	snop  }
0x4: {  	_ = 	snop  }
0x5: {  	_ = 	snop  }
0x6: {  	_ = 	snop  }
0x7: {  	_ = 	snop  }
__scs_overlays_trampoline_lowered:
0x8: {  	[smem:$0x3FAE] =	sst s0  }
0x9: {  	[smem:$0x3FAF] =	sst s1  }
0xa: {  	[smem:$0x3FB0] =	sst s2  }
0xb: {  	[smem:$0x3FB1] =	sst s3  }
0xc: {  	[smem:$0x3FB2] =	sst s4  }
0xd: {  	[smem:$0x3FB3] =	sst s5  }
0xe: {  	[smem:$0x3FB4] =	sst s6  }
0xf: {  	[smem:$0x3FB5] =	sst s7  }
0x10: {  	[smem:$0x3FB6] =	sst s8  }
0x11: {  	[smem:$0x3FB7] =	sst s9;
	s0 =	simm.s32 @!p0 $0x0  }
0x12: {  	s1 =	sld [smem:$0x3F9D];
	s0 =	simm.s32 @p0 $0x1  }
0x13: {  	[smem:$0x3FB8] =	sst s0;
	s0 =	simm.s32 @!p1 $0x0  }
0x14: {  	s2 =	sld [smem:$0x3F9C];
	s0 =	simm.s32 @p1 $0x1  }
0x15: {  	[smem:$0x3FB9] =	sst s0;
	s0 =	simm.s32 @!p2 $0x0  }
0x16: {  	s3 =	sld [smem:$0x3FDB];
	s0 =	simm.s32 @p2 $0x1  }
0x17: {  	s4 =	simm.s32 $0x1BF5;
	[smem:$0x3FBB] =	sst s0  }
0x18: {  	s0 =	sld [smem:$0x3F9E];
	_ =	swait.ge [sflag:s4], $0x0  }
0x19: {  	s7 =	sld [smem:$0x3F9F]  }
0x1a: {  	s8 =	sadd.s32 $0xFFFFE003, lr  }
0x1b: {  	s9 =	sadd.s32 $0xFFFFFEF7, lr;
	s5 =	simm.s32 $0xFFFFFFFF;
	p2 =	slt.u32 s8, $0xFFFFF086  }
0x1c: {  	p1 =	slt.u32 s9, $0xF7A;
	s5 =	simm.s32 @!p2 $0x0  }
0x1d: {  	s5 =	simm.s32 @p1 $0x1;
	p0 =	seq.s32 s7, s2  }
0x1e: {  	s7 =	smul.u32 @!p0 $0xF7A, s2;
	p2 =	seq.s32 @!p0 s5, $0x0  }
0x1f: {  	s9 =	smul.u32 $0xF7A, s1;
	s8 =	simm.s32 @!p0 $0x1BF5;
	p2 =	por !p2, p0  }
0x20: {  	[sflag:s8] =	ssyncset.s32 @!p0 $0xFFFFF086;
	s6 =	sadd.s32 @!p0 s3, s7;
	s7 =	simm.s32 @!p0 $0x108  }
0x21: {  	s3 =	sadd.s32 s3, s9;
	s6 =	sadd.s32 @!p0 $0x88, s6;
	s7 =	simm.s32 @p2 $0x1082  }
0x22: {  	[simem:s7], [sflag:s8] =	dma.local @!p0 [hbm:s6], $0xF7A  }
0x23: {  	s9 =	sor.u32 $0xD0000000, s2;
	s6 =	simm.s32 $0x108;
	_ =	swait.ge @!p0 [sflag:s8], $0x0  }
0x24: {  	s3 =	sadd.s32 $0x88, s3;
	s6 =	simm.s32 @!p1 $0x1082;
	[sflag:s4] =	ssyncset.s32 $0xFFFFF086  }
0x25: {  	[simem:s6], [sflag:s4] =	dma.local [hbm:s3], $0xF7A  }
0x26: {  	[smem:$0x3F9F] =	sst s1;
	(tag) =	ssettag s2;
	_ =	strace s9  }
0x27: {  	s1 =	sld [smem:$0x3FAF]  }
0x28: {  	s2 =	sld [smem:$0x3FB0]  }
0x29: {  	s4 =	sld [smem:$0x3FB2]  }
0x2a: {  	p0 =	seq.s32 s5, $0x0;
	s5 =	sld [smem:$0x3FB3]  }
0x2b: {  	s6 =	sld [smem:$0x3FB4]  }
0x2c: {  	s7 =	sld [smem:$0x3FB5]  }
0x2d: {  	s3 =	simm.s32 $0x108;
	s8 =	sld [smem:$0x3FB6]  }
0x2e: {  	s3 =	simm.s32 @!p0 $0x1082;
	s9 =	sld [smem:$0x3FB7]  }
0x2f: {  	lr =	sadd.s32 s0, s3;
	s0 =	sld [smem:$0x3FAE]  }
0x30: {  	s3 =	sld [smem:$0x3FB1]  }
0x31: {  	[smem:$0x3FBA] =	sst s10  }
0x32: {  	s10 =	sld [smem:$0x3FB8];
	_ =	sdelay $0x3  }
0x33: {  	p0 =	seq.s32 s10, $0x1;
	s10 =	sld [smem:$0x3FBA];
	_ =	sdelay $0x3  }
0x34: {  	[smem:$0x3FBA] =	sst s10  }
0x35: {  	s10 =	sld [smem:$0x3FB9];
	_ =	sdelay $0x3  }
0x36: {  	p1 =	seq.s32 s10, $0x1;
	s10 =	sld [smem:$0x3FBA];
	_ =	sdelay $0x3  }
0x37: {  	[smem:$0x3FBA] =	sst s10  }
0x38: {  	s10 =	sld [smem:$0x3FBB]  }
0x39: {  	_ = 	snop;
	(pc) =	sbr.ind lr, $3  }
0x3a: {  	_ = 	snop  }
0x3b: {  	_ = 	snop  }
0x3c: {  	p2 =	seq.s32 s10, $0x1;
	s10 =	sld [smem:$0x3FBA]  }
0x3d: {  	_ =	shalt  }
0x3e: {  	_ =	shalt  }
0x3f: {  	_ =	shalt  }
0x40: {  	_ =	shalt  }
0x41: {  	_ =	shalt  }
0x42: {  	_ =	shalt  }
0x43: {  	_ =	shalt  }
0x44: {  	_ =	shalt  }
0x45: {  	_ =	shalt  }
0x46: {  	_ =	shalt  }
0x47: {  	_ =	shalt  }
0x48: {  	_ =	shalt  }
0x49: {  	_ =	shalt  }
0x4a: {  	_ =	shalt  }
0x4b: {  	_ =	shalt  }
0x4c: {  	_ =	shalt  }
0x4d: {  	_ =	shalt  }
0x4e: {  	_ =	shalt  }
0x4f: {  	_ =	shalt  }
0x50: {  	_ =	shalt  }
0x51: {  	_ =	shalt  }
0x52: {  	_ =	shalt  }
0x53: {  	_ =	shalt  }
0x54: {  	_ =	shalt  }
0x55: {  	_ =	shalt  }
0x56: {  	_ =	shalt  }
0x57: {  	_ =	shalt  }
0x58: {  	_ =	shalt  }
0x59: {  	_ =	shalt  }
0x5a: {  	_ =	shalt  }
0x5b: {  	_ =	shalt  }
0x5c: {  	_ =	shalt  }
0x5d: {  	_ =	shalt  }
0x5e: {  	_ =	shalt  }
0x5f: {  	_ =	shalt  }
0x60: {  	_ =	shalt  }
0x61: {  	_ =	shalt  }
0x62: {  	_ =	shalt  }
0x63: {  	_ =	shalt  }
0x64: {  	_ =	shalt  }
0x65: {  	_ =	shalt  }
0x66: {  	_ =	shalt  }
0x67: {  	_ =	shalt  }
0x68: {  	_ =	shalt  }
0x69: {  	_ =	shalt  }
0x6a: {  	_ =	shalt  }
0x6b: {  	_ =	shalt  }
0x6c: {  	_ =	shalt  }
0x6d: {  	_ =	shalt  }
0x6e: {  	_ =	shalt  }
0x6f: {  	_ =	shalt  }
0x70: {  	_ =	shalt  }
0x71: {  	_ =	shalt  }
0x72: {  	_ =	shalt  }
0x73: {  	_ =	shalt  }
0x74: {  	_ =	shalt  }
0x75: {  	_ =	shalt  }
0x76: {  	_ =	shalt  }
0x77: {  	_ =	shalt  }
0x78: {  	_ =	shalt  }
0x79: {  	_ =	shalt  }
0x7a: {  	_ =	shalt  }
0x7b: {  	_ =	shalt  }
0x7c: {  	_ =	shalt  }
0x7d: {  	_ =	shalt  }
0x7e: {  	_ =	shalt  }
0x7f: {  	_ =	shalt  }
0x80: {  	_ =	shalt  }
0x81: {  	_ =	shalt  }
0x82: {  	_ =	shalt  }
0x83: {  	_ =	shalt  }
0x84: {  	_ =	shalt  }
0x85: {  	_ =	shalt  }
0x86: {  	_ =	shalt  }
0x87: {  	_ =	shalt  }
.Lfunc_end0:
.L_simem_size_0:
called_computation.1_lowered:
.L_overlay_start_0:
0x88: {  	s2 =	sld [smem:$0x3FD9]  }
0x89: {  	s3 =	sld [smem:$0x3FFE];
	_ =	sdelay $0x1  }
0x8a: {  	s1 =	srdreg.scid  }
0x8b: {  	s0 =	sand.u32 $0x1, s1  }
0x8c: {  	s17 =	sshll.u32 s0, $0xA;
	s2 =	sadd.s32 s3, s2  }
0x8d: {  	s2 =	sadd.s32 s2, s17  }
0x8e: {  	[smem:$0x3FC6] =	sst s2  }
0x8f: {  	_ = 	snop  }
0x90: {  	s2 =	sld [smem:$0x3FD0];
	(tm) =	ssettm $0x1  }
0x91: {  	s18 =	sld [smem:$0x3FFB];
	_ =	sdelay $0x3  }
0x92: {  	_ =	strace s18  }
0x93: {  	s3 =	sld [smem:$0x3FFC];
	_ =	sdelay $0x3  }
0x94: {  	_ =	strace s3  }
0x95: {  	s3 =	sld [smem:$0x3FFD];
	_ =	sdelay $0x3  }
0x96: {  	_ =	strace s3  }
0x97: {  	_ =	strace $0x8FFFFFFF  }
0x98: {  	s19 =	sld [smem:$0x3FDB];
	_ =	sdelay $0x1  }
0x99: {  	s4 =	simm.s32 $_scs_section_size  }
0x9a: {  	s5 =	simm.s32 $_size__tile_overlayer_lowered;
	s6 =	simm.s32 $_tile_overlayer_lowered  }
0x9b: {  	s22 =	simm.s32 $0x1BFF;
	s21 =	sshll.u32 s6, $0x1;
	s3 =	sadd.s32 s4, s19  }
0x9c: {  	s7 =	simm.s32 $0x0;
	s20 =	sshll.u32 s5, $0x1;
	s5 =	sadd.s32 s21, s3  }
0x9d: {  	[timem:s7], [sflag:s22] =	dma.local [hbm:s5], s20  }
0x9e: {  	_ =	swait.ge [sflag:s22], s20  }
0x9f: {  	s4 =	ssub.s32 $0x0, s20;
	[sflag:s22] =	ssyncset.done $0x0  }
0xa0: {  	[sflag:s22] =	ssyncadd.s32 s4;
	_ =	sdelay $0x1  }
0xa1: {  	s23 =	simm.s32 $0x1B8B  }
0xa2: {  	_ =	swait.ge [sflag:s23], $0x1  }
0xa3: {  	[sflag:s23] =	ssyncset.done $0x0  }
0xa4: {  	s25 =	simm.s32 $0x1B8E;
	s24 =	sld [smem:$0x3FFE];
	[sflag:s23] =	ssyncadd.s32 $0xFFFFFFFF  }
0xa5: {  	s26 =	simm.s32 $execute0_lowered;
	[smem:$0x3FD2] =	sst s25  }
0xa6: {  	s5 =	sshll.u32 s26, $0x1;
	_ =	strace $0x80000046;
	[dreg:$0x1] =	wrdreg $0xFFFFFFFF  }
0xa7: {  	s28 =	simm.s32 $_size_execute0_lowered;
	s3 =	sadd.s32 s3, s5;
	[dreg:$0x0] =	wrdreg $0x0  }
0xa8: {  	s5 =	sshll.u32 s28, $0x1;
	[dreg:$0x2] =	wrdreg s3  }
0xa9: {  	[dreg:$0x3] =	wrdreg s5  }
0xaa: {  	[dreg:$0x4] =	wrdreg $0xC0  }
0xab: {  	_ =	task [dreg:s7], $0x5FFFF  }
0xac: {  	[dreg:$0x1] =	wrdreg $0xFFFFFFFF  }
0xad: {  	[dreg:$0x0] =	wrdreg $0x60  }
0xae: {  	[dreg:$0x2] =	wrdreg s2  }
0xaf: {  	[dreg:$0x3] =	wrdreg s24  }
0xb0: {  	[dreg:$0x4] =	wrdreg $0x9  }
0xb1: {  	_ =	task.clear_ibuf [dreg:s7], $0x5FFFF;
	_ =	strace $0x90000046  }
0xb2: {  	s29 =	simm.s32 $0x9;
	_ =	strace $0x80000048  }
0xb3: {  	_ =	swait.ge [sflag:s29], $0x1  }
0xb4: {  	[sflag:s29] =	ssyncadd.s32 $0xFFFFFFFF  }
0xb5: {  	_ =	strace $0x90000048  }
0xb6: {  	_ =	sfence  }
0xb7: {  	s30 =	sld [smem:$0x0];
	_ =	sdelay $0x2  }
0xb8: {  	s31 =	sshll.u32 s1, $0xD;
	s1 =	sshrl.u32 s1, $0x2  }
0xb9: {  	s3 =	sand.u32 $0x4000, s31;
	s1 =	sadd.s32 s1, s30  }
0xba: {  	s0 =	sor.u32 s3, s0;
	s1 =	sshll.u32 s1, $0x11  }
0xbb: {  	s0 =	sor.u32 s1, s0  }
0xbc: {  	s0 =	sadd.s32 $0x8F2B, s0  }
0xbd: {  	[sflag:s0] =	ssyncadd.remote.s32 $0x1  }
0xbe: {  	_ =	sfence.sel $0xFFFF  }
0xbf: {  	[dreg:$0x0] =	wrdreg $0xFFFFFFFF;
	(pc) =	sbr.abs _section_cstart, $3  }
0xc0: {  	[dreg:$0x1] =	wrdreg $0xFFFFFFFF  }
0xc1: {  	_ =	task.clear_ibuf [dreg:s7], $0x2FFFF;
	_ =	strace $0x9FFFFFFF  }
0xc2: {  	(tm) =	ssettm $0x7FFFFFFF  }
0xc3: {  	_ =	shalt  }
tec
execute0_lowered:
.L_overlay_start_1:
0x0: {  	(tag) =	ssettag $0x1  }
0x1: {  	s4 =	rddreg [dreg:$0x0]  }
0x2: {  	s5 =	rddreg [dreg:$0x1]  }
0x3: {  	s0 =	rddreg [dreg:$0x2];
	s2 =	simm.s32 $0x0  }
0x4: {  	s3 =	srdreg.scid;
	s1 =	stileid.u32;
	s10 =	simm.s32 $0x0  }
0x5: {  	[smem:$0x7FF] =	sst s2;
	s6 =	sand.u32 $0x1, s3;
	s7 =	sshll.u32 s1, $0x1  }
0x6: {  	s3 =	sadd.s32 $0xA00, s5;
	s7 =	sor.u32 s6, s7;
	s6 =	ssub.s32 $0x2, s6  }
0x7: {  	_ =	strace $0x80000047;
	s8 =	sshll.u32 s7, $0xD;
	s9 =	sshrl.u32 s6, $0x1  }
0x8: {  	s7 =	sshll.u32 s7, $0xB;
	s5 =	sadd.s32 s8, s5;
	s6 =	ssub.s32 s6, s9  }
0x9: {  	s4 =	sadd.s32 s4, s7;
	s7 =	simm.s32 $0x3;
	s8 =	simm.s32 $0x1  }
0xa: {  	s9 =	simm.s32 $0x2;
	s5 =	sadd.s32 $0x27ACE00, s5;
	s6 =	smax.u32 s6, $0x1  }
.LBB2_1:
0xb: {  	[tilespmem:s2], [sflag:$0x3] =	stream.linear.gather [hbm4b:s4+s2], $0x4000, $0x38;
	[tilespmem:$0x14000] =	vst v63  }
0xc: {  	_ =	swait.ge [sflag:s7], $0x4000  }
0xd: {  	p0 =	por $0x0, $0x0;
	[sflag:s7] =	ssyncset.done $0x0  }
0xe: {  	s11 =	simm.s32 $0x0;
	s12 =	simm.s32 $0x0;
	[sflag:s7] =	ssyncadd.s32 $0xFFFFC000  }
.LBB2_2:
0xf: {  	s13 =	simm.s32 $0x1  }
0x10: {  	s13 =	simm.s32 @!p0 $0x0  }
0x11: {  	p1 =	slt.u32 s12, $0x2;
	s14 =	sand.u32 $0x1, s12;
	s13 =	sshll.u32 s13, $0xF  }
0x12: {  	s17 =	simm.s32 $0x0;
	s18 =	simm.s32 $0x30;
	s13 =	sor.u32 $0x4000, s13  }
0x13: {  	s15 =	simm.s32 @!p1 $0x2;
	[dreg:$0x4] =	wrdreg s13;
	s13 =	sshrl.u32 s12, $0x1  }
0x14: {  	_ =	swait.ge @!p1 [sflag:s15], $0x8000;
	s16 =	sshll.u32 s13, $0x9;
	s30 =	sshll.u32 s13, $0x7  }
0x15: {  	[sflag:s15] =	ssyncset.done @!p1 $0x0;
	s16 =	sand.u32 $0x3000, s16;
	s19 =	sand.u32 $0x380, s30  }
0x16: {  	s31 =	sshll.u32 s14, $0xF;
	[sflag:s15] =	ssyncadd.s32 @!p1 $0xFFFF8000;
	[dreg:$0x3] =	wrdreg s16;
	v0 =	vmov s19  }
0x17: {  	s16 =	smul.u32 $0xC35000, s13;
	s15 =	sor.u32 $0x4000, s31;
	s19 =	smov.u32 s11  }
.LBB2_3:
0x18: {  	s20 =	rddreg [dreg:$0x3];
	s21 =	sadd.s32 $0xFFFFFFD0, s18;
	s22 =	sand.u32 $0xC00, s19  }
0x19: {  	s23 =	sand.u32 $0x40, s21;
	s21 =	sadd.s32 s22, s20  }
0x1a: {  	s20 =	sadd.s32 s23, s21  }
0x1b: {  	v1 =	vld.idx.msk [tilespmem:v0+s20+$0x0 ss:$0x1], $0xffff;
	_ =	sdelay $0x4  }
0x1c: {  	v1 =	vshll.u32 v1, $0x7  }
0x1d: {  	(v2sf) =	vpush v1, $0x0;
	_ =	sdelay $0x1  }
0x1e: {  	(v2sf) =	vpush v1, $0x1;
	_ =	sdelay $0x3  }
0x1f: {  	(v2sf) =	vpush v1, $0x2;
	_ =	sdelay $0x8  }
0x20: {  	s23 =	spop (v2sf);
	(v2sf) =	vpush v1, $0x3  }
0x21: {  	s25 =	rddreg [dreg:$0x4]  }
0x22: {  	s26 =	sshra.s32 s17, $0x2;
	s24 =	sand.u32 $0xFFFFFC00, s23;
	s29 =	spop (v2sf)  }
0x23: {  	s20 =	sand.u32 $0x380, s23;
	s22 =	sadd.s32 s16, s24;
	s30 =	sand.u32 $0xFFFFFC00, s29  }
0x24: {  	(v2sf) =	vpush v1, $0x4;
	s20 =	sor.u32 s20, s22;
	s23 =	sadd.s32 s16, s30;
	s22 =	sand.u32 $0x380, s29  }
0x25: {  	s24 =	sshrl.u32 s20, $0x3;
	s20 =	sadd.s32 s26, s25;
	s22 =	sor.u32 s22, s23  }
0x26: {  	s28 =	sadd.s32 s3, s24;
	s22 =	sshrl.u32 s22, $0x3;
	s24 =	spop (v2sf)  }
0x27: {  	[tilespmem:s20], [sflag:$0x1] =	stream.linear.gather [hbm4b:s28+s2], $0x80, $0x38;
	[tilespmem:$0x14000] =	vst v63  }
0x28: {  	s31 =	sadd.s32 $0x80, s20;
	s22 =	sadd.s32 s3, s22;
	s25 =	sand.u32 $0xFFFFFC00, s24  }
0x29: {  	(v2sf) =	vpush v1, $0x5;
	[tilespmem:s31], [sflag:$0x1] =	stream.linear.gather [hbm4b:s22+s2], $0x80, $0x38;
	[tilespmem:$0x14000] =	vst v63  }
0x2a: {  	s23 =	sadd.s32 s16, s25;
	s22 =	sand.u32 $0x380, s24  }
0x2b: {  	s22 =	sor.u32 s22, s23  }
0x2c: {  	s22 =	sshrl.u32 s22, $0x3  }
0x2d: {  	s26 =	sadd.s32 $0x100, s20;
	s22 =	sadd.s32 s3, s22  }
0x2e: {  	[tilespmem:s26], [sflag:$0x1] =	stream.linear.gather [hbm4b:s22+s2], $0x80, $0x38;
	[tilespmem:$0x14000] =	vst v63  }
0x2f: {  	s28 =	spop (v2sf)  }
0x30: {  	s29 =	sand.u32 $0xFFFFFC00, s28  }
0x31: {  	(v2sf) =	vpush v1, $0x6;
	s22 =	sand.u32 $0x380, s28;
	s23 =	sadd.s32 s16, s29  }
0x32: {  	s22 =	sor.u32 s22, s23  }
0x33: {  	s31 =	spop (v2sf);
	s22 =	sshrl.u32 s22, $0x3  }
0x34: {  	s30 =	sadd.s32 $0x180, s20;
	s24 =	sand.u32 $0xFFFFFC00, s31;
	s22 =	sadd.s32 s3, s22  }
0x35: {  	(v2sf) =	vpush v1, $0x7;
	[tilespmem:s30], [sflag:$0x1] =	stream.linear.gather [hbm4b:s22+s2], $0x80, $0x38;
	[tilespmem:$0x14000] =	vst v63  }
0x36: {  	s23 =	sadd.s32 s16, s24;
	s22 =	sand.u32 $0x380, s31  }
0x37: {  	s22 =	sor.u32 s22, s23  }
0x38: {  	s26 =	spop (v2sf);
	s22 =	sshrl.u32 s22, $0x3  }
0x39: {  	s25 =	sadd.s32 $0x200, s20;
	s28 =	sand.u32 $0xFFFFFC00, s26;
	s22 =	sadd.s32 s3, s22  }
0x3a: {  	(v2sf) =	vpush v1, $0x8;
	[tilespmem:s25], [sflag:$0x1] =	stream.linear.gather [hbm4b:s22+s2], $0x80, $0x38;
	[tilespmem:$0x14000] =	vst v63  }
0x3b: {  	s23 =	sadd.s32 s16, s28;
	s22 =	sand.u32 $0x380, s26  }
0x3c: {  	s22 =	sor.u32 s22, s23  }
0x3d: {  	s22 =	sshrl.u32 s22, $0x3  }
0x3e: {  	s29 =	sadd.s32 $0x280, s20;
	s22 =	sadd.s32 s3, s22  }
0x3f: {  	[tilespmem:s29], [sflag:$0x1] =	stream.linear.gather [hbm4b:s22+s2], $0x80, $0x38;
	[tilespmem:$0x14000] =	vst v63  }
0x40: {  	s30 =	spop (v2sf)  }
0x41: {  	s31 =	sand.u32 $0xFFFFFC00, s30  }
0x42: {  	(v2sf) =	vpush v1, $0x9;
	s22 =	sand.u32 $0x380, s30;
	s23 =	sadd.s32 s16, s31  }
0x43: {  	s22 =	sor.u32 s22, s23  }
0x44: {  	s25 =	spop (v2sf);
	s22 =	sshrl.u32 s22, $0x3  }
0x45: {  	s24 =	sadd.s32 $0x300, s20;
	s26 =	sand.u32 $0xFFFFFC00, s25;
	s22 =	sadd.s32 s3, s22  }
0x46: {  	(v2sf) =	vpush v1, $0xA;
	[tilespmem:s24], [sflag:$0x1] =	stream.linear.gather [hbm4b:s22+s2], $0x80, $0x38;
	[tilespmem:$0x14000] =	vst v63  }
0x47: {  	s23 =	sadd.s32 s16, s26;
	s22 =	sand.u32 $0x380, s25  }
0x48: {  	s22 =	sor.u32 s22, s23  }
0x49: {  	s29 =	spop (v2sf);
	s22 =	sshrl.u32 s22, $0x3  }
0x4a: {  	s28 =	sadd.s32 $0x380, s20;
	s30 =	sand.u32 $0xFFFFFC00, s29;
	s22 =	sadd.s32 s3, s22  }
0x4b: {  	(v2sf) =	vpush v1, $0xB;
	[tilespmem:s28], [sflag:$0x1] =	stream.linear.gather [hbm4b:s22+s2], $0x80, $0x38;
	[tilespmem:$0x14000] =	vst v63  }
0x4c: {  	s23 =	sadd.s32 s16, s30;
	s22 =	sand.u32 $0x380, s29  }
0x4d: {  	s22 =	sor.u32 s22, s23  }
0x4e: {  	s22 =	sshrl.u32 s22, $0x3  }
0x4f: {  	s31 =	sadd.s32 $0x400, s20;
	s22 =	sadd.s32 s3, s22  }
0x50: {  	[tilespmem:s31], [sflag:$0x1] =	stream.linear.gather [hbm4b:s22+s2], $0x80, $0x38;
	[tilespmem:$0x14000] =	vst v63  }
0x51: {  	s24 =	spop (v2sf)  }
0x52: {  	s25 =	sand.u32 $0xFFFFFC00, s24  }
0x53: {  	(v2sf) =	vpush v1, $0xC;
	s22 =	sand.u32 $0x380, s24;
	s23 =	sadd.s32 s16, s25  }
0x54: {  	s22 =	sor.u32 s22, s23  }
0x55: {  	s28 =	spop (v2sf);
	s22 =	sshrl.u32 s22, $0x3  }
0x56: {  	s26 =	sadd.s32 $0x480, s20;
	s29 =	sand.u32 $0xFFFFFC00, s28;
	s22 =	sadd.s32 s3, s22  }
0x57: {  	(v2sf) =	vpush v1, $0xD;
	[tilespmem:s26], [sflag:$0x1] =	stream.linear.gather [hbm4b:s22+s2], $0x80, $0x38;
	[tilespmem:$0x14000] =	vst v63  }
0x58: {  	s23 =	sadd.s32 s16, s29;
	s22 =	sand.u32 $0x380, s28  }
0x59: {  	s22 =	sor.u32 s22, s23  }
0x5a: {  	s31 =	spop (v2sf);
	s22 =	sshrl.u32 s22, $0x3  }
0x5b: {  	s30 =	sadd.s32 $0x500, s20;
	s24 =	sand.u32 $0xFFFFFC00, s31;
	s22 =	sadd.s32 s3, s22  }
0x5c: {  	(v2sf) =	vpush v1, $0xE;
	[tilespmem:s30], [sflag:$0x1] =	stream.linear.gather [hbm4b:s22+s2], $0x80, $0x38;
	[tilespmem:$0x14000] =	vst v63  }
0x5d: {  	s23 =	sadd.s32 s16, s24;
	s22 =	sand.u32 $0x380, s31  }
0x5e: {  	s22 =	sor.u32 s22, s23  }
0x5f: {  	s22 =	sshrl.u32 s22, $0x3  }
0x60: {  	s25 =	sadd.s32 $0x580, s20;
	s22 =	sadd.s32 s3, s22  }
0x61: {  	[tilespmem:s25], [sflag:$0x1] =	stream.linear.gather [hbm4b:s22+s2], $0x80, $0x38;
	[tilespmem:$0x14000] =	vst v63  }
0x62: {  	s26 =	spop (v2sf)  }
0x63: {  	s28 =	sand.u32 $0xFFFFFC00, s26  }
0x64: {  	(v2sf) =	vpush v1, $0xF;
	s22 =	sand.u32 $0x380, s26;
	s23 =	sadd.s32 s16, s28  }
0x65: {  	s22 =	sor.u32 s22, s23  }
0x66: {  	s30 =	spop (v2sf);
	s22 =	sshrl.u32 s22, $0x3  }
0x67: {  	s29 =	sadd.s32 $0x600, s20;
	s31 =	sand.u32 $0xFFFFFC00, s30;
	s22 =	sadd.s32 s3, s22  }
0x68: {  	[tilespmem:s29], [sflag:$0x1] =	stream.linear.gather [hbm4b:s22+s2], $0x80, $0x38;
	[tilespmem:$0x14000] =	vst v63  }
0x69: {  	s23 =	sadd.s32 s16, s31;
	s22 =	sand.u32 $0x380, s30  }
0x6a: {  	s22 =	sor.u32 s22, s23  }
0x6b: {  	s25 =	spop (v2sf);
	s22 =	sshrl.u32 s22, $0x3  }
0x6c: {  	s24 =	sadd.s32 $0x680, s20;
	s26 =	sand.u32 $0xFFFFFC00, s25;
	s22 =	sadd.s32 s3, s22  }
0x6d: {  	[tilespmem:s24], [sflag:$0x1] =	stream.linear.gather [hbm4b:s22+s2], $0x80, $0x38;
	[tilespmem:$0x14000] =	vst v63  }
0x6e: {  	s23 =	sadd.s32 s16, s26;
	s22 =	sand.u32 $0x380, s25  }
0x6f: {  	s22 =	sor.u32 s22, s23  }
0x70: {  	s22 =	sshrl.u32 s22, $0x3  }
0x71: {  	s28 =	sadd.s32 $0x700, s20;
	s22 =	sadd.s32 s3, s22  }
0x72: {  	[tilespmem:s28], [sflag:$0x1] =	stream.linear.gather [hbm4b:s22+s2], $0x80, $0x38;
	[tilespmem:$0x14000] =	vst v63  }
0x73: {  	s29 =	spop (v2sf)  }
0x74: {  	s30 =	sand.u32 $0xFFFFFC00, s29  }
0x75: {  	s22 =	sand.u32 $0x380, s29;
	s23 =	sadd.s32 s16, s30  }
0x76: {  	s22 =	sor.u32 s22, s23  }
0x77: {  	s22 =	sshrl.u32 s22, $0x3  }
0x78: {  	s31 =	sadd.s32 $0x780, s20;
	s24 =	sadd.s32 $0xFFFFFFE0, s18;
	s22 =	sadd.s32 s3, s22  }
0x79: {  	[tilespmem:s31], [sflag:$0x1] =	stream.linear.gather [hbm4b:s22+s2], $0x80, $0x38;
	[tilespmem:$0x14000] =	vst v63  }
0x7a: {  	s22 =	sand.u32 $0x50, s24  }
0x7b: {  	s22 =	sadd.s32 s22, s21  }
0x7c: {  	v1 =	vld.idx.msk [tilespmem:v0+s22+$0x0 ss:$0x1], $0xffff;
	_ =	sdelay $0x4  }
0x7d: {  	v1 =	vshll.u32 v1, $0x7  }
0x7e: {  	(v2sf) =	vpush v1, $0x0;
	_ =	sdelay $0x3  }
0x7f: {  	(v2sf) =	vpush v1, $0x1;
	_ =	sdelay $0x4  }
0x80: {  	(v2sf) =	vpush v1, $0x2;
	_ =	sdelay $0x5  }
0x81: {  	s25 =	spop (v2sf)  }
0x82: {  	s26 =	sand.u32 $0xFFFFFC00, s25  }
0x83: {  	(v2sf) =	vpush v1, $0x3;
	s22 =	sand.u32 $0x380, s25;
	s23 =	sadd.s32 s16, s26  }
0x84: {  	s22 =	sor.u32 s22, s23  }
0x85: {  	s29 =	spop (v2sf);
	s22 =	sshrl.u32 s22, $0x3  }
0x86: {  	s28 =	sadd.s32 $0x800, s20;
	s30 =	sand.u32 $0xFFFFFC00, s29;
	s22 =	sadd.s32 s3, s22  }
0x87: {  	(v2sf) =	vpush v1, $0x4;
	[tilespmem:s28], [sflag:$0x1] =	stream.linear.gather [hbm4b:s22+s2], $0x80, $0x38;
	[tilespmem:$0x14000] =	vst v63  }
0x88: {  	s23 =	sadd.s32 s16, s30;
	s22 =	sand.u32 $0x380, s29  }
0x89: {  	s22 =	sor.u32 s22, s23  }
0x8a: {  	s24 =	spop (v2sf);
	s22 =	sshrl.u32 s22, $0x3  }
0x8b: {  	s31 =	sadd.s32 $0x880, s20;
	s25 =	sand.u32 $0xFFFFFC00, s24;
	s22 =	sadd.s32 s3, s22  }
0x8c: {  	(v2sf) =	vpush v1, $0x5;
	[tilespmem:s31], [sflag:$0x1] =	stream.linear.gather [hbm4b:s22+s2], $0x80, $0x38;
	[tilespmem:$0x14000] =	vst v63  }
0x8d: {  	s23 =	sadd.s32 s16, s25;
	s22 =	sand.u32 $0x380, s24  }
0x8e: {  	s22 =	sor.u32 s22, s23  }
0x8f: {  	s22 =	sshrl.u32 s22, $0x3  }
0x90: {  	s26 =	sadd.s32 $0x900, s20;
	s22 =	sadd.s32 s3, s22  }
0x91: {  	[tilespmem:s26], [sflag:$0x1] =	stream.linear.gather [hbm4b:s22+s2], $0x80, $0x38;
	[tilespmem:$0x14000] =	vst v63  }
0x92: {  	s28 =	spop (v2sf)  }
0x93: {  	s29 =	sand.u32 $0xFFFFFC00, s28  }
0x94: {  	(v2sf) =	vpush v1, $0x6;
	s22 =	sand.u32 $0x380, s28;
	s23 =	sadd.s32 s16, s29  }
0x95: {  	s22 =	sor.u32 s22, s23  }
0x96: {  	s31 =	spop (v2sf);
	s22 =	sshrl.u32 s22, $0x3  }
0x97: {  	s30 =	sadd.s32 $0x980, s20;
	s24 =	sand.u32 $0xFFFFFC00, s31;
	s22 =	sadd.s32 s3, s22  }
0x98: {  	(v2sf) =	vpush v1, $0x7;
	[tilespmem:s30], [sflag:$0x1] =	stream.linear.gather [hbm4b:s22+s2], $0x80, $0x38;
	[tilespmem:$0x14000] =	vst v63  }
0x99: {  	s23 =	sadd.s32 s16, s24;
	s22 =	sand.u32 $0x380, s31  }
0x9a: {  	s22 =	sor.u32 s22, s23  }
0x9b: {  	s26 =	spop (v2sf);
	s22 =	sshrl.u32 s22, $0x3  }
0x9c: {  	s25 =	sadd.s32 $0xA00, s20;
	s28 =	sand.u32 $0xFFFFFC00, s26;
	s22 =	sadd.s32 s3, s22  }
0x9d: {  	(v2sf) =	vpush v1, $0x8;
	[tilespmem:s25], [sflag:$0x1] =	stream.linear.gather [hbm4b:s22+s2], $0x80, $0x38;
	[tilespmem:$0x14000] =	vst v63  }
0x9e: {  	s23 =	sadd.s32 s16, s28;
	s22 =	sand.u32 $0x380, s26  }
0x9f: {  	s22 =	sor.u32 s22, s23  }
0xa0: {  	s22 =	sshrl.u32 s22, $0x3  }
0xa1: {  	s29 =	sadd.s32 $0xA80, s20;
	s22 =	sadd.s32 s3, s22  }
0xa2: {  	[tilespmem:s29], [sflag:$0x1] =	stream.linear.gather [hbm4b:s22+s2], $0x80, $0x38;
	[tilespmem:$0x14000] =	vst v63  }
0xa3: {  	s30 =	spop (v2sf)  }
0xa4: {  	s31 =	sand.u32 $0xFFFFFC00, s30  }
0xa5: {  	(v2sf) =	vpush v1, $0x9;
	s22 =	sand.u32 $0x380, s30;
	s23 =	sadd.s32 s16, s31  }
0xa6: {  	s22 =	sor.u32 s22, s23  }
0xa7: {  	s25 =	spop (v2sf);
	s22 =	sshrl.u32 s22, $0x3  }
0xa8: {  	s24 =	sadd.s32 $0xB00, s20;
	s26 =	sand.u32 $0xFFFFFC00, s25;
	s22 =	sadd.s32 s3, s22  }
0xa9: {  	(v2sf) =	vpush v1, $0xA;
	[tilespmem:s24], [sflag:$0x1] =	stream.linear.gather [hbm4b:s22+s2], $0x80, $0x38;
	[tilespmem:$0x14000] =	vst v63  }
0xaa: {  	s23 =	sadd.s32 s16, s26;
	s22 =	sand.u32 $0x380, s25  }
0xab: {  	s22 =	sor.u32 s22, s23  }
0xac: {  	s29 =	spop (v2sf);
	s22 =	sshrl.u32 s22, $0x3  }
0xad: {  	s28 =	sadd.s32 $0xB80, s20;
	s30 =	sand.u32 $0xFFFFFC00, s29;
	s22 =	sadd.s32 s3, s22  }
0xae: {  	(v2sf) =	vpush v1, $0xB;
	[tilespmem:s28], [sflag:$0x1] =	stream.linear.gather [hbm4b:s22+s2], $0x80, $0x38;
	[tilespmem:$0x14000] =	vst v63  }
0xaf: {  	s23 =	sadd.s32 s16, s30;
	s22 =	sand.u32 $0x380, s29  }
0xb0: {  	s22 =	sor.u32 s22, s23  }
0xb1: {  	s22 =	sshrl.u32 s22, $0x3  }
0xb2: {  	s31 =	sadd.s32 $0xC00, s20;
	s22 =	sadd.s32 s3, s22  }
0xb3: {  	[tilespmem:s31], [sflag:$0x1] =	stream.linear.gather [hbm4b:s22+s2], $0x80, $0x38;
	[tilespmem:$0x14000] =	vst v63  }
0xb4: {  	s24 =	spop (v2sf)  }
0xb5: {  	s25 =	sand.u32 $0xFFFFFC00, s24  }
0xb6: {  	(v2sf) =	vpush v1, $0xC;
	s22 =	sand.u32 $0x380, s24;
	s23 =	sadd.s32 s16, s25  }
0xb7: {  	s22 =	sor.u32 s22, s23  }
0xb8: {  	s28 =	spop (v2sf);
	s22 =	sshrl.u32 s22, $0x3  }
0xb9: {  	s26 =	sadd.s32 $0xC80, s20;
	s29 =	sand.u32 $0xFFFFFC00, s28;
	s22 =	sadd.s32 s3, s22  }
0xba: {  	(v2sf) =	vpush v1, $0xD;
	[tilespmem:s26], [sflag:$0x1] =	stream.linear.gather [hbm4b:s22+s2], $0x80, $0x38;
	[tilespmem:$0x14000] =	vst v63  }
0xbb: {  	s23 =	sadd.s32 s16, s29;
	s22 =	sand.u32 $0x380, s28  }
0xbc: {  	s22 =	sor.u32 s22, s23  }
0xbd: {  	s31 =	spop (v2sf);
	s22 =	sshrl.u32 s22, $0x3  }
0xbe: {  	s30 =	sadd.s32 $0xD00, s20;
	s24 =	sand.u32 $0xFFFFFC00, s31;
	s22 =	sadd.s32 s3, s22  }
0xbf: {  	(v2sf) =	vpush v1, $0xE;
	[tilespmem:s30], [sflag:$0x1] =	stream.linear.gather [hbm4b:s22+s2], $0x80, $0x38;
	[tilespmem:$0x14000] =	vst v63  }
0xc0: {  	s23 =	sadd.s32 s16, s24;
	s22 =	sand.u32 $0x380, s31  }
0xc1: {  	s22 =	sor.u32 s22, s23  }
0xc2: {  	s22 =	sshrl.u32 s22, $0x3  }
0xc3: {  	s25 =	sadd.s32 $0xD80, s20;
	s22 =	sadd.s32 s3, s22  }
0xc4: {  	[tilespmem:s25], [sflag:$0x1] =	stream.linear.gather [hbm4b:s22+s2], $0x80, $0x38;
	[tilespmem:$0x14000] =	vst v63  }
0xc5: {  	s26 =	spop (v2sf)  }
0xc6: {  	s28 =	sand.u32 $0xFFFFFC00, s26  }
0xc7: {  	(v2sf) =	vpush v1, $0xF;
	s22 =	sand.u32 $0x380, s26;
	s23 =	sadd.s32 s16, s28  }
0xc8: {  	s22 =	sor.u32 s22, s23  }
0xc9: {  	s30 =	spop (v2sf);
	s22 =	sshrl.u32 s22, $0x3  }
0xca: {  	s29 =	sadd.s32 $0xE00, s20;
	s31 =	sand.u32 $0xFFFFFC00, s30;
	s22 =	sadd.s32 s3, s22  }
0xcb: {  	[tilespmem:s29], [sflag:$0x1] =	stream.linear.gather [hbm4b:s22+s2], $0x80, $0x38;
	[tilespmem:$0x14000] =	vst v63  }
0xcc: {  	s23 =	sadd.s32 s16, s31;
	s22 =	sand.u32 $0x380, s30  }
0xcd: {  	s22 =	sor.u32 s22, s23  }
0xce: {  	s25 =	spop (v2sf);
	s22 =	sshrl.u32 s22, $0x3  }
0xcf: {  	s24 =	sadd.s32 $0xE80, s20;
	s26 =	sand.u32 $0xFFFFFC00, s25;
	s22 =	sadd.s32 s3, s22  }
0xd0: {  	[tilespmem:s24], [sflag:$0x1] =	stream.linear.gather [hbm4b:s22+s2], $0x80, $0x38;
	[tilespmem:$0x14000] =	vst v63  }
0xd1: {  	s23 =	sadd.s32 s16, s26;
	s22 =	sand.u32 $0x380, s25  }
0xd2: {  	s22 =	sor.u32 s22, s23  }
0xd3: {  	s22 =	sshrl.u32 s22, $0x3  }
0xd4: {  	s28 =	sadd.s32 $0xF00, s20;
	s22 =	sadd.s32 s3, s22  }
0xd5: {  	[tilespmem:s28], [sflag:$0x1] =	stream.linear.gather [hbm4b:s22+s2], $0x80, $0x38;
	[tilespmem:$0x14000] =	vst v63  }
0xd6: {  	s29 =	spop (v2sf)  }
0xd7: {  	s30 =	sand.u32 $0xFFFFFC00, s29  }
0xd8: {  	s22 =	sand.u32 $0x380, s29;
	s23 =	sadd.s32 s16, s30  }
0xd9: {  	s22 =	sor.u32 s22, s23  }
0xda: {  	s22 =	sshrl.u32 s22, $0x3  }
0xdb: {  	s31 =	sadd.s32 $0xF80, s20;
	s23 =	sadd.s32 $0xFFFFFFF0, s18;
	s22 =	sadd.s32 s3, s22  }
0xdc: {  	[tilespmem:s31], [sflag:$0x1] =	stream.linear.gather [hbm4b:s22+s2], $0x80, $0x38;
	[tilespmem:$0x14000] =	vst v63  }
0xdd: {  	s22 =	sand.u32 $0x60, s23  }
0xde: {  	s22 =	sadd.s32 s22, s21  }
0xdf: {  	v1 =	vld.idx.msk [tilespmem:v0+s22+$0x0 ss:$0x1], $0xffff;
	_ =	sdelay $0x4  }
0xe0: {  	v1 =	vshll.u32 v1, $0x7  }
0xe1: {  	(v2sf) =	vpush v1, $0x0;
	_ =	sdelay $0x3  }
0xe2: {  	(v2sf) =	vpush v1, $0x1;
	_ =	sdelay $0x4  }
0xe3: {  	(v2sf) =	vpush v1, $0x2;
	_ =	sdelay $0x5  }
0xe4: {  	s24 =	spop (v2sf)  }
0xe5: {  	s25 =	sand.u32 $0xFFFFFC00, s24  }
0xe6: {  	(v2sf) =	vpush v1, $0x3;
	s22 =	sand.u32 $0x380, s24;
	s23 =	sadd.s32 s16, s25  }
0xe7: {  	s22 =	sor.u32 s22, s23  }
0xe8: {  	s28 =	spop (v2sf);
	s22 =	sshrl.u32 s22, $0x3  }
0xe9: {  	s26 =	sadd.s32 $0x1000, s20;
	s29 =	sand.u32 $0xFFFFFC00, s28;
	s22 =	sadd.s32 s3, s22  }
0xea: {  	(v2sf) =	vpush v1, $0x4;
	[tilespmem:s26], [sflag:$0x1] =	stream.linear.gather [hbm4b:s22+s2], $0x80, $0x38;
	[tilespmem:$0x14000] =	vst v63  }
0xeb: {  	s23 =	sadd.s32 s16, s29;
	s22 =	sand.u32 $0x380, s28  }
0xec: {  	s22 =	sor.u32 s22, s23  }
0xed: {  	s31 =	spop (v2sf);
	s22 =	sshrl.u32 s22, $0x3  }
0xee: {  	s30 =	sadd.s32 $0x1080, s20;
	s24 =	sand.u32 $0xFFFFFC00, s31;
	s22 =	sadd.s32 s3, s22  }
0xef: {  	(v2sf) =	vpush v1, $0x5;
	[tilespmem:s30], [sflag:$0x1] =	stream.linear.gather [hbm4b:s22+s2], $0x80, $0x38;
	[tilespmem:$0x14000] =	vst v63  }
0xf0: {  	s23 =	sadd.s32 s16, s24;
	s22 =	sand.u32 $0x380, s31  }
0xf1: {  	s22 =	sor.u32 s22, s23  }
0xf2: {  	s22 =	sshrl.u32 s22, $0x3  }
0xf3: {  	s25 =	sadd.s32 $0x1100, s20;
	s22 =	sadd.s32 s3, s22  }
0xf4: {  	[tilespmem:s25], [sflag:$0x1] =	stream.linear.gather [hbm4b:s22+s2], $0x80, $0x38;
	[tilespmem:$0x14000] =	vst v63  }
0xf5: {  	s26 =	spop (v2sf)  }
0xf6: {  	s28 =	sand.u32 $0xFFFFFC00, s26  }
0xf7: {  	(v2sf) =	vpush v1, $0x6;
	s22 =	sand.u32 $0x380, s26;
	s23 =	sadd.s32 s16, s28  }
0xf8: {  	s22 =	sor.u32 s22, s23  }
0xf9: {  	s30 =	spop (v2sf);
	s22 =	sshrl.u32 s22, $0x3  }
0xfa: {  	s29 =	sadd.s32 $0x1180, s20;
	s31 =	sand.u32 $0xFFFFFC00, s30;
	s22 =	sadd.s32 s3, s22  }
0xfb: {  	(v2sf) =	vpush v1, $0x7;
	[tilespmem:s29], [sflag:$0x1] =	stream.linear.gather [hbm4b:s22+s2], $0x80, $0x38;
	[tilespmem:$0x14000] =	vst v63  }
0xfc: {  	s23 =	sadd.s32 s16, s31;
	s22 =	sand.u32 $0x380, s30  }
0xfd: {  	s22 =	sor.u32 s22, s23  }
0xfe: {  	s25 =	spop (v2sf);
	s22 =	sshrl.u32 s22, $0x3  }
0xff: {  	s24 =	sadd.s32 $0x1200, s20;
	s26 =	sand.u32 $0xFFFFFC00, s25;
	s22 =	sadd.s32 s3, s22  }
0x100: {  	(v2sf) =	vpush v1, $0x8;
	[tilespmem:s24], [sflag:$0x1] =	stream.linear.gather [hbm4b:s22+s2], $0x80, $0x38;
	[tilespmem:$0x14000] =	vst v63  }
0x101: {  	s23 =	sadd.s32 s16, s26;
	s22 =	sand.u32 $0x380, s25  }
0x102: {  	s22 =	sor.u32 s22, s23  }
0x103: {  	s22 =	sshrl.u32 s22, $0x3  }
0x104: {  	s28 =	sadd.s32 $0x1280, s20;
	s22 =	sadd.s32 s3, s22  }
0x105: {  	[tilespmem:s28], [sflag:$0x1] =	stream.linear.gather [hbm4b:s22+s2], $0x80, $0x38;
	[tilespmem:$0x14000] =	vst v63  }
0x106: {  	s29 =	spop (v2sf)  }
0x107: {  	s30 =	sand.u32 $0xFFFFFC00, s29  }
0x108: {  	(v2sf) =	vpush v1, $0x9;
	s22 =	sand.u32 $0x380, s29;
	s23 =	sadd.s32 s16, s30  }
0x109: {  	s22 =	sor.u32 s22, s23  }
0x10a: {  	s24 =	spop (v2sf);
	s22 =	sshrl.u32 s22, $0x3  }
0x10b: {  	s31 =	sadd.s32 $0x1300, s20;
	s25 =	sand.u32 $0xFFFFFC00, s24;
	s22 =	sadd.s32 s3, s22  }
0x10c: {  	(v2sf) =	vpush v1, $0xA;
	[tilespmem:s31], [sflag:$0x1] =	stream.linear.gather [hbm4b:s22+s2], $0x80, $0x38;
	[tilespmem:$0x14000] =	vst v63  }
0x10d: {  	s23 =	sadd.s32 s16, s25;
	s22 =	sand.u32 $0x380, s24  }
0x10e: {  	s22 =	sor.u32 s22, s23  }
0x10f: {  	s28 =	spop (v2sf);
	s22 =	sshrl.u32 s22, $0x3  }
0x110: {  	s26 =	sadd.s32 $0x1380, s20;
	s29 =	sand.u32 $0xFFFFFC00, s28;
	s22 =	sadd.s32 s3, s22  }
0x111: {  	(v2sf) =	vpush v1, $0xB;
	[tilespmem:s26], [sflag:$0x1] =	stream.linear.gather [hbm4b:s22+s2], $0x80, $0x38;
	[tilespmem:$0x14000] =	vst v63  }
0x112: {  	s23 =	sadd.s32 s16, s29;
	s22 =	sand.u32 $0x380, s28  }
0x113: {  	s22 =	sor.u32 s22, s23  }
0x114: {  	s22 =	sshrl.u32 s22, $0x3  }
0x115: {  	s30 =	sadd.s32 $0x1400, s20;
	s22 =	sadd.s32 s3, s22  }
0x116: {  	[tilespmem:s30], [sflag:$0x1] =	stream.linear.gather [hbm4b:s22+s2], $0x80, $0x38;
	[tilespmem:$0x14000] =	vst v63  }
0x117: {  	s31 =	spop (v2sf)  }
0x118: {  	s24 =	sand.u32 $0xFFFFFC00, s31  }
0x119: {  	(v2sf) =	vpush v1, $0xC;
	s22 =	sand.u32 $0x380, s31;
	s23 =	sadd.s32 s16, s24  }
0x11a: {  	s22 =	sor.u32 s22, s23  }
0x11b: {  	s26 =	spop (v2sf);
	s22 =	sshrl.u32 s22, $0x3  }
0x11c: {  	s25 =	sadd.s32 $0x1480, s20;
	s28 =	sand.u32 $0xFFFFFC00, s26;
	s22 =	sadd.s32 s3, s22  }
0x11d: {  	(v2sf) =	vpush v1, $0xD;
	[tilespmem:s25], [sflag:$0x1] =	stream.linear.gather [hbm4b:s22+s2], $0x80, $0x38;
	[tilespmem:$0x14000] =	vst v63  }
0x11e: {  	s23 =	sadd.s32 s16, s28;
	s22 =	sand.u32 $0x380, s26  }
0x11f: {  	s22 =	sor.u32 s22, s23  }
0x120: {  	s30 =	spop (v2sf);
	s22 =	sshrl.u32 s22, $0x3  }
0x121: {  	s29 =	sadd.s32 $0x1500, s20;
	s31 =	sand.u32 $0xFFFFFC00, s30;
	s22 =	sadd.s32 s3, s22  }
0x122: {  	(v2sf) =	vpush v1, $0xE;
	[tilespmem:s29], [sflag:$0x1] =	stream.linear.gather [hbm4b:s22+s2], $0x80, $0x38;
	[tilespmem:$0x14000] =	vst v63  }
0x123: {  	s23 =	sadd.s32 s16, s31;
	s22 =	sand.u32 $0x380, s30  }
0x124: {  	s22 =	sor.u32 s22, s23  }
0x125: {  	s22 =	sshrl.u32 s22, $0x3  }
0x126: {  	s24 =	sadd.s32 $0x1580, s20;
	s22 =	sadd.s32 s3, s22  }
0x127: {  	[tilespmem:s24], [sflag:$0x1] =	stream.linear.gather [hbm4b:s22+s2], $0x80, $0x38;
	[tilespmem:$0x14000] =	vst v63  }
0x128: {  	s25 =	spop (v2sf)  }
0x129: {  	s26 =	sand.u32 $0xFFFFFC00, s25  }
0x12a: {  	(v2sf) =	vpush v1, $0xF;
	s22 =	sand.u32 $0x380, s25;
	s23 =	sadd.s32 s16, s26  }
0x12b: {  	s22 =	sor.u32 s22, s23  }
0x12c: {  	s29 =	spop (v2sf);
	s22 =	sshrl.u32 s22, $0x3  }
0x12d: {  	s28 =	sadd.s32 $0x1600, s20;
	s30 =	sand.u32 $0xFFFFFC00, s29;
	s22 =	sadd.s32 s3, s22  }
0x12e: {  	[tilespmem:s28], [sflag:$0x1] =	stream.linear.gather [hbm4b:s22+s2], $0x80, $0x38;
	[tilespmem:$0x14000] =	vst v63  }
0x12f: {  	s23 =	sadd.s32 s16, s30;
	s22 =	sand.u32 $0x380, s29  }
0x130: {  	s22 =	sor.u32 s22, s23  }
0x131: {  	s24 =	spop (v2sf);
	s22 =	sshrl.u32 s22, $0x3  }
0x132: {  	s31 =	sadd.s32 $0x1680, s20;
	s25 =	sand.u32 $0xFFFFFC00, s24;
	s22 =	sadd.s32 s3, s22  }
0x133: {  	[tilespmem:s31], [sflag:$0x1] =	stream.linear.gather [hbm4b:s22+s2], $0x80, $0x38;
	[tilespmem:$0x14000] =	vst v63  }
0x134: {  	s23 =	sadd.s32 s16, s25;
	s22 =	sand.u32 $0x380, s24  }
0x135: {  	s22 =	sor.u32 s22, s23  }
0x136: {  	s22 =	sshrl.u32 s22, $0x3  }
0x137: {  	s26 =	sadd.s32 $0x1700, s20;
	s22 =	sadd.s32 s3, s22  }
0x138: {  	[tilespmem:s26], [sflag:$0x1] =	stream.linear.gather [hbm4b:s22+s2], $0x80, $0x38;
	[tilespmem:$0x14000] =	vst v63  }
0x139: {  	s28 =	spop (v2sf)  }
0x13a: {  	s29 =	sand.u32 $0xFFFFFC00, s28  }
0x13b: {  	s22 =	sand.u32 $0x380, s28;
	s23 =	sadd.s32 s16, s29  }
0x13c: {  	s22 =	sor.u32 s22, s23  }
0x13d: {  	s31 =	sand.u32 $0x70, s18;
	s22 =	sshrl.u32 s22, $0x3  }
0x13e: {  	s30 =	sadd.s32 $0x1780, s20;
	s21 =	sadd.s32 s31, s21;
	s22 =	sadd.s32 s3, s22  }
0x13f: {  	[tilespmem:s30], [sflag:$0x1] =	stream.linear.gather [hbm4b:s22+s2], $0x80, $0x38;
	[tilespmem:$0x14000] =	vst v63  }
0x140: {  	v1 =	vld.idx.msk [tilespmem:v0+s21+$0x0 ss:$0x1], $0xffff;
	_ =	sdelay $0x4  }
0x141: {  	v1 =	vshll.u32 v1, $0x7  }
0x142: {  	(v2sf) =	vpush v1, $0x0;
	_ =	sdelay $0x3  }
0x143: {  	(v2sf) =	vpush v1, $0x1;
	_ =	sdelay $0x4  }
0x144: {  	(v2sf) =	vpush v1, $0x2;
	_ =	sdelay $0x5  }
0x145: {  	s23 =	spop (v2sf)  }
0x146: {  	s24 =	sand.u32 $0xFFFFFC00, s23  }
0x147: {  	(v2sf) =	vpush v1, $0x3;
	s21 =	sand.u32 $0x380, s23;
	s22 =	sadd.s32 s16, s24  }
0x148: {  	s21 =	sor.u32 s21, s22  }
0x149: {  	s26 =	spop (v2sf);
	s21 =	sshrl.u32 s21, $0x3  }
0x14a: {  	s25 =	sadd.s32 $0x1800, s20;
	s28 =	sand.u32 $0xFFFFFC00, s26;
	s21 =	sadd.s32 s3, s21  }
0x14b: {  	(v2sf) =	vpush v1, $0x4;
	[tilespmem:s25], [sflag:$0x1] =	stream.linear.gather [hbm4b:s21+s2], $0x80, $0x38;
	[tilespmem:$0x14000] =	vst v63  }
0x14c: {  	s22 =	sadd.s32 s16, s28;
	s21 =	sand.u32 $0x380, s26  }
0x14d: {  	s21 =	sor.u32 s21, s22  }
0x14e: {  	s30 =	spop (v2sf);
	s21 =	sshrl.u32 s21, $0x3  }
0x14f: {  	s29 =	sadd.s32 $0x1880, s20;
	s31 =	sand.u32 $0xFFFFFC00, s30;
	s21 =	sadd.s32 s3, s21  }
0x150: {  	(v2sf) =	vpush v1, $0x5;
	[tilespmem:s29], [sflag:$0x1] =	stream.linear.gather [hbm4b:s21+s2], $0x80, $0x38;
	[tilespmem:$0x14000] =	vst v63  }
0x151: {  	s22 =	sadd.s32 s16, s31;
	s21 =	sand.u32 $0x380, s30  }
0x152: {  	s21 =	sor.u32 s21, s22  }
0x153: {  	s21 =	sshrl.u32 s21, $0x3  }
0x154: {  	s23 =	sadd.s32 $0x1900, s20;
	s21 =	sadd.s32 s3, s21  }
0x155: {  	[tilespmem:s23], [sflag:$0x1] =	stream.linear.gather [hbm4b:s21+s2], $0x80, $0x38;
	[tilespmem:$0x14000] =	vst v63  }
0x156: {  	s24 =	spop (v2sf)  }
0x157: {  	s25 =	sand.u32 $0xFFFFFC00, s24  }
0x158: {  	(v2sf) =	vpush v1, $0x6;
	s21 =	sand.u32 $0x380, s24;
	s22 =	sadd.s32 s16, s25  }
0x159: {  	s21 =	sor.u32 s21, s22  }
0x15a: {  	s28 =	spop (v2sf);
	s21 =	sshrl.u32 s21, $0x3  }
0x15b: {  	s26 =	sadd.s32 $0x1980, s20;
	s29 =	sand.u32 $0xFFFFFC00, s28;
	s21 =	sadd.s32 s3, s21  }
0x15c: {  	(v2sf) =	vpush v1, $0x7;
	[tilespmem:s26], [sflag:$0x1] =	stream.linear.gather [hbm4b:s21+s2], $0x80, $0x38;
	[tilespmem:$0x14000] =	vst v63  }
0x15d: {  	s22 =	sadd.s32 s16, s29;
	s21 =	sand.u32 $0x380, s28  }
0x15e: {  	s21 =	sor.u32 s21, s22  }
0x15f: {  	s31 =	spop (v2sf);
	s21 =	sshrl.u32 s21, $0x3  }
0x160: {  	s30 =	sadd.s32 $0x1A00, s20;
	s23 =	sand.u32 $0xFFFFFC00, s31;
	s21 =	sadd.s32 s3, s21  }
0x161: {  	(v2sf) =	vpush v1, $0x8;
	[tilespmem:s30], [sflag:$0x1] =	stream.linear.gather [hbm4b:s21+s2], $0x80, $0x38;
	[tilespmem:$0x14000] =	vst v63  }
0x162: {  	s22 =	sadd.s32 s16, s23;
	s21 =	sand.u32 $0x380, s31  }
0x163: {  	s21 =	sor.u32 s21, s22  }
0x164: {  	s21 =	sshrl.u32 s21, $0x3  }
0x165: {  	s24 =	sadd.s32 $0x1A80, s20;
	s21 =	sadd.s32 s3, s21  }
0x166: {  	[tilespmem:s24], [sflag:$0x1] =	stream.linear.gather [hbm4b:s21+s2], $0x80, $0x38;
	[tilespmem:$0x14000] =	vst v63  }
0x167: {  	s25 =	spop (v2sf)  }
0x168: {  	s26 =	sand.u32 $0xFFFFFC00, s25  }
0x169: {  	(v2sf) =	vpush v1, $0x9;
	s21 =	sand.u32 $0x380, s25;
	s22 =	sadd.s32 s16, s26  }
0x16a: {  	s21 =	sor.u32 s21, s22  }
0x16b: {  	s29 =	spop (v2sf);
	s21 =	sshrl.u32 s21, $0x3  }
0x16c: {  	s28 =	sadd.s32 $0x1B00, s20;
	s30 =	sand.u32 $0xFFFFFC00, s29;
	s21 =	sadd.s32 s3, s21  }
0x16d: {  	(v2sf) =	vpush v1, $0xA;
	[tilespmem:s28], [sflag:$0x1] =	stream.linear.gather [hbm4b:s21+s2], $0x80, $0x38;
	[tilespmem:$0x14000] =	vst v63  }
0x16e: {  	s22 =	sadd.s32 s16, s30;
	s21 =	sand.u32 $0x380, s29  }
0x16f: {  	s21 =	sor.u32 s21, s22  }
0x170: {  	s23 =	spop (v2sf);
	s21 =	sshrl.u32 s21, $0x3  }
0x171: {  	s31 =	sadd.s32 $0x1B80, s20;
	s24 =	sand.u32 $0xFFFFFC00, s23;
	s21 =	sadd.s32 s3, s21  }
0x172: {  	(v2sf) =	vpush v1, $0xB;
	[tilespmem:s31], [sflag:$0x1] =	stream.linear.gather [hbm4b:s21+s2], $0x80, $0x38;
	[tilespmem:$0x14000] =	vst v63  }
0x173: {  	s22 =	sadd.s32 s16, s24;
	s21 =	sand.u32 $0x380, s23  }
0x174: {  	s21 =	sor.u32 s21, s22  }
0x175: {  	s21 =	sshrl.u32 s21, $0x3  }
0x176: {  	s25 =	sadd.s32 $0x1C00, s20;
	s21 =	sadd.s32 s3, s21  }
0x177: {  	[tilespmem:s25], [sflag:$0x1] =	stream.linear.gather [hbm4b:s21+s2], $0x80, $0x38;
	[tilespmem:$0x14000] =	vst v63  }
0x178: {  	s26 =	spop (v2sf)  }
0x179: {  	s28 =	sand.u32 $0xFFFFFC00, s26  }
0x17a: {  	(v2sf) =	vpush v1, $0xC;
	s21 =	sand.u32 $0x380, s26;
	s22 =	sadd.s32 s16, s28  }
0x17b: {  	s21 =	sor.u32 s21, s22  }
0x17c: {  	s30 =	spop (v2sf);
	s21 =	sshrl.u32 s21, $0x3  }
0x17d: {  	s29 =	sadd.s32 $0x1C80, s20;
	s31 =	sand.u32 $0xFFFFFC00, s30;
	s21 =	sadd.s32 s3, s21  }
0x17e: {  	(v2sf) =	vpush v1, $0xD;
	[tilespmem:s29], [sflag:$0x1] =	stream.linear.gather [hbm4b:s21+s2], $0x80, $0x38;
	[tilespmem:$0x14000] =	vst v63  }
0x17f: {  	s22 =	sadd.s32 s16, s31;
	s21 =	sand.u32 $0x380, s30  }
0x180: {  	s21 =	sor.u32 s21, s22  }
0x181: {  	s24 =	spop (v2sf);
	s21 =	sshrl.u32 s21, $0x3  }
0x182: {  	s23 =	sadd.s32 $0x1D00, s20;
	s25 =	sand.u32 $0xFFFFFC00, s24;
	s21 =	sadd.s32 s3, s21  }
0x183: {  	(v2sf) =	vpush v1, $0xE;
	[tilespmem:s23], [sflag:$0x1] =	stream.linear.gather [hbm4b:s21+s2], $0x80, $0x38;
	[tilespmem:$0x14000] =	vst v63  }
0x184: {  	s22 =	sadd.s32 s16, s25;
	s21 =	sand.u32 $0x380, s24  }
0x185: {  	s21 =	sor.u32 s21, s22  }
0x186: {  	s21 =	sshrl.u32 s21, $0x3  }
0x187: {  	s26 =	sadd.s32 $0x1D80, s20;
	s21 =	sadd.s32 s3, s21  }
0x188: {  	[tilespmem:s26], [sflag:$0x1] =	stream.linear.gather [hbm4b:s21+s2], $0x80, $0x38;
	[tilespmem:$0x14000] =	vst v63  }
0x189: {  	s28 =	spop (v2sf)  }
0x18a: {  	s29 =	sand.u32 $0xFFFFFC00, s28  }
0x18b: {  	(v2sf) =	vpush v1, $0xF;
	s21 =	sand.u32 $0x380, s28;
	s22 =	sadd.s32 s16, s29  }
0x18c: {  	s21 =	sor.u32 s21, s22  }
0x18d: {  	s30 =	spop (v2sf);
	s21 =	sshrl.u32 s21, $0x3  }
0x18e: {  	s31 =	sadd.s32 $0x1E00, s20;
	s24 =	sand.u32 $0xFFFFFC00, s30;
	s21 =	sadd.s32 s3, s21  }
0x18f: {  	[tilespmem:s31], [sflag:$0x1] =	stream.linear.gather [hbm4b:s21+s2], $0x80, $0x38;
	[tilespmem:$0x14000] =	vst v63  }
0x190: {  	s22 =	sand.u32 $0x380, s30;
	s21 =	sadd.s32 s16, s24  }
0x191: {  	s21 =	sor.u32 s22, s21  }
0x192: {  	s25 =	spop (v2sf);
	s21 =	sshrl.u32 s21, $0x3  }
0x193: {  	s26 =	sadd.s32 $0x1E80, s20;
	s28 =	sand.u32 $0xFFFFFC00, s25;
	s21 =	sadd.s32 s3, s21  }
0x194: {  	[tilespmem:s26], [sflag:$0x1] =	stream.linear.gather [hbm4b:s21+s2], $0x80, $0x38;
	[tilespmem:$0x14000] =	vst v63  }
0x195: {  	s22 =	sand.u32 $0x380, s25;
	s21 =	sadd.s32 s16, s28  }
0x196: {  	s21 =	sor.u32 s22, s21  }
0x197: {  	s21 =	sshrl.u32 s21, $0x3  }
0x198: {  	s29 =	sadd.s32 $0x1F00, s20;
	s21 =	sadd.s32 s3, s21  }
0x199: {  	[tilespmem:s29], [sflag:$0x1] =	stream.linear.gather [hbm4b:s21+s2], $0x80, $0x38;
	[tilespmem:$0x14000] =	vst v63  }
0x19a: {  	s30 =	spop (v2sf)  }
0x19b: {  	s31 =	sand.u32 $0xFFFFFC00, s30  }
0x19c: {  	s21 =	sand.u32 $0x380, s30;
	s22 =	sadd.s32 s16, s31  }
0x19d: {  	s21 =	sor.u32 s21, s22  }
0x19e: {  	p1 =	seq.s32 s17, $0x0;
	s17 =	sadd.s32 $0x8000, s17;
	s21 =	sshrl.u32 s21, $0x3  }
0x19f: {  	p2 =	sne.s32 s17, $0x20000;
	s20 =	sadd.s32 $0x1F80, s20;
	s21 =	sadd.s32 s3, s21  }
0x1a0: {  	[tilespmem:s20], [sflag:$0x1] =	stream.linear.gather [hbm4b:s21+s2], $0x80, $0x38;
	[tilespmem:$0x14000] =	vst v63  }
.Ltmp0:
0x1a1: {  	_ = 	snop;
	(pc) =	sbr.rel @p2 .LBB2_3-.Ltmp0, $4  }
0x1a2: {  	s20 =	simm.s32 @!p1 $0x1  }
0x1a3: {  	_ =	swait.ge @!p1 [sflag:s20], $0x2000  }
0x1a4: {  	[sflag:s20] =	ssyncset.done @!p1 $0x0  }
0x1a5: {  	s19 =	sadd.s32 $0x200, s19;
	s18 =	sadd.s32 $0x40, s18;
	[sflag:s20] =	ssyncadd.s32 @!p1 $0xFFFFE000  }
0x1a6: {  	s12 =	sadd.s32 $0x1, s12  }
0x1a7: {  	p1 =	sne.s32 s12, $0x34  }
.Ltmp1:
0x1a8: {  	_ = 	snop;
	(pc) =	sbr.rel @p1 .LBB2_2-.Ltmp1, $4  }
0x1a9: {  	_ =	swait.ge [sflag:s8], $0x2000;
	s14 =	sshll.u32 s14, $0xC;
	s13 =	sshll.u32 s13, $0x12  }
0x1aa: {  	p0 =	por !p0, !p0;
	[sflag:s8] =	ssyncset.done $0x0;
	s14 =	sadd.s32 s14, s5  }
0x1ab: {  	s11 =	sadd.s32 $0x800, s11;
	[sflag:s8] =	ssyncadd.s32 $0xFFFFE000;
	s13 =	sadd.s32 s13, s14  }
0x1ac: {  	[hbm4b:s13+s2] =	stream.linear.scatter [tilespmem:s15], [sflag:$0x2], $0x8000, $0x38;
	[tilespmem:$0x14000] =	vst v63  }
0x1ad: {  	s10 =	sadd.s32 $0x1, s10  }
0x1ae: {  	_ =	swait.ge [sflag:s9], $0x8000;
	p0 =	sne.s32 s10, s6  }
.Ltmp2:
0x1af: {  	[sflag:s9] =	ssyncset.done $0x0;
	(pc) =	sbr.rel @p0 .LBB2_1-.Ltmp2, $4  }
0x1b0: {  	[sflag:s9] =	ssyncadd.s32 $0xFFFF8000  }
0x1b1: {  	_ =	swait.ge [sflag:s9], $0x8000  }
0x1b2: {  	[sflag:s9] =	ssyncset.done $0x0  }
0x1b3: {  	[sflag:s9] =	ssyncadd.s32 $0xFFFF8000  }
0x1b4: {  	_ =	sfence.sel $0x180000  }
0x1b5: {  	[bflag:$0x0] =	sbarrier.arrive $0xFFFF  }
0x1b6: {  	p0 =	sne.s32 s1, $0x0;
	_ =	strace $0x90000047  }
0x1b7: {  	s0 =	sadd.s32 @!p0 $0x100000, s0;
	[bflag:$0x2] =	sbarrier.arrive $0xFFFF  }
0x1b8: {  	[sflag:s0] =	ssyncadd.tile.s32 @!p0 $0x1;
	_ =	shalt  }
.Lfunc_end2:
_tile_overlayer_lowered:
.L_overlay_start_2:
0x1b9: {  	(tag) =	ssettag $0x2  }
0x1ba: {  	s0 =	rddreg [dreg:$0x0];
	s2 =	stileid.u32  }
0x1bb: {  	s1 =	rddreg [dreg:$0x1];
	p0 =	sne.s32 s2, $0x0  }
0x1bc: {  	s3 =	rddreg [dreg:$0x2];
	[bflag:$0x3] =	sbarrier.arrive $0xFFFF;
	s2 =	simm.s32 @!p0 $0x1C03  }
0x1bd: {  	[timem:s3], [sflag:s2] =	dma.local @!p0 [hbm:s0], s1  }
0x1be: {  	s0 =	simm.s32 @!p0 $0x3  }
0x1bf: {  	_ =	swait.ge @!p0 [sflag:s0], s1  }
0x1c0: {  	s1 =	ssub.s32 @!p0 $0x0, s1;
	[sflag:s0] =	ssyncset.done @!p0 $0x0  }
0x1c1: {  	[sflag:s0] =	ssyncadd.s32 @!p0 s1  }
0x1c2: {  	[bflag:$0x3] =	sbarrier.arrive $0xFFFF  }
0x1c3: {  	_ =	shalt  }

// kernel: sparse-core-data-format-call.cloned.1.call-start
scs
called_computation_lowered:
.L_overlay_start_0:
0x0: {  	s1 =	sld [smem:$0x3FD9]  }
0x1: {  	s2 =	sld [smem:$0x3FFE];
	_ =	sdelay $0x1  }
0x2: {  	s3 =	srdreg.scid  }
0x3: {  	s0 =	sand.u32 $0x1, s3  }
0x4: {  	s17 =	sshll.u32 s0, $0xA;
	s1 =	sadd.s32 s2, s1  }
0x5: {  	s1 =	sadd.s32 s1, s17  }
0x6: {  	[smem:$0x3FC6] =	sst s1  }
0x7: {  	_ = 	snop  }
0x8: {  	(tm) =	ssettm $0x1  }
0x9: {  	s18 =	sld [smem:$0x3FFB];
	_ =	sdelay $0x3  }
0xa: {  	_ =	strace s18  }
0xb: {  	s1 =	sld [smem:$0x3FFC];
	_ =	sdelay $0x3  }
0xc: {  	_ =	strace s1  }
0xd: {  	s1 =	sld [smem:$0x3FFD];
	_ =	sdelay $0x3  }
0xe: {  	_ =	strace s1  }
0xf: {  	_ =	strace $0x8FFFFFFF  }
0x10: {  	s19 =	sld [smem:$0x3FDB];
	_ =	sdelay $0x1  }
0x11: {  	s20 =	simm.s32 $_scs_section_size  }
0x12: {  	s4 =	simm.s32 $_size__tile_overlayer_lowered;
	s5 =	simm.s32 $_tile_overlayer_lowered  }
0x13: {  	s23 =	simm.s32 $0x1BFF;
	s22 =	sshll.u32 s5, $0x1;
	s1 =	sadd.s32 s20, s19  }
0x14: {  	s6 =	simm.s32 $0x0;
	s21 =	sshll.u32 s4, $0x1;
	s4 =	sadd.s32 s22, s1  }
0x15: {  	[timem:s6], [sflag:s23] =	dma.local [hbm:s4], s21  }
0x16: {  	_ =	swait.ge [sflag:s23], s21  }
0x17: {  	s2 =	ssub.s32 $0x0, s21;
	[sflag:s23] =	ssyncset.done $0x0  }
0x18: {  	[sflag:s23] =	ssyncadd.s32 s2;
	_ =	sdelay $0x1  }
0x19: {  	s24 =	simm.s32 $0x1B8B  }
0x1a: {  	_ =	swait.ge [sflag:s24], $0x1  }
0x1b: {  	[sflag:s24] =	ssyncset.done $0x0  }
0x1c: {  	s26 =	simm.s32 $0x1B8E;
	s25 =	sld [smem:$0x3FFE];
	[sflag:s24] =	ssyncadd.s32 $0xFFFFFFFF  }
0x1d: {  	s27 =	simm.s32 $execute0_lowered;
	[smem:$0x3FD2] =	sst s26  }
0x1e: {  	s4 =	sshll.u32 s27, $0x1;
	_ =	strace $0x80000049;
	[dreg:$0x1] =	wrdreg $0xFFFFFFFF  }
0x1f: {  	s28 =	simm.s32 $_size_execute0_lowered;
	s1 =	sadd.s32 s1, s4;
	[dreg:$0x0] =	wrdreg $0x0  }
0x20: {  	s4 =	sshll.u32 s28, $0x1;
	[dreg:$0x2] =	wrdreg s1  }
0x21: {  	[dreg:$0x3] =	wrdreg s4  }
0x22: {  	[dreg:$0x4] =	wrdreg $0xC0  }
0x23: {  	_ =	task [dreg:s6], $0x5FFFF  }
0x24: {  	[dreg:$0x1] =	wrdreg $0xFFFFFFFF  }
0x25: {  	[dreg:$0x0] =	wrdreg $0x60  }
0x26: {  	[dreg:$0x2] =	wrdreg s25  }
0x27: {  	[dreg:$0x3] =	wrdreg $0x9  }
0x28: {  	_ =	task.clear_ibuf [dreg:s6], $0x4FFFF;
	_ =	strace $0x90000049  }
0x29: {  	s29 =	simm.s32 $0x9;
	_ =	strace $0x8000004B  }
0x2a: {  	_ =	swait.ge [sflag:s29], $0x1  }
0x2b: {  	[sflag:s29] =	ssyncadd.s32 $0xFFFFFFFF  }
0x2c: {  	_ =	strace $0x9000004B  }
0x2d: {  	_ =	sfence  }
0x2e: {  	s30 =	sld [smem:$0x0];
	_ =	sdelay $0x2  }
0x2f: {  	s31 =	sshll.u32 s3, $0xD;
	s3 =	sshrl.u32 s3, $0x2  }
0x30: {  	s2 =	sand.u32 $0x4000, s31;
	s1 =	sadd.s32 s3, s30  }
0x31: {  	s0 =	sor.u32 s2, s0;
	s1 =	sshll.u32 s1, $0x11  }
0x32: {  	s0 =	sor.u32 s1, s0  }
0x33: {  	s0 =	sadd.s32 $0x8F2B, s0  }
0x34: {  	[sflag:s0] =	ssyncadd.remote.s32 $0x1  }
0x35: {  	_ =	sfence.sel $0xFFFF  }
0x36: {  	[dreg:$0x0] =	wrdreg $0xFFFFFFFF;
	(pc) =	sbr.abs _section_cstart, $3  }
0x37: {  	[dreg:$0x1] =	wrdreg $0xFFFFFFFF  }
0x38: {  	_ =	task.clear_ibuf [dreg:s6], $0x2FFFF;
	_ =	strace $0x9FFFFFFF  }
0x39: {  	(tm) =	ssettm $0x7FFFFFFF  }
tec
execute0_lowered:
.L_overlay_start_1:
0x0: {  	(tag) =	ssettag $0x1  }
0x1: {  	s0 =	srdreg.scid  }
0x2: {  	s1 =	sshll.u32 s0, $0x4  }
0x3: {  	s0 =	stileid.u32;
	s1 =	sand.u32 $0x10, s1  }
0x4: {  	s7 =	rddreg [dreg:$0x0];
	s1 =	sor.u32 s0, s1  }
0x5: {  	s4 =	simm.s32 $0x1;
	s8 =	simm.s32 $0x2;
	s2 =	sshll.u32 s1, $0x7  }
0x6: {  	s13 =	simm.s32 $0x0;
	s9 =	simm.s32 $0x20000;
	s3 =	ssub.s32 $0x4000, s2  }
0x7: {  	s14 =	simm.s32 $0x0;
	s11 =	simm.s32 $0x0;
	s31 =	sand.u32 $0xF80, s3  }
0x8: {  	s12 =	simm.s32 $0x0;
	s6 =	sadd.s32 $0xA00, s7;
	p0 =	sne.s32 s31, $0x0  }
.Ltmp0:
0x9: {  	s3 =	sshrl.u32 s3, $0xC;
	s4 =	simm.s32 @!p0 $0x0;
	(pc) =	sbr.rel .LBB1_1-.Ltmp0, $4  }
0xa: {  	s1 =	rddreg [dreg:$0x1];
	_ =	strace $0x8000004A;
	s5 =	sadd.s32 s4, s3  }
0xb: {  	s10 =	smov.u32 s2;
	s4 =	simm.s32 $0x1;
	s5 =	smul.u32 $0xD, s5  }
0xc: {  	p0 =	por $0x0, $0x0;
	s3 =	sadd.s32 $0x27ACE00, s7;
	[sflag:s4] =	ssyncpa.u1 $0x0  }
0xd: {  	s7 =	sadd.s32 $0x27ECE00, s7;
	[sflag:s8] =	ssyncpa.u1 $0x0;
	s8 =	sadd.s32 $0x1, s5  }
.LBB1_7:
0xe: {  	s15 =	sadd.s32 $0x1000, s10  }
0xf: {  	s13 =	sadd.s32 $0x2, s11;
	s17 =	smov.u32 s11;
	p2 =	sgt.s32 s15, $0x3FFF  }
0x10: {  	s17 =	smov.u32 @p2 s13  }
0x11: {  	s15 =	smov.u32 @p2 s2;
	p2 =	sgt.s32 s17, $0x19  }
0x12: {  	s17 =	simm.s32 @p2 $0x0;
	p2 =	sne.s32 s12, s8  }
.Ltmp1:
0x13: {  	p1 =	slt.u32 s12, $0x2;
	(pc) =	sbr.rel @!p2 .LBB1_8-.Ltmp1, $4  }
0x14: {  	s16 =	simm.s32 @!p1 $0x2  }
0x15: {  	s14 =	smov.u32 s11;
	p0 =	por !p0, !p0;
	_ =	swait.ge @!p1 [sflag:s16], $0x4000  }
0x16: {  	s13 =	smov.u32 s10;
	[sflag:s16] =	ssyncset.done @!p1 $0x0;
	s10 =	smov.u32 s15  }
0x17: {  	s12 =	sadd.s32 $0x1, s12;
	[sflag:s16] =	ssyncadd.s32 @!p1 $0xFFFFC000;
	s11 =	smov.u32 s17  }
.LBB1_1:
0x18: {  	p1 =	sge.u32 s12, s5  }
0x19: {  	s15 =	sxor.u32 @!p1 $0xFFFFFFFF, s12;
	s16 =	sshll.u32 @!p1 s11, $0x12  }
0x1a: {  	s17 =	sshll.u32 @!p1 s10, $0x4;
	s19 =	simm.s32 @!p1 $0x40;
	s20 =	simm.s32 @!p1 $0x80  }
0x1b: {  	s15 =	sshll.u32 @!p1 s15, $0xE;
	s17 =	sand.u32 @!p1 $0x3FFF0, s17;
	s18 =	sadd.s32 @!p1 s3, s16  }
0x1c: {  	s16 =	sadd.s32 @!p1 s16, s7;
	s15 =	sand.u32 @!p1 $0x4000, s15;
	s18 =	sadd.s32 @!p1 s17, s18  }
0x1d: {  	[tilespmem:s15], [sflag:$0x1] =	stream.strided.gather @!p1 [hbm4b:s18+s19], $0x2000, s20, s19, $0x38;
	[tilespmem:$0x10100] =	vst v63  }
0x1e: {  	s31 =	sadd.s32 $0xFFFFFFFF, s12;
	s16 =	sadd.s32 @!p1 s17, s16;
	s15 =	sor.u32 @!p1 $0x2000, s15  }
0x1f: {  	[tilespmem:s15], [sflag:$0x1] =	stream.strided.gather @!p1 [hbm4b:s16+s19], $0x2000, s20, s19, $0x38;
	[tilespmem:$0x10100] =	vst v63  }
0x20: {  	p1 =	sge.u32 s31, s5  }
.Ltmp2:
0x21: {  	_ = 	snop;
	(pc) =	sbr.rel @p1 .LBB1_7-.Ltmp2, $1  }
0x22: {  	_ =	sdelay $0x3  }
0x23: {  	s15 =	simm.s32 $0x1;
	s17 =	sand.u32 $0x1, s12  }
0x24: {  	_ =	swait.ge [sflag:s4], $0x4000;
	s15 =	simm.s32 @!p0 $0x0;
	s17 =	smul.u32 $0x10200, s17  }
0x25: {  	p2 =	por $0x1, $0x1;
	[sflag:s4] =	ssyncset.done $0x0;
	s16 =	smul.u32 $0x10200, s15  }
0x26: {  	s18 =	sshll.u32 s15, $0x10;
	[sflag:s4] =	ssyncadd.s32 $0xFFFFC000;
	s30 =	sshrl.u32 s17, $0x2  }
0x27: {  	s31 =	sshrl.u32 s18, $0x2;
	s18 =	simm.s32 $0x0;
	s16 =	sshrl.u32 s16, $0x2  }
0x28: {  	s15 =	sor.u32 $0x8000, s30;
	s17 =	sadd.s32 $0x20, s31;
	s16 =	sor.u32 $0x8000, s16  }
.LBB1_3:
0x29: {  	s19 =	sshll.u32 s18, $0xD  }
0x2a: {  	s19 =	sand.u32 $0x3FFFE000, s19  }
0x2b: {  	s21 =	sadd.s32 s19, s17  }
0x2c: {  	s31 =	smul.u32 $0x8100, s18;
	v3 =	vld [tilespmem:s21+$0x10]  }
0x2d: {  	v1 =	vld [tilespmem:s21+$0xFFFFFFF0]  }
0x2e: {  	s18 =	sshra.s32 s31, $0x2;
	v0 =	vld [tilespmem:s21+$0x0]  }
0x2f: {  	s18 =	sadd.s32 s18, s16;
	v2 =	vld [tilespmem:s21+$0xFFFFFFE0]  }
0x30: {  	s19 =	sadd.s32 $0x0, s18  }
0x31: {  	p1 =	por p2, p2;
	s20 =	simm.s32 $0x4;
	s21 =	sadd.s32 $0x40, s21;
	[tilespmem:s19+$0x1830 ss:$0x81] =	vst.msk $0xffff, v3  }
.LBB1_4:
0x32: {  	v3 =	vld [tilespmem:s21+$0x10];
	p2 =	sne.s32 s20, $0x1FC;
	[tilespmem:s19+$0x810 ss:$0x81] =	vst.msk $0xffff, v1;
	s22 =	smov.u32 s20;
	s20 =	sadd.s32 $0x4, s20  }
.Ltmp3:
0x33: {  	v1 =	vld [tilespmem:s21+$0xFFFFFFF0];
	[tilespmem:s19+$0x1020 ss:$0x81] =	vst.msk $0xffff, v0;
	(pc) =	sbr.rel @p2 .LBB1_4-.Ltmp3, $4  }
0x34: {  	v0 =	vld [tilespmem:s21+$0x0];
	[tilespmem:s19+$0x0 ss:$0x81] =	vst.msk $0xffff, v2  }
0x35: {  	s19 =	sshra.s32 s22, $0x2;
	v2 =	vld [tilespmem:s21+$0xFFFFFFE0]  }
0x36: {  	s19 =	sadd.s32 s19, s18  }
0x37: {  	s21 =	sadd.s32 $0x40, s21;
	[tilespmem:s19+$0x1830 ss:$0x81] =	vst.msk $0xffff, v3  }
.Ltmp4:
0x38: {  	(pc) =	sbr.rel @p1 .LBB1_3-.Ltmp4, $4  }
0x39: {  	_ = 	snop  }
0x3a: {  	[tilespmem:s19+$0x810 ss:$0x81] =	vst.msk $0xffff, v1  }
0x3b: {  	[tilespmem:s19+$0x1020 ss:$0x81] =	vst.msk $0xffff, v0  }
0x3c: {  	s18 =	simm.s32 $0x1;
	p2 =	por $0x0, $0x0;
	[tilespmem:s19+$0x0 ss:$0x81] =	vst.msk $0xffff, v2  }
0x3d: {  	s16 =	sshll.u32 s13, $0x3;
	s17 =	sand.u32 $0x78, s13;
	s14 =	sshll.u32 s14, $0x11  }
.Ltmp5:
0x3e: {  	s30 =	sand.u32 $0x1F800, s13;
	s16 =	sand.u32 $0x3C00, s16;
	(pc) =	sbr.rel .LBB1_7-.Ltmp5, $4  }
0x3f: {  	s31 =	sand.u32 $0x7, s13;
	s14 =	sadd.s32 s6, s14;
	s16 =	sor.u32 s17, s16  }
0x40: {  	s13 =	sshll.u32 s31, $0x12;
	s14 =	sadd.s32 s30, s14;
	s16 =	sshrl.u32 s16, $0x3  }
0x41: {  	s13 =	sor.u32 $0x400, s13;
	s14 =	sadd.s32 s16, s14  }
0x42: {  	[hbm4b:s14+s13] =	stream.strided.scatter [tilespmem:s15], [sflag:$0x2], $0x4000, s9, s13, $0x20;
	[tilespmem:$0x10100] =	vst v63  }
.LBB1_8:
0x43: {  	_ =	sfence.sel $0x180000  }
0x44: {  	s2 =	simm.s32 $0x1;
	[bflag:$0x0] =	sbarrier.arrive $0xFFFF  }
0x45: {  	s31 =	simm.s32 $0x2;
	[sflag:s2] =	ssyncpa.u1 $0x1  }
0x46: {  	[sflag:s31] =	ssyncpa.u1 $0x1  }
0x47: {  	p0 =	sne.s32 s0, $0x0;
	_ =	strace $0x9000004A  }
0x48: {  	s0 =	sadd.s32 @!p0 $0x100000, s1;
	[bflag:$0x2] =	sbarrier.arrive $0xFFFF  }
0x49: {  	[sflag:s0] =	ssyncadd.tile.s32 @!p0 $0x1;
	_ =	shalt  }
.Lfunc_end1:
_tile_overlayer_lowered:
.L_overlay_start_2:
0x4a: {  	(tag) =	ssettag $0x2  }
0x4b: {  	s0 =	rddreg [dreg:$0x0];
	s2 =	stileid.u32  }
0x4c: {  	s1 =	rddreg [dreg:$0x1];
	p0 =	sne.s32 s2, $0x0  }
0x4d: {  	s3 =	rddreg [dreg:$0x2];
	[bflag:$0x3] =	sbarrier.arrive $0xFFFF;
	s2 =	simm.s32 @!p0 $0x1C01  }
0x4e: {  	[timem:s3], [sflag:s2] =	dma.local @!p0 [hbm:s0], s1  }
0x4f: {  	s0 =	simm.s32 @!p0 $0x1  }
0x50: {  	_ =	swait.ge @!p0 [sflag:s0], s1  }
0x51: {  	s1 =	ssub.s32 @!p0 $0x0, s1;
	[sflag:s0] =	ssyncset.done @!p0 $0x0  }
0x52: {  	[sflag:s0] =	ssyncadd.s32 @!p0 s1  }
0x53: {  	[bflag:$0x3] =	sbarrier.arrive $0xFFFF  }
0x54: {  	_ =	shalt  }

</sc_bundles>
